<compile_context>
chip_gen: v7x
topology: tpu7x:2x2x1
jax: 0.10.2.dev20260603
libtpu: 0.0.44.dev20260713+nightly
codegen_flags: <defaults>
</compile_context>

<pallas_src>
import functools

import jax
import jax.numpy as jnp
from jax import lax
from jax.experimental import pallas as pl
from jax.experimental.pallas import tpu as pltpu
from jax.experimental.pallas import tpu_sc as plsc

N_NODES = 10000
F = 128
CH = 128
NC = 2
NS = 16
NW = NC * NS
STRIPE = 624
TAIL = N_NODES - NS * STRIPE


def _mm_body(x_ref, w_ref, o_ref):
    o_ref[...] = jnp.dot(x_ref[...], w_ref[...],
                         preferred_element_type=jnp.float32)


def _matmul(x, w):
    m = x.shape[0]
    bm = 1000
    grid = (m // bm,)
    return pl.pallas_call(
        _mm_body,
        grid=grid,
        in_specs=[
            pl.BlockSpec((bm, F), lambda i: (i, 0)),
            pl.BlockSpec((F, F), lambda i: (0, 0)),
        ],
        out_specs=pl.BlockSpec((bm, F), lambda i: (i, 0)),
        out_shape=jax.ShapeDtypeStruct((m, F), jnp.float32),
    )(x, w)


def _combine_body(p_ref, b_ref, o_ref):
    o_ref[...] = p_ref[0] + p_ref[1] + b_ref[...]


def _combine(parts, bias2d):
    m = parts.shape[1]
    bm = 1000
    grid = (m // bm,)
    return pl.pallas_call(
        _combine_body,
        grid=grid,
        in_specs=[
            pl.BlockSpec((NC, bm, F), lambda i: (0, i, 0)),
            pl.BlockSpec((1, F), lambda i: (0, 0)),
        ],
        out_specs=pl.BlockSpec((bm, F), lambda i: (i, 0)),
        out_shape=jax.ShapeDtypeStruct((m, F), jnp.float32),
    )(parts, bias2d)


def _sc_spmm(support, rows3, cols3, vals3, n_chunks):
    mesh = plsc.VectorSubcoreMesh(core_axis_name="c", subcore_axis_name="s")

    @functools.partial(
        pl.kernel,
        mesh=mesh,
        out_type=jax.ShapeDtypeStruct((NC, N_NODES, F), jnp.float32),
        scratch_types=[
            pltpu.VMEM((n_chunks, CH), jnp.int32),
            pltpu.VMEM((n_chunks, CH), jnp.int32),
            pltpu.VMEM((n_chunks, CH), jnp.float32),
            pltpu.VMEM((CH, F), jnp.float32),
            pltpu.VMEM_SHARED((N_NODES, F), jnp.float32),
            pltpu.SemaphoreType.DMA,
        ],
    )
    def k(support_hbm, rows_hbm, cols_hbm, vals_hbm, out_hbm,
          cols_v, rows_v, vals_v, gbuf, acc, sem):
        c = lax.axis_index("c")
        s = lax.axis_index("s")
        wid = c * NS + s

        pltpu.sync_copy(rows_hbm.at[wid], rows_v)
        pltpu.sync_copy(cols_hbm.at[wid], cols_v)
        pltpu.sync_copy(vals_hbm.at[wid], vals_v)

        zeros16 = jnp.zeros((16,), jnp.float32)

        def zrow(e, carry):
            for j in range(F // 16):
                gbuf[e, pl.ds(j * 16, 16)] = zeros16
            return carry

        lax.fori_loop(0, CH, zrow, 0)
        base = s * STRIPE
        for t in range(STRIPE // CH):
            pltpu.sync_copy(gbuf, acc.at[pl.ds(base + t * CH, CH)])
        rem = STRIPE % CH
        if rem:
            pltpu.sync_copy(gbuf.at[pl.ds(0, rem)],
                            acc.at[pl.ds(base + STRIPE - rem, rem)])

        @pl.when(s == 0)
        def _():
            pltpu.sync_copy(gbuf.at[pl.ds(0, TAIL)],
                            acc.at[pl.ds(NS * STRIPE, TAIL)])

        plsc.subcore_barrier()

        def chunk(kk, carry):
            pltpu.async_copy(support_hbm.at[cols_v.at[kk]], gbuf, sem).wait()

            def scale(g, cc):
                vv = vals_v[kk, pl.ds(g * 16, 16)]
                for lane in range(16):
                    sv = jnp.full((16,), vv[lane], jnp.float32)
                    e = g * 16 + lane
                    for j in range(F // 16):
                        sl = pl.ds(j * 16, 16)
                        gbuf[e, sl] = gbuf[e, sl] * sv
                return cc

            lax.fori_loop(0, CH // 16, scale, 0)
            pltpu.sync_copy(gbuf, acc.at[rows_v.at[kk]], add=True)
            return carry

        lax.fori_loop(0, n_chunks, chunk, 0)
        plsc.subcore_barrier()

        pltpu.sync_copy(acc.at[pl.ds(base, STRIPE)],
                        out_hbm.at[c, pl.ds(base, STRIPE)])

        @pl.when(s == 0)
        def _():
            pltpu.sync_copy(acc.at[pl.ds(NS * STRIPE, TAIL)],
                            out_hbm.at[c, pl.ds(NS * STRIPE, TAIL)])

    return k(support, rows3, cols3, vals3)


def kernel(input, adj_indices, adj_values, weight, bias):
    support = _matmul(input, weight)

    rows = adj_indices[0].astype(jnp.int32)
    cols = adj_indices[1].astype(jnp.int32)
    vals = adj_values.astype(jnp.float32)

    n_edges = vals.shape[0]
    per = -(-n_edges // (NW * CH)) * CH
    n_chunks = per // CH
    e_pad = per * NW
    pad = e_pad - n_edges
    rows = jnp.pad(rows, (0, pad))
    cols = jnp.pad(cols, (0, pad))
    vals = jnp.pad(vals, (0, pad))
    rows3 = rows.reshape(NW, n_chunks, CH)
    cols3 = cols.reshape(NW, n_chunks, CH)
    vals3 = vals.reshape(NW, n_chunks, CH)

    parts = _sc_spmm(support, rows3, cols3, vals3, n_chunks)
    return _combine(parts, bias.reshape(1, F))

# --- scband reference (transcript-rebuilt; emitter-appended) ---
"""Pipeline reference for scband-graph-convolution-48567490183787 (READ-ONLY COPY).

The authoritative reference and input builder live on the scoring server;
editing this copy changes nothing except your own understanding.
"""

import jax, jax.numpy as jnp
import numpy as np

N_NODES = 10000
N_EDGES = 320000
IN_FEATURES = 128
OUT_FEATURES = 128


def setup_inputs(seed: int = 0) -> dict:
    key = jax.random.key(seed)
    k1, k2, k3, k4, k5 = jax.random.split(key, 5)
    inp = jax.random.normal(k1, (N_NODES, IN_FEATURES), dtype=jnp.float32)
    adj_indices = jax.random.randint(k2, (2, N_EDGES), 0, N_NODES, dtype=jnp.int64)
    adj_values = jax.random.uniform(k3, (N_EDGES,), dtype=jnp.float32)
    # Parameters initialized like the torch module: uniform(-stdv, stdv), stdv = 1/sqrt(out_features)
    stdv = 1.0 / np.sqrt(OUT_FEATURES)
    weight = jax.random.uniform(k4, (IN_FEATURES, OUT_FEATURES), dtype=jnp.float32, minval=-stdv, maxval=stdv)
    bias = jax.random.uniform(k5, (OUT_FEATURES,), dtype=jnp.float32, minval=-stdv, maxval=stdv)
    return {"input": inp, "adj_indices": adj_indices, "adj_values": adj_values, "weight": weight, "bias": bias}


def reference(input, adj_indices, adj_values, weight, bias):
    # support = input @ W
    support = jnp.matmul(input, weight)
    # torch.spmm(adj, support) with adj given in COO form (row=dst aggregation target, col=src):
    # out[r] = sum over edges e with adj_indices[0,e]==r of adj_values[e] * support[adj_indices[1,e]]
    rows = adj_indices[0]
    cols = adj_indices[1]
    gathered = jnp.take(support, cols, axis=0) * adj_values[:, None]
    output = jax.ops.segment_sum(gathered, rows, num_segments=N_NODES)
    output = output + bias
    return output

if __name__ == "__main__":
    import jax
    _d = setup_inputs()
    print(jax.jit(kernel)(*tuple(_d.values())))

</pallas_src>

<mosaic_0001>
#map = affine_map<(d0, d1) -> (0, 0)>
#map1 = affine_map<(d0, d1) -> (0, 0, 0)>
module attributes {stable_mosaic.version = 14 : i64} {
  func.func @k(%arg0: i32, %arg1: i32, %arg2: memref<10000x128xf32, #tpu.memory_space<hbm>>, %arg3: memref<32x79x128xi32, #tpu.memory_space<hbm>>, %arg4: memref<32x79x128xi32, #tpu.memory_space<hbm>>, %arg5: memref<32x79x128xf32, #tpu.memory_space<hbm>>, %arg6: memref<2x10000x128xf32, #tpu.memory_space<hbm>>, %arg7: memref<79x128xi32, #tpu.memory_space<vmem>>, %arg8: memref<79x128xi32, #tpu.memory_space<vmem>>, %arg9: memref<79x128xf32, #tpu.memory_space<vmem>>, %arg10: memref<128x128xf32, #tpu.memory_space<vmem>>, %arg11: memref<10000x128xf32, #tpu.memory_space<vmem_shared>>, %arg12: memref<!tpu.dma_semaphore, #tpu.memory_space<semaphore_mem>>) attributes {dimension_semantics = [#tpu.dimension_semantics<core_parallel>, #tpu.dimension_semantics<subcore_parallel>], iteration_bounds = array<i64: 2, 16>, scalar_prefetch = 0 : i64, scratch_operands = 6 : i64, tpu.core_type = #tpu.core_type<sc_vector_subcore>, window_params = [{transform_indices = #map}, {transform_indices = #map1}, {transform_indices = #map1}, {transform_indices = #map1}, {transform_indices = #map1}]} {
    %mul3A = arith.constant 16 : i32
    %mul3A_0 = arith.muli %arg0, %mul3A : i32
    %add3A = arith.addi %mul3A_0, %arg1 : i32
    "tpu.region"() ({
      %run_scoped3A = tpu.sem_alloc : memref<!tpu.dma_semaphore, #tpu.memory_space<semaphore_mem>>
      %dma_start3A = arith.constant 0 : i32
      %dma_start3A_34 = arith.constant 0 : i32
      %dma_start3A_35 = tpu.memref_slice %arg3[%add3A, %dma_start3A, %dma_start3A_34] : memref<32x79x128xi32, #tpu.memory_space<hbm>> -> memref<1x79x128xi32, #tpu.memory_space<hbm>>
      %dma_start3A_36 = tpu.memref_squeeze %dma_start3A_35 : memref<1x79x128xi32, #tpu.memory_space<hbm>> -> memref<79x128xi32, #tpu.memory_space<hbm>>
      %dma_start3A_37 = arith.constant 0 : i32
      %dma_start3A_38 = arith.constant 0 : i32
      %dma_start3A_39 = tpu.memref_slice %arg3[%add3A, %dma_start3A_37, %dma_start3A_38] : memref<32x79x128xi32, #tpu.memory_space<hbm>> -> memref<1x79x128xi32, #tpu.memory_space<hbm>>
      %dma_start3A_40 = tpu.memref_squeeze %dma_start3A_39 : memref<1x79x128xi32, #tpu.memory_space<hbm>> -> memref<79x128xi32, #tpu.memory_space<hbm>>
      tpu.enqueue_dma source(%dma_start3A_40 : memref<79x128xi32, #tpu.memory_space<hbm>>) target(%arg8 : memref<79x128xi32, #tpu.memory_space<vmem>>) target_semaphore(%run_scoped3A : memref<!tpu.dma_semaphore, #tpu.memory_space<semaphore_mem>>)
      %dma_wait3A = arith.constant 0 : i32
      %dma_wait3A_41 = arith.constant 0 : i32
      %dma_wait3A_42 = tpu.memref_slice %arg3[%add3A, %dma_wait3A, %dma_wait3A_41] : memref<32x79x128xi32, #tpu.memory_space<hbm>> -> memref<1x79x128xi32, #tpu.memory_space<hbm>>
      %dma_wait3A_43 = tpu.memref_squeeze %dma_wait3A_42 : memref<1x79x128xi32, #tpu.memory_space<hbm>> -> memref<79x128xi32, #tpu.memory_space<hbm>>
      %dma_wait3A_44 = arith.constant 0 : i32
      %dma_wait3A_45 = arith.constant 0 : i32
      %dma_wait3A_46 = tpu.memref_slice %arg3[%add3A, %dma_wait3A_44, %dma_wait3A_45] : memref<32x79x128xi32, #tpu.memory_space<hbm>> -> memref<1x79x128xi32, #tpu.memory_space<hbm>>
      %dma_wait3A_47 = tpu.memref_squeeze %dma_wait3A_46 : memref<1x79x128xi32, #tpu.memory_space<hbm>> -> memref<79x128xi32, #tpu.memory_space<hbm>>
      tpu.wait_dma2 semaphore(%run_scoped3A : memref<!tpu.dma_semaphore, #tpu.memory_space<semaphore_mem>>) src(%dma_wait3A_47 : memref<79x128xi32, #tpu.memory_space<hbm>>) dst(%arg8 : memref<79x128xi32, #tpu.memory_space<vmem>>)
      tpu.yield
    }) : () -> ()
    "tpu.region"() ({
      %run_scoped3A = tpu.sem_alloc : memref<!tpu.dma_semaphore, #tpu.memory_space<semaphore_mem>>
      %dma_start3A = arith.constant 0 : i32
      %dma_start3A_34 = arith.constant 0 : i32
      %dma_start3A_35 = tpu.memref_slice %arg4[%add3A, %dma_start3A, %dma_start3A_34] : memref<32x79x128xi32, #tpu.memory_space<hbm>> -> memref<1x79x128xi32, #tpu.memory_space<hbm>>
      %dma_start3A_36 = tpu.memref_squeeze %dma_start3A_35 : memref<1x79x128xi32, #tpu.memory_space<hbm>> -> memref<79x128xi32, #tpu.memory_space<hbm>>
      %dma_start3A_37 = arith.constant 0 : i32
      %dma_start3A_38 = arith.constant 0 : i32
      %dma_start3A_39 = tpu.memref_slice %arg4[%add3A, %dma_start3A_37, %dma_start3A_38] : memref<32x79x128xi32, #tpu.memory_space<hbm>> -> memref<1x79x128xi32, #tpu.memory_space<hbm>>
      %dma_start3A_40 = tpu.memref_squeeze %dma_start3A_39 : memref<1x79x128xi32, #tpu.memory_space<hbm>> -> memref<79x128xi32, #tpu.memory_space<hbm>>
      tpu.enqueue_dma source(%dma_start3A_40 : memref<79x128xi32, #tpu.memory_space<hbm>>) target(%arg7 : memref<79x128xi32, #tpu.memory_space<vmem>>) target_semaphore(%run_scoped3A : memref<!tpu.dma_semaphore, #tpu.memory_space<semaphore_mem>>)
      %dma_wait3A = arith.constant 0 : i32
      %dma_wait3A_41 = arith.constant 0 : i32
      %dma_wait3A_42 = tpu.memref_slice %arg4[%add3A, %dma_wait3A, %dma_wait3A_41] : memref<32x79x128xi32, #tpu.memory_space<hbm>> -> memref<1x79x128xi32, #tpu.memory_space<hbm>>
      %dma_wait3A_43 = tpu.memref_squeeze %dma_wait3A_42 : memref<1x79x128xi32, #tpu.memory_space<hbm>> -> memref<79x128xi32, #tpu.memory_space<hbm>>
      %dma_wait3A_44 = arith.constant 0 : i32
      %dma_wait3A_45 = arith.constant 0 : i32
      %dma_wait3A_46 = tpu.memref_slice %arg4[%add3A, %dma_wait3A_44, %dma_wait3A_45] : memref<32x79x128xi32, #tpu.memory_space<hbm>> -> memref<1x79x128xi32, #tpu.memory_space<hbm>>
      %dma_wait3A_47 = tpu.memref_squeeze %dma_wait3A_46 : memref<1x79x128xi32, #tpu.memory_space<hbm>> -> memref<79x128xi32, #tpu.memory_space<hbm>>
      tpu.wait_dma2 semaphore(%run_scoped3A : memref<!tpu.dma_semaphore, #tpu.memory_space<semaphore_mem>>) src(%dma_wait3A_47 : memref<79x128xi32, #tpu.memory_space<hbm>>) dst(%arg7 : memref<79x128xi32, #tpu.memory_space<vmem>>)
      tpu.yield
    }) : () -> ()
    "tpu.region"() ({
      %run_scoped3A = tpu.sem_alloc : memref<!tpu.dma_semaphore, #tpu.memory_space<semaphore_mem>>
      %dma_start3A = arith.constant 0 : i32
      %dma_start3A_34 = arith.constant 0 : i32
      %dma_start3A_35 = tpu.memref_slice %arg5[%add3A, %dma_start3A, %dma_start3A_34] : memref<32x79x128xf32, #tpu.memory_space<hbm>> -> memref<1x79x128xf32, #tpu.memory_space<hbm>>
      %dma_start3A_36 = tpu.memref_squeeze %dma_start3A_35 : memref<1x79x128xf32, #tpu.memory_space<hbm>> -> memref<79x128xf32, #tpu.memory_space<hbm>>
      %dma_start3A_37 = arith.constant 0 : i32
      %dma_start3A_38 = arith.constant 0 : i32
      %dma_start3A_39 = tpu.memref_slice %arg5[%add3A, %dma_start3A_37, %dma_start3A_38] : memref<32x79x128xf32, #tpu.memory_space<hbm>> -> memref<1x79x128xf32, #tpu.memory_space<hbm>>
      %dma_start3A_40 = tpu.memref_squeeze %dma_start3A_39 : memref<1x79x128xf32, #tpu.memory_space<hbm>> -> memref<79x128xf32, #tpu.memory_space<hbm>>
      tpu.enqueue_dma source(%dma_start3A_40 : memref<79x128xf32, #tpu.memory_space<hbm>>) target(%arg9 : memref<79x128xf32, #tpu.memory_space<vmem>>) target_semaphore(%run_scoped3A : memref<!tpu.dma_semaphore, #tpu.memory_space<semaphore_mem>>)
      %dma_wait3A = arith.constant 0 : i32
      %dma_wait3A_41 = arith.constant 0 : i32
      %dma_wait3A_42 = tpu.memref_slice %arg5[%add3A, %dma_wait3A, %dma_wait3A_41] : memref<32x79x128xf32, #tpu.memory_space<hbm>> -> memref<1x79x128xf32, #tpu.memory_space<hbm>>
      %dma_wait3A_43 = tpu.memref_squeeze %dma_wait3A_42 : memref<1x79x128xf32, #tpu.memory_space<hbm>> -> memref<79x128xf32, #tpu.memory_space<hbm>>
      %dma_wait3A_44 = arith.constant 0 : i32
      %dma_wait3A_45 = arith.constant 0 : i32
      %dma_wait3A_46 = tpu.memref_slice %arg5[%add3A, %dma_wait3A_44, %dma_wait3A_45] : memref<32x79x128xf32, #tpu.memory_space<hbm>> -> memref<1x79x128xf32, #tpu.memory_space<hbm>>
      %dma_wait3A_47 = tpu.memref_squeeze %dma_wait3A_46 : memref<1x79x128xf32, #tpu.memory_space<hbm>> -> memref<79x128xf32, #tpu.memory_space<hbm>>
      tpu.wait_dma2 semaphore(%run_scoped3A : memref<!tpu.dma_semaphore, #tpu.memory_space<semaphore_mem>>) src(%dma_wait3A_47 : memref<79x128xf32, #tpu.memory_space<hbm>>) dst(%arg9 : memref<79x128xf32, #tpu.memory_space<vmem>>)
      tpu.yield
    }) : () -> ()
    %broadcast_in_dim3A = arith.constant 0.000000e+00 : f32
    %broadcast_in_dim3A_1 = vector.broadcast %broadcast_in_dim3A : f32 to vector<16xf32>
    %scan3A = arith.constant 0 : i32
    %scan3A_2 = arith.constant 0 : i32
    %scan3A_3 = arith.constant 128 : i32
    %scan3A_4 = arith.addi %scan3A_2, %scan3A_3 : i32
    %scan3A_5 = arith.constant 1 : i32
    scf.for %scan3A_34 = %scan3A_2 to %scan3A_4 step %scan3A_5  : i32 {
      %swap3A = arith.index_cast %scan3A_34 : i32 to index
      %swap3A_35 = arith.constant 0 : index
      %swap3A_36 = tpu.vector_load %arg10[%swap3A, %swap3A_35] {strides = array<i32>} : memref<128x128xf32, #tpu.memory_space<vmem>>, vector<1x16xf32>,
      %swap3A_37 = vector.shape_cast %swap3A_36 : vector<1x16xf32> to vector<16xf32>
      %swap3A_38 = vector.shape_cast %broadcast_in_dim3A_1 : vector<16xf32> to vector<1x16xf32>
      tpu.vector_store %arg10[%swap3A, %swap3A_35], %swap3A_38 {strides = array<i32>} : memref<128x128xf32, #tpu.memory_space<vmem>>, vector<1x16xf32>,
      %swap3A_39 = arith.index_cast %scan3A_34 : i32 to index
      %swap3A_40 = arith.constant 16 : index
      %swap3A_41 = tpu.vector_load %arg10[%swap3A_39, %swap3A_40] {strides = array<i32>} : memref<128x128xf32, #tpu.memory_space<vmem>>, vector<1x16xf32>,
      %swap3A_42 = vector.shape_cast %swap3A_41 : vector<1x16xf32> to vector<16xf32>
      %swap3A_43 = vector.shape_cast %broadcast_in_dim3A_1 : vector<16xf32> to vector<1x16xf32>
      tpu.vector_store %arg10[%swap3A_39, %swap3A_40], %swap3A_43 {strides = array<i32>} : memref<128x128xf32, #tpu.memory_space<vmem>>, vector<1x16xf32>,
      %swap3A_44 = arith.index_cast %scan3A_34 : i32 to index
      %swap3A_45 = arith.constant 32 : index
      %swap3A_46 = tpu.vector_load %arg10[%swap3A_44, %swap3A_45] {strides = array<i32>} : memref<128x128xf32, #tpu.memory_space<vmem>>, vector<1x16xf32>,
      %swap3A_47 = vector.shape_cast %swap3A_46 : vector<1x16xf32> to vector<16xf32>
      %swap3A_48 = vector.shape_cast %broadcast_in_dim3A_1 : vector<16xf32> to vector<1x16xf32>
      tpu.vector_store %arg10[%swap3A_44, %swap3A_45], %swap3A_48 {strides = array<i32>} : memref<128x128xf32, #tpu.memory_space<vmem>>, vector<1x16xf32>,
      %swap3A_49 = arith.index_cast %scan3A_34 : i32 to index
      %swap3A_50 = arith.constant 48 : index
      %swap3A_51 = tpu.vector_load %arg10[%swap3A_49, %swap3A_50] {strides = array<i32>} : memref<128x128xf32, #tpu.memory_space<vmem>>, vector<1x16xf32>,
      %swap3A_52 = vector.shape_cast %swap3A_51 : vector<1x16xf32> to vector<16xf32>
      %swap3A_53 = vector.shape_cast %broadcast_in_dim3A_1 : vector<16xf32> to vector<1x16xf32>
      tpu.vector_store %arg10[%swap3A_49, %swap3A_50], %swap3A_53 {strides = array<i32>} : memref<128x128xf32, #tpu.memory_space<vmem>>, vector<1x16xf32>,
      %swap3A_54 = arith.index_cast %scan3A_34 : i32 to index
      %swap3A_55 = arith.constant 64 : index
      %swap3A_56 = tpu.vector_load %arg10[%swap3A_54, %swap3A_55] {strides = array<i32>} : memref<128x128xf32, #tpu.memory_space<vmem>>, vector<1x16xf32>,
      %swap3A_57 = vector.shape_cast %swap3A_56 : vector<1x16xf32> to vector<16xf32>
      %swap3A_58 = vector.shape_cast %broadcast_in_dim3A_1 : vector<16xf32> to vector<1x16xf32>
      tpu.vector_store %arg10[%swap3A_54, %swap3A_55], %swap3A_58 {strides = array<i32>} : memref<128x128xf32, #tpu.memory_space<vmem>>, vector<1x16xf32>,
      %swap3A_59 = arith.index_cast %scan3A_34 : i32 to index
      %swap3A_60 = arith.constant 80 : index
      %swap3A_61 = tpu.vector_load %arg10[%swap3A_59, %swap3A_60] {strides = array<i32>} : memref<128x128xf32, #tpu.memory_space<vmem>>, vector<1x16xf32>,
      %swap3A_62 = vector.shape_cast %swap3A_61 : vector<1x16xf32> to vector<16xf32>
      %swap3A_63 = vector.shape_cast %broadcast_in_dim3A_1 : vector<16xf32> to vector<1x16xf32>
      tpu.vector_store %arg10[%swap3A_59, %swap3A_60], %swap3A_63 {strides = array<i32>} : memref<128x128xf32, #tpu.memory_space<vmem>>, vector<1x16xf32>,
      %swap3A_64 = arith.index_cast %scan3A_34 : i32 to index
      %swap3A_65 = arith.constant 96 : index
      %swap3A_66 = tpu.vector_load %arg10[%swap3A_64, %swap3A_65] {strides = array<i32>} : memref<128x128xf32, #tpu.memory_space<vmem>>, vector<1x16xf32>,
      %swap3A_67 = vector.shape_cast %swap3A_66 : vector<1x16xf32> to vector<16xf32>
      %swap3A_68 = vector.shape_cast %broadcast_in_dim3A_1 : vector<16xf32> to vector<1x16xf32>
      tpu.vector_store %arg10[%swap3A_64, %swap3A_65], %swap3A_68 {strides = array<i32>} : memref<128x128xf32, #tpu.memory_space<vmem>>, vector<1x16xf32>,
      %swap3A_69 = arith.index_cast %scan3A_34 : i32 to index
      %swap3A_70 = arith.constant 112 : index
      %swap3A_71 = tpu.vector_load %arg10[%swap3A_69, %swap3A_70] {strides = array<i32>} : memref<128x128xf32, #tpu.memory_space<vmem>>, vector<1x16xf32>,
      %swap3A_72 = vector.shape_cast %swap3A_71 : vector<1x16xf32> to vector<16xf32>
      %swap3A_73 = vector.shape_cast %broadcast_in_dim3A_1 : vector<16xf32> to vector<1x16xf32>
      tpu.vector_store %arg10[%swap3A_69, %swap3A_70], %swap3A_73 {strides = array<i32>} : memref<128x128xf32, #tpu.memory_space<vmem>>, vector<1x16xf32>,
    }
    %scan3A_6 = arith.constant 128 : i32
    %mul3A_7 = arith.constant 624 : i32
    %mul3A_8 = arith.muli %arg1, %mul3A_7 : i32
    %add3A_9 = arith.constant 0 : i32
    %add3A_10 = arith.addi %mul3A_8, %add3A_9 : i32
    "tpu.region"() ({
      %run_scoped3A = tpu.sem_alloc : memref<!tpu.dma_semaphore, #tpu.memory_space<semaphore_mem>>
      %dma_start3A = arith.constant 0 : i32
      %dma_start3A_34 = tpu.memref_slice %arg11[%add3A_10, %dma_start3A] : memref<10000x128xf32, #tpu.memory_space<vmem_shared>> -> memref<128x128xf32, #tpu.memory_space<vmem_shared>>
      %dma_start3A_35 = arith.constant 0 : i32
      %dma_start3A_36 = tpu.memref_slice %arg11[%add3A_10, %dma_start3A_35] : memref<10000x128xf32, #tpu.memory_space<vmem_shared>> -> memref<128x128xf32, #tpu.memory_space<vmem_shared>>
      tpu.enqueue_dma source(%arg10 : memref<128x128xf32, #tpu.memory_space<vmem>>) target(%dma_start3A_36 : memref<128x128xf32, #tpu.memory_space<vmem_shared>>) target_semaphore(%run_scoped3A : memref<!tpu.dma_semaphore, #tpu.memory_space<semaphore_mem>>)
      %dma_wait3A = arith.constant 0 : i32
      %dma_wait3A_37 = tpu.memref_slice %arg11[%add3A_10, %dma_wait3A] : memref<10000x128xf32, #tpu.memory_space<vmem_shared>> -> memref<128x128xf32, #tpu.memory_space<vmem_shared>>
      %dma_wait3A_38 = arith.constant 0 : i32
      %dma_wait3A_39 = tpu.memref_slice %arg11[%add3A_10, %dma_wait3A_38] : memref<10000x128xf32, #tpu.memory_space<vmem_shared>> -> memref<128x128xf32, #tpu.memory_space<vmem_shared>>
      tpu.wait_dma2 semaphore(%run_scoped3A : memref<!tpu.dma_semaphore, #tpu.memory_space<semaphore_mem>>) src(%arg10 : memref<128x128xf32, #tpu.memory_space<vmem>>) dst(%dma_wait3A_39 : memref<128x128xf32, #tpu.memory_space<vmem_shared>>)
      tpu.yield
    }) : () -> ()
    %add3A_11 = arith.constant 128 : i32
    %add3A_12 = arith.addi %mul3A_8, %add3A_11 : i32
    "tpu.region"() ({
      %run_scoped3A = tpu.sem_alloc : memref<!tpu.dma_semaphore, #tpu.memory_space<semaphore_mem>>
      %dma_start3A = arith.constant 0 : i32
      %dma_start3A_34 = tpu.memref_slice %arg11[%add3A_12, %dma_start3A] : memref<10000x128xf32, #tpu.memory_space<vmem_shared>> -> memref<128x128xf32, #tpu.memory_space<vmem_shared>>
      %dma_start3A_35 = arith.constant 0 : i32
      %dma_start3A_36 = tpu.memref_slice %arg11[%add3A_12, %dma_start3A_35] : memref<10000x128xf32, #tpu.memory_space<vmem_shared>> -> memref<128x128xf32, #tpu.memory_space<vmem_shared>>
      tpu.enqueue_dma source(%arg10 : memref<128x128xf32, #tpu.memory_space<vmem>>) target(%dma_start3A_36 : memref<128x128xf32, #tpu.memory_space<vmem_shared>>) target_semaphore(%run_scoped3A : memref<!tpu.dma_semaphore, #tpu.memory_space<semaphore_mem>>)
      %dma_wait3A = arith.constant 0 : i32
      %dma_wait3A_37 = tpu.memref_slice %arg11[%add3A_12, %dma_wait3A] : memref<10000x128xf32, #tpu.memory_space<vmem_shared>> -> memref<128x128xf32, #tpu.memory_space<vmem_shared>>
      %dma_wait3A_38 = arith.constant 0 : i32
      %dma_wait3A_39 = tpu.memref_slice %arg11[%add3A_12, %dma_wait3A_38] : memref<10000x128xf32, #tpu.memory_space<vmem_shared>> -> memref<128x128xf32, #tpu.memory_space<vmem_shared>>
      tpu.wait_dma2 semaphore(%run_scoped3A : memref<!tpu.dma_semaphore, #tpu.memory_space<semaphore_mem>>) src(%arg10 : memref<128x128xf32, #tpu.memory_space<vmem>>) dst(%dma_wait3A_39 : memref<128x128xf32, #tpu.memory_space<vmem_shared>>)
      tpu.yield
    }) : () -> ()
    %add3A_13 = arith.constant 256 : i32
    %add3A_14 = arith.addi %mul3A_8, %add3A_13 : i32
    "tpu.region"() ({
      %run_scoped3A = tpu.sem_alloc : memref<!tpu.dma_semaphore, #tpu.memory_space<semaphore_mem>>
      %dma_start3A = arith.constant 0 : i32
      %dma_start3A_34 = tpu.memref_slice %arg11[%add3A_14, %dma_start3A] : memref<10000x128xf32, #tpu.memory_space<vmem_shared>> -> memref<128x128xf32, #tpu.memory_space<vmem_shared>>
      %dma_start3A_35 = arith.constant 0 : i32
      %dma_start3A_36 = tpu.memref_slice %arg11[%add3A_14, %dma_start3A_35] : memref<10000x128xf32, #tpu.memory_space<vmem_shared>> -> memref<128x128xf32, #tpu.memory_space<vmem_shared>>
      tpu.enqueue_dma source(%arg10 : memref<128x128xf32, #tpu.memory_space<vmem>>) target(%dma_start3A_36 : memref<128x128xf32, #tpu.memory_space<vmem_shared>>) target_semaphore(%run_scoped3A : memref<!tpu.dma_semaphore, #tpu.memory_space<semaphore_mem>>)
      %dma_wait3A = arith.constant 0 : i32
      %dma_wait3A_37 = tpu.memref_slice %arg11[%add3A_14, %dma_wait3A] : memref<10000x128xf32, #tpu.memory_space<vmem_shared>> -> memref<128x128xf32, #tpu.memory_space<vmem_shared>>
      %dma_wait3A_38 = arith.constant 0 : i32
      %dma_wait3A_39 = tpu.memref_slice %arg11[%add3A_14, %dma_wait3A_38] : memref<10000x128xf32, #tpu.memory_space<vmem_shared>> -> memref<128x128xf32, #tpu.memory_space<vmem_shared>>
      tpu.wait_dma2 semaphore(%run_scoped3A : memref<!tpu.dma_semaphore, #tpu.memory_space<semaphore_mem>>) src(%arg10 : memref<128x128xf32, #tpu.memory_space<vmem>>) dst(%dma_wait3A_39 : memref<128x128xf32, #tpu.memory_space<vmem_shared>>)
      tpu.yield
    }) : () -> ()
    %add3A_15 = arith.constant 384 : i32
    %add3A_16 = arith.addi %mul3A_8, %add3A_15 : i32
    "tpu.region"() ({
      %run_scoped3A = tpu.sem_alloc : memref<!tpu.dma_semaphore, #tpu.memory_space<semaphore_mem>>
      %dma_start3A = arith.constant 0 : i32
      %dma_start3A_34 = tpu.memref_slice %arg11[%add3A_16, %dma_start3A] : memref<10000x128xf32, #tpu.memory_space<vmem_shared>> -> memref<128x128xf32, #tpu.memory_space<vmem_shared>>
      %dma_start3A_35 = arith.constant 0 : i32
      %dma_start3A_36 = tpu.memref_slice %arg11[%add3A_16, %dma_start3A_35] : memref<10000x128xf32, #tpu.memory_space<vmem_shared>> -> memref<128x128xf32, #tpu.memory_space<vmem_shared>>
      tpu.enqueue_dma source(%arg10 : memref<128x128xf32, #tpu.memory_space<vmem>>) target(%dma_start3A_36 : memref<128x128xf32, #tpu.memory_space<vmem_shared>>) target_semaphore(%run_scoped3A : memref<!tpu.dma_semaphore, #tpu.memory_space<semaphore_mem>>)
      %dma_wait3A = arith.constant 0 : i32
      %dma_wait3A_37 = tpu.memref_slice %arg11[%add3A_16, %dma_wait3A] : memref<10000x128xf32, #tpu.memory_space<vmem_shared>> -> memref<128x128xf32, #tpu.memory_space<vmem_shared>>
      %dma_wait3A_38 = arith.constant 0 : i32
      %dma_wait3A_39 = tpu.memref_slice %arg11[%add3A_16, %dma_wait3A_38] : memref<10000x128xf32, #tpu.memory_space<vmem_shared>> -> memref<128x128xf32, #tpu.memory_space<vmem_shared>>
      tpu.wait_dma2 semaphore(%run_scoped3A : memref<!tpu.dma_semaphore, #tpu.memory_space<semaphore_mem>>) src(%arg10 : memref<128x128xf32, #tpu.memory_space<vmem>>) dst(%dma_wait3A_39 : memref<128x128xf32, #tpu.memory_space<vmem_shared>>)
      tpu.yield
    }) : () -> ()
    %add3A_17 = arith.constant 624 : i32
    %add3A_18 = arith.addi %mul3A_8, %add3A_17 : i32
    %sub3A = arith.constant 112 : i32
    %sub3A_19 = arith.subi %add3A_18, %sub3A : i32
    "tpu.region"() ({
      %run_scoped3A = tpu.sem_alloc : memref<!tpu.dma_semaphore, #tpu.memory_space<semaphore_mem>>
      %dma_start3A = arith.constant 0 : i32
      %dma_start3A_34 = arith.constant 0 : i32
      %dma_start3A_35 = tpu.memref_slice %arg10[%dma_start3A, %dma_start3A_34] : memref<128x128xf32, #tpu.memory_space<vmem>> -> memref<112x128xf32, #tpu.memory_space<vmem>>
      %dma_start3A_36 = arith.constant 0 : i32
      %dma_start3A_37 = tpu.memref_slice %arg11[%sub3A_19, %dma_start3A_36] : memref<10000x128xf32, #tpu.memory_space<vmem_shared>> -> memref<112x128xf32, #tpu.memory_space<vmem_shared>>
      %dma_start3A_38 = arith.constant 0 : i32
      %dma_start3A_39 = tpu.memref_slice %arg11[%sub3A_19, %dma_start3A_38] : memref<10000x128xf32, #tpu.memory_space<vmem_shared>> -> memref<112x128xf32, #tpu.memory_space<vmem_shared>>
      %dma_start3A_40 = arith.constant 0 : i32
      %dma_start3A_41 = arith.constant 0 : i32
      %dma_start3A_42 = tpu.memref_slice %arg10[%dma_start3A_40, %dma_start3A_41] : memref<128x128xf32, #tpu.memory_space<vmem>> -> memref<112x128xf32, #tpu.memory_space<vmem>>
      tpu.enqueue_dma source(%dma_start3A_42 : memref<112x128xf32, #tpu.memory_space<vmem>>) target(%dma_start3A_39 : memref<112x128xf32, #tpu.memory_space<vmem_shared>>) target_semaphore(%run_scoped3A : memref<!tpu.dma_semaphore, #tpu.memory_space<semaphore_mem>>)
      %dma_wait3A = arith.constant 0 : i32
      %dma_wait3A_43 = arith.constant 0 : i32
      %dma_wait3A_44 = tpu.memref_slice %arg10[%dma_wait3A, %dma_wait3A_43] : memref<128x128xf32, #tpu.memory_space<vmem>> -> memref<112x128xf32, #tpu.memory_space<vmem>>
      %dma_wait3A_45 = arith.constant 0 : i32
      %dma_wait3A_46 = tpu.memref_slice %arg11[%sub3A_19, %dma_wait3A_45] : memref<10000x128xf32, #tpu.memory_space<vmem_shared>> -> memref<112x128xf32, #tpu.memory_space<vmem_shared>>
      %dma_wait3A_47 = arith.constant 0 : i32
      %dma_wait3A_48 = tpu.memref_slice %arg11[%sub3A_19, %dma_wait3A_47] : memref<10000x128xf32, #tpu.memory_space<vmem_shared>> -> memref<112x128xf32, #tpu.memory_space<vmem_shared>>
      %dma_wait3A_49 = arith.constant 0 : i32
      %dma_wait3A_50 = arith.constant 0 : i32
      %dma_wait3A_51 = tpu.memref_slice %arg10[%dma_wait3A_49, %dma_wait3A_50] : memref<128x128xf32, #tpu.memory_space<vmem>> -> memref<112x128xf32, #tpu.memory_space<vmem>>
      tpu.wait_dma2 semaphore(%run_scoped3A : memref<!tpu.dma_semaphore, #tpu.memory_space<semaphore_mem>>) src(%dma_wait3A_51 : memref<112x128xf32, #tpu.memory_space<vmem>>) dst(%dma_wait3A_48 : memref<112x128xf32, #tpu.memory_space<vmem_shared>>)
      tpu.yield
    }) : () -> ()
    %eq3A = arith.constant 0 : i32
    %eq3A_20 = arith.cmpi eq, %arg1, %eq3A : i32
    %convert_element_type3A = arith.extui %eq3A_20 : i1 to i32
    %cond3A = arith.constant 0 : i32
    %cond3A_21 = arith.cmpi ne, %convert_element_type3A, %cond3A : i32
    scf.if %cond3A_21 {
      "tpu.region"() ({
        %run_scoped3A = tpu.sem_alloc : memref<!tpu.dma_semaphore, #tpu.memory_space<semaphore_mem>>
        %dma_start3A = arith.constant 0 : i32
        %dma_start3A_34 = arith.constant 0 : i32
        %dma_start3A_35 = tpu.memref_slice %arg10[%dma_start3A, %dma_start3A_34] : memref<128x128xf32, #tpu.memory_space<vmem>> -> memref<16x128xf32, #tpu.memory_space<vmem>>
        %dma_start3A_36 = arith.constant 9984 : i32
        %dma_start3A_37 = arith.constant 0 : i32
        %dma_start3A_38 = tpu.memref_slice %arg11[%dma_start3A_36, %dma_start3A_37] : memref<10000x128xf32, #tpu.memory_space<vmem_shared>> -> memref<16x128xf32, #tpu.memory_space<vmem_shared>>
        %dma_start3A_39 = arith.constant 9984 : i32
        %dma_start3A_40 = arith.constant 0 : i32
        %dma_start3A_41 = tpu.memref_slice %arg11[%dma_start3A_39, %dma_start3A_40] : memref<10000x128xf32, #tpu.memory_space<vmem_shared>> -> memref<16x128xf32, #tpu.memory_space<vmem_shared>>
        %dma_start3A_42 = arith.constant 0 : i32
        %dma_start3A_43 = arith.constant 0 : i32
        %dma_start3A_44 = tpu.memref_slice %arg10[%dma_start3A_42, %dma_start3A_43] : memref<128x128xf32, #tpu.memory_space<vmem>> -> memref<16x128xf32, #tpu.memory_space<vmem>>
        tpu.enqueue_dma source(%dma_start3A_44 : memref<16x128xf32, #tpu.memory_space<vmem>>) target(%dma_start3A_41 : memref<16x128xf32, #tpu.memory_space<vmem_shared>>) target_semaphore(%run_scoped3A : memref<!tpu.dma_semaphore, #tpu.memory_space<semaphore_mem>>)
        %dma_wait3A = arith.constant 0 : i32
        %dma_wait3A_45 = arith.constant 0 : i32
        %dma_wait3A_46 = tpu.memref_slice %arg10[%dma_wait3A, %dma_wait3A_45] : memref<128x128xf32, #tpu.memory_space<vmem>> -> memref<16x128xf32, #tpu.memory_space<vmem>>
        %dma_wait3A_47 = arith.constant 9984 : i32
        %dma_wait3A_48 = arith.constant 0 : i32
        %dma_wait3A_49 = tpu.memref_slice %arg11[%dma_wait3A_47, %dma_wait3A_48] : memref<10000x128xf32, #tpu.memory_space<vmem_shared>> -> memref<16x128xf32, #tpu.memory_space<vmem_shared>>
        %dma_wait3A_50 = arith.constant 9984 : i32
        %dma_wait3A_51 = arith.constant 0 : i32
        %dma_wait3A_52 = tpu.memref_slice %arg11[%dma_wait3A_50, %dma_wait3A_51] : memref<10000x128xf32, #tpu.memory_space<vmem_shared>> -> memref<16x128xf32, #tpu.memory_space<vmem_shared>>
        %dma_wait3A_53 = arith.constant 0 : i32
        %dma_wait3A_54 = arith.constant 0 : i32
        %dma_wait3A_55 = tpu.memref_slice %arg10[%dma_wait3A_53, %dma_wait3A_54] : memref<128x128xf32, #tpu.memory_space<vmem>> -> memref<16x128xf32, #tpu.memory_space<vmem>>
        tpu.wait_dma2 semaphore(%run_scoped3A : memref<!tpu.dma_semaphore, #tpu.memory_space<semaphore_mem>>) src(%dma_wait3A_55 : memref<16x128xf32, #tpu.memory_space<vmem>>) dst(%dma_wait3A_52 : memref<16x128xf32, #tpu.memory_space<vmem_shared>>)
        tpu.yield
      }) : () -> ()
    } else {
    }
    %barrier3A = arith.constant 0 : index
    tpu.barrier barrier_id(%barrier3A)
    %scan3A_22 = arith.constant 0 : i32
    %scan3A_23 = arith.constant 0 : i32
    %scan3A_24 = arith.constant 79 : i32
    %scan3A_25 = arith.addi %scan3A_23, %scan3A_24 : i32
    %scan3A_26 = arith.constant 1 : i32
    scf.for %scan3A_34 = %scan3A_23 to %scan3A_25 step %scan3A_26  : i32 {
      %dma_start3A = arith.constant 0 : i32
      %dma_start3A_35 = tpu.memref_slice %arg7[%scan3A_34, %dma_start3A] : memref<79x128xi32, #tpu.memory_space<vmem>> -> memref<1x128xi32, #tpu.memory_space<vmem>>
      %dma_start3A_36 = tpu.memref_squeeze %dma_start3A_35 : memref<1x128xi32, #tpu.memory_space<vmem>> -> memref<128xi32, #tpu.memory_space<vmem>>
      %dma_start3A_37 = arith.constant 0 : i32
      %dma_start3A_38 = arith.constant 0 : i32
      %dma_start3A_39 = tpu.memref_slice %arg2[%dma_start3A_37, %dma_start3A_38] : memref<10000x128xf32, #tpu.memory_space<hbm>> -> memref<10000x128xf32, #tpu.memory_space<hbm>>
      tpu.enqueue_indirect_dma source(%dma_start3A_39 : memref<10000x128xf32, #tpu.memory_space<hbm>>) target(%arg10 : memref<128x128xf32, #tpu.memory_space<vmem>>) offsets(%dma_start3A_36 : memref<128xi32, #tpu.memory_space<vmem>>) semaphore(%arg12 : memref<!tpu.dma_semaphore, #tpu.memory_space<semaphore_mem>>)
      %dma_wait3A = arith.constant 0 : i32
      %dma_wait3A_40 = tpu.memref_slice %arg7[%scan3A_34, %dma_wait3A] : memref<79x128xi32, #tpu.memory_space<vmem>> -> memref<1x128xi32, #tpu.memory_space<vmem>>
      %dma_wait3A_41 = tpu.memref_squeeze %dma_wait3A_40 : memref<1x128xi32, #tpu.memory_space<vmem>> -> memref<128xi32, #tpu.memory_space<vmem>>
      %dma_wait3A_42 = arith.constant 0 : i32
      %dma_wait3A_43 = arith.constant 0 : i32
      %dma_wait3A_44 = tpu.memref_slice %arg2[%dma_wait3A_42, %dma_wait3A_43] : memref<10000x128xf32, #tpu.memory_space<hbm>> -> memref<10000x128xf32, #tpu.memory_space<hbm>>
      tpu.wait_indirect_dma semaphore(%arg12 : memref<!tpu.dma_semaphore, #tpu.memory_space<semaphore_mem>>) src(%dma_wait3A_44 : memref<10000x128xf32, #tpu.memory_space<hbm>>) dst(%arg10 : memref<128x128xf32, #tpu.memory_space<vmem>>)
      %scan3A_45 = arith.constant 0 : i32
      %scan3A_46 = arith.constant 0 : i32
      %scan3A_47 = arith.constant 8 : i32
      %scan3A_48 = arith.addi %scan3A_46, %scan3A_47 : i32
      %scan3A_49 = arith.constant 1 : i32
      scf.for %scan3A_51 = %scan3A_46 to %scan3A_48 step %scan3A_49  : i32 {
        %mul3A_52 = arith.constant 16 : i32
        %mul3A_53 = arith.muli %scan3A_51, %mul3A_52 : i32
        %get3A = arith.index_cast %scan3A_34 : i32 to index
        %get3A_54 = arith.index_cast %mul3A_53 : i32 to index
        %get3A_55 = tpu.vector_load %arg9[%get3A, %get3A_54] {strides = array<i32>} : memref<79x128xf32, #tpu.memory_space<vmem>>, vector<1x16xf32>,
        %get3A_56 = vector.shape_cast %get3A_55 : vector<1x16xf32> to vector<16xf32>
        %slice3A = vector.extract_strided_slice %get3A_56 {offsets = [0], sizes = [1], strides = [1]} : vector<16xf32> to vector<1xf32>
        %squeeze3A = vector.extract %slice3A[0] : f32 from vector<1xf32>
        %broadcast_in_dim3A_57 = vector.broadcast %squeeze3A : f32 to vector<16xf32>
        %mul3A_58 = arith.constant 16 : i32
        %mul3A_59 = arith.muli %scan3A_51, %mul3A_58 : i32
        %add3A_60 = arith.constant 0 : i32
        %add3A_61 = arith.addi %mul3A_59, %add3A_60 : i32
        %get3A_62 = arith.index_cast %add3A_61 : i32 to index
        %get3A_63 = arith.constant 0 : index
        %get3A_64 = tpu.vector_load %arg10[%get3A_62, %get3A_63] {strides = array<i32>} : memref<128x128xf32, #tpu.memory_space<vmem>>, vector<1x16xf32>,
        %get3A_65 = vector.shape_cast %get3A_64 : vector<1x16xf32> to vector<16xf32>
        %mul3A_66 = arith.mulf %get3A_65, %broadcast_in_dim3A_57 : vector<16xf32>
        %swap3A = arith.index_cast %add3A_61 : i32 to index
        %swap3A_67 = arith.constant 0 : index
        %swap3A_68 = tpu.vector_load %arg10[%swap3A, %swap3A_67] {strides = array<i32>} : memref<128x128xf32, #tpu.memory_space<vmem>>, vector<1x16xf32>,
        %swap3A_69 = vector.shape_cast %swap3A_68 : vector<1x16xf32> to vector<16xf32>
        %swap3A_70 = vector.shape_cast %mul3A_66 : vector<16xf32> to vector<1x16xf32>
        tpu.vector_store %arg10[%swap3A, %swap3A_67], %swap3A_70 {strides = array<i32>} : memref<128x128xf32, #tpu.memory_space<vmem>>, vector<1x16xf32>,
        %get3A_71 = arith.index_cast %add3A_61 : i32 to index
        %get3A_72 = arith.constant 16 : index
        %get3A_73 = tpu.vector_load %arg10[%get3A_71, %get3A_72] {strides = array<i32>} : memref<128x128xf32, #tpu.memory_space<vmem>>, vector<1x16xf32>,
        %get3A_74 = vector.shape_cast %get3A_73 : vector<1x16xf32> to vector<16xf32>
        %mul3A_75 = arith.mulf %get3A_74, %broadcast_in_dim3A_57 : vector<16xf32>
        %swap3A_76 = arith.index_cast %add3A_61 : i32 to index
        %swap3A_77 = arith.constant 16 : index
        %swap3A_78 = tpu.vector_load %arg10[%swap3A_76, %swap3A_77] {strides = array<i32>} : memref<128x128xf32, #tpu.memory_space<vmem>>, vector<1x16xf32>,
        %swap3A_79 = vector.shape_cast %swap3A_78 : vector<1x16xf32> to vector<16xf32>
        %swap3A_80 = vector.shape_cast %mul3A_75 : vector<16xf32> to vector<1x16xf32>
        tpu.vector_store %arg10[%swap3A_76, %swap3A_77], %swap3A_80 {strides = array<i32>} : memref<128x128xf32, #tpu.memory_space<vmem>>, vector<1x16xf32>,
        %get3A_81 = arith.index_cast %add3A_61 : i32 to index
        %get3A_82 = arith.constant 32 : index
        %get3A_83 = tpu.vector_load %arg10[%get3A_81, %get3A_82] {strides = array<i32>} : memref<128x128xf32, #tpu.memory_space<vmem>>, vector<1x16xf32>,
        %get3A_84 = vector.shape_cast %get3A_83 : vector<1x16xf32> to vector<16xf32>
        %mul3A_85 = arith.mulf %get3A_84, %broadcast_in_dim3A_57 : vector<16xf32>
        %swap3A_86 = arith.index_cast %add3A_61 : i32 to index
        %swap3A_87 = arith.constant 32 : index
        %swap3A_88 = tpu.vector_load %arg10[%swap3A_86, %swap3A_87] {strides = array<i32>} : memref<128x128xf32, #tpu.memory_space<vmem>>, vector<1x16xf32>,
        %swap3A_89 = vector.shape_cast %swap3A_88 : vector<1x16xf32> to vector<16xf32>
        %swap3A_90 = vector.shape_cast %mul3A_85 : vector<16xf32> to vector<1x16xf32>
        tpu.vector_store %arg10[%swap3A_86, %swap3A_87], %swap3A_90 {strides = array<i32>} : memref<128x128xf32, #tpu.memory_space<vmem>>, vector<1x16xf32>,
        %get3A_91 = arith.index_cast %add3A_61 : i32 to index
        %get3A_92 = arith.constant 48 : index
        %get3A_93 = tpu.vector_load %arg10[%get3A_91, %get3A_92] {strides = array<i32>} : memref<128x128xf32, #tpu.memory_space<vmem>>, vector<1x16xf32>,
        %get3A_94 = vector.shape_cast %get3A_93 : vector<1x16xf32> to vector<16xf32>
        %mul3A_95 = arith.mulf %get3A_94, %broadcast_in_dim3A_57 : vector<16xf32>
        %swap3A_96 = arith.index_cast %add3A_61 : i32 to index
        %swap3A_97 = arith.constant 48 : index
        %swap3A_98 = tpu.vector_load %arg10[%swap3A_96, %swap3A_97] {strides = array<i32>} : memref<128x128xf32, #tpu.memory_space<vmem>>, vector<1x16xf32>,
        %swap3A_99 = vector.shape_cast %swap3A_98 : vector<1x16xf32> to vector<16xf32>
        %swap3A_100 = vector.shape_cast %mul3A_95 : vector<16xf32> to vector<1x16xf32>
        tpu.vector_store %arg10[%swap3A_96, %swap3A_97], %swap3A_100 {strides = array<i32>} : memref<128x128xf32, #tpu.memory_space<vmem>>, vector<1x16xf32>,
        %get3A_101 = arith.index_cast %add3A_61 : i32 to index
        %get3A_102 = arith.constant 64 : index
        %get3A_103 = tpu.vector_load %arg10[%get3A_101, %get3A_102] {strides = array<i32>} : memref<128x128xf32, #tpu.memory_space<vmem>>, vector<1x16xf32>,
        %get3A_104 = vector.shape_cast %get3A_103 : vector<1x16xf32> to vector<16xf32>
        %mul3A_105 = arith.mulf %get3A_104, %broadcast_in_dim3A_57 : vector<16xf32>
        %swap3A_106 = arith.index_cast %add3A_61 : i32 to index
        %swap3A_107 = arith.constant 64 : index
        %swap3A_108 = tpu.vector_load %arg10[%swap3A_106, %swap3A_107] {strides = array<i32>} : memref<128x128xf32, #tpu.memory_space<vmem>>, vector<1x16xf32>,
        %swap3A_109 = vector.shape_cast %swap3A_108 : vector<1x16xf32> to vector<16xf32>
        %swap3A_110 = vector.shape_cast %mul3A_105 : vector<16xf32> to vector<1x16xf32>
        tpu.vector_store %arg10[%swap3A_106, %swap3A_107], %swap3A_110 {strides = array<i32>} : memref<128x128xf32, #tpu.memory_space<vmem>>, vector<1x16xf32>,
        %get3A_111 = arith.index_cast %add3A_61 : i32 to index
        %get3A_112 = arith.constant 80 : index
        %get3A_113 = tpu.vector_load %arg10[%get3A_111, %get3A_112] {strides = array<i32>} : memref<128x128xf32, #tpu.memory_space<vmem>>, vector<1x16xf32>,
        %get3A_114 = vector.shape_cast %get3A_113 : vector<1x16xf32> to vector<16xf32>
        %mul3A_115 = arith.mulf %get3A_114, %broadcast_in_dim3A_57 : vector<16xf32>
        %swap3A_116 = arith.index_cast %add3A_61 : i32 to index
        %swap3A_117 = arith.constant 80 : index
        %swap3A_118 = tpu.vector_load %arg10[%swap3A_116, %swap3A_117] {strides = array<i32>} : memref<128x128xf32, #tpu.memory_space<vmem>>, vector<1x16xf32>,
        %swap3A_119 = vector.shape_cast %swap3A_118 : vector<1x16xf32> to vector<16xf32>
        %swap3A_120 = vector.shape_cast %mul3A_115 : vector<16xf32> to vector<1x16xf32>
        tpu.vector_store %arg10[%swap3A_116, %swap3A_117], %swap3A_120 {strides = array<i32>} : memref<128x128xf32, #tpu.memory_space<vmem>>, vector<1x16xf32>,
        %get3A_121 = arith.index_cast %add3A_61 : i32 to index
        %get3A_122 = arith.constant 96 : index
        %get3A_123 = tpu.vector_load %arg10[%get3A_121, %get3A_122] {strides = array<i32>} : memref<128x128xf32, #tpu.memory_space<vmem>>, vector<1x16xf32>,
        %get3A_124 = vector.shape_cast %get3A_123 : vector<1x16xf32> to vector<16xf32>
        %mul3A_125 = arith.mulf %get3A_124, %broadcast_in_dim3A_57 : vector<16xf32>
        %swap3A_126 = arith.index_cast %add3A_61 : i32 to index
        %swap3A_127 = arith.constant 96 : index
        %swap3A_128 = tpu.vector_load %arg10[%swap3A_126, %swap3A_127] {strides = array<i32>} : memref<128x128xf32, #tpu.memory_space<vmem>>, vector<1x16xf32>,
        %swap3A_129 = vector.shape_cast %swap3A_128 : vector<1x16xf32> to vector<16xf32>
        %swap3A_130 = vector.shape_cast %mul3A_125 : vector<16xf32> to vector<1x16xf32>
        tpu.vector_store %arg10[%swap3A_126, %swap3A_127], %swap3A_130 {strides = array<i32>} : memref<128x128xf32, #tpu.memory_space<vmem>>, vector<1x16xf32>,
        %get3A_131 = arith.index_cast %add3A_61 : i32 to index
        %get3A_132 = arith.constant 112 : index
        %get3A_133 = tpu.vector_load %arg10[%get3A_131, %get3A_132] {strides = array<i32>} : memref<128x128xf32, #tpu.memory_space<vmem>>, vector<1x16xf32>,
        %get3A_134 = vector.shape_cast %get3A_133 : vector<1x16xf32> to vector<16xf32>
        %mul3A_135 = arith.mulf %get3A_134, %broadcast_in_dim3A_57 : vector<16xf32>
        %swap3A_136 = arith.index_cast %add3A_61 : i32 to index
        %swap3A_137 = arith.constant 112 : index
        %swap3A_138 = tpu.vector_load %arg10[%swap3A_136, %swap3A_137] {strides = array<i32>} : memref<128x128xf32, #tpu.memory_space<vmem>>, vector<1x16xf32>,
        %swap3A_139 = vector.shape_cast %swap3A_138 : vector<1x16xf32> to vector<16xf32>
        %swap3A_140 = vector.shape_cast %mul3A_135 : vector<16xf32> to vector<1x16xf32>
        tpu.vector_store %arg10[%swap3A_136, %swap3A_137], %swap3A_140 {strides = array<i32>} : memref<128x128xf32, #tpu.memory_space<vmem>>, vector<1x16xf32>,
        %slice3A_141 = vector.extract_strided_slice %get3A_56 {offsets = [1], sizes = [1], strides = [1]} : vector<16xf32> to vector<1xf32>
        %squeeze3A_142 = vector.extract %slice3A_141[0] : f32 from vector<1xf32>
        %broadcast_in_dim3A_143 = vector.broadcast %squeeze3A_142 : f32 to vector<16xf32>
        %mul3A_144 = arith.constant 16 : i32
        %mul3A_145 = arith.muli %scan3A_51, %mul3A_144 : i32
        %add3A_146 = arith.constant 1 : i32
        %add3A_147 = arith.addi %mul3A_145, %add3A_146 : i32
        %get3A_148 = arith.index_cast %add3A_147 : i32 to index
        %get3A_149 = arith.constant 0 : index
        %get3A_150 = tpu.vector_load %arg10[%get3A_148, %get3A_149] {strides = array<i32>} : memref<128x128xf32, #tpu.memory_space<vmem>>, vector<1x16xf32>,
        %get3A_151 = vector.shape_cast %get3A_150 : vector<1x16xf32> to vector<16xf32>
        %mul3A_152 = arith.mulf %get3A_151, %broadcast_in_dim3A_143 : vector<16xf32>
        %swap3A_153 = arith.index_cast %add3A_147 : i32 to index
        %swap3A_154 = arith.constant 0 : index
        %swap3A_155 = tpu.vector_load %arg10[%swap3A_153, %swap3A_154] {strides = array<i32>} : memref<128x128xf32, #tpu.memory_space<vmem>>, vector<1x16xf32>,
        %swap3A_156 = vector.shape_cast %swap3A_155 : vector<1x16xf32> to vector<16xf32>
        %swap3A_157 = vector.shape_cast %mul3A_152 : vector<16xf32> to vector<1x16xf32>
        tpu.vector_store %arg10[%swap3A_153, %swap3A_154], %swap3A_157 {strides = array<i32>} : memref<128x128xf32, #tpu.memory_space<vmem>>, vector<1x16xf32>,
        %get3A_158 = arith.index_cast %add3A_147 : i32 to index
        %get3A_159 = arith.constant 16 : index
        %get3A_160 = tpu.vector_load %arg10[%get3A_158, %get3A_159] {strides = array<i32>} : memref<128x128xf32, #tpu.memory_space<vmem>>, vector<1x16xf32>,
        %get3A_161 = vector.shape_cast %get3A_160 : vector<1x16xf32> to vector<16xf32>
        %mul3A_162 = arith.mulf %get3A_161, %broadcast_in_dim3A_143 : vector<16xf32>
        %swap3A_163 = arith.index_cast %add3A_147 : i32 to index
        %swap3A_164 = arith.constant 16 : index
        %swap3A_165 = tpu.vector_load %arg10[%swap3A_163, %swap3A_164] {strides = array<i32>} : memref<128x128xf32, #tpu.memory_space<vmem>>, vector<1x16xf32>,
        %swap3A_166 = vector.shape_cast %swap3A_165 : vector<1x16xf32> to vector<16xf32>
        %swap3A_167 = vector.shape_cast %mul3A_162 : vector<16xf32> to vector<1x16xf32>
        tpu.vector_store %arg10[%swap3A_163, %swap3A_164], %swap3A_167 {strides = array<i32>} : memref<128x128xf32, #tpu.memory_space<vmem>>, vector<1x16xf32>,
        %get3A_168 = arith.index_cast %add3A_147 : i32 to index
        %get3A_169 = arith.constant 32 : index
        %get3A_170 = tpu.vector_load %arg10[%get3A_168, %get3A_169] {strides = array<i32>} : memref<128x128xf32, #tpu.memory_space<vmem>>, vector<1x16xf32>,
        %get3A_171 = vector.shape_cast %get3A_170 : vector<1x16xf32> to vector<16xf32>
        %mul3A_172 = arith.mulf %get3A_171, %broadcast_in_dim3A_143 : vector<16xf32>
        %swap3A_173 = arith.index_cast %add3A_147 : i32 to index
        %swap3A_174 = arith.constant 32 : index
        %swap3A_175 = tpu.vector_load %arg10[%swap3A_173, %swap3A_174] {strides = array<i32>} : memref<128x128xf32, #tpu.memory_space<vmem>>, vector<1x16xf32>,
        %swap3A_176 = vector.shape_cast %swap3A_175 : vector<1x16xf32> to vector<16xf32>
        %swap3A_177 = vector.shape_cast %mul3A_172 : vector<16xf32> to vector<1x16xf32>
        tpu.vector_store %arg10[%swap3A_173, %swap3A_174], %swap3A_177 {strides = array<i32>} : memref<128x128xf32, #tpu.memory_space<vmem>>, vector<1x16xf32>,
        %get3A_178 = arith.index_cast %add3A_147 : i32 to index
        %get3A_179 = arith.constant 48 : index
        %get3A_180 = tpu.vector_load %arg10[%get3A_178, %get3A_179] {strides = array<i32>} : memref<128x128xf32, #tpu.memory_space<vmem>>, vector<1x16xf32>,
        %get3A_181 = vector.shape_cast %get3A_180 : vector<1x16xf32> to vector<16xf32>
        %mul3A_182 = arith.mulf %get3A_181, %broadcast_in_dim3A_143 : vector<16xf32>
        %swap3A_183 = arith.index_cast %add3A_147 : i32 to index
        %swap3A_184 = arith.constant 48 : index
        %swap3A_185 = tpu.vector_load %arg10[%swap3A_183, %swap3A_184] {strides = array<i32>} : memref<128x128xf32, #tpu.memory_space<vmem>>, vector<1x16xf32>,
        %swap3A_186 = vector.shape_cast %swap3A_185 : vector<1x16xf32> to vector<16xf32>
        %swap3A_187 = vector.shape_cast %mul3A_182 : vector<16xf32> to vector<1x16xf32>
        tpu.vector_store %arg10[%swap3A_183, %swap3A_184], %swap3A_187 {strides = array<i32>} : memref<128x128xf32, #tpu.memory_space<vmem>>, vector<1x16xf32>,
        %get3A_188 = arith.index_cast %add3A_147 : i32 to index
        %get3A_189 = arith.constant 64 : index
        %get3A_190 = tpu.vector_load %arg10[%get3A_188, %get3A_189] {strides = array<i32>} : memref<128x128xf32, #tpu.memory_space<vmem>>, vector<1x16xf32>,
        %get3A_191 = vector.shape_cast %get3A_190 : vector<1x16xf32> to vector<16xf32>
        %mul3A_192 = arith.mulf %get3A_191, %broadcast_in_dim3A_143 : vector<16xf32>
        %swap3A_193 = arith.index_cast %add3A_147 : i32 to index
        %swap3A_194 = arith.constant 64 : index
        %swap3A_195 = tpu.vector_load %arg10[%swap3A_193, %swap3A_194] {strides = array<i32>} : memref<128x128xf32, #tpu.memory_space<vmem>>, vector<1x16xf32>,
        %swap3A_196 = vector.shape_cast %swap3A_195 : vector<1x16xf32> to vector<16xf32>
        %swap3A_197 = vector.shape_cast %mul3A_192 : vector<16xf32> to vector<1x16xf32>
        tpu.vector_store %arg10[%swap3A_193, %swap3A_194], %swap3A_197 {strides = array<i32>} : memref<128x128xf32, #tpu.memory_space<vmem>>, vector<1x16xf32>,
        %get3A_198 = arith.index_cast %add3A_147 : i32 to index
        %get3A_199 = arith.constant 80 : index
        %get3A_200 = tpu.vector_load %arg10[%get3A_198, %get3A_199] {strides = array<i32>} : memref<128x128xf32, #tpu.memory_space<vmem>>, vector<1x16xf32>,
        %get3A_201 = vector.shape_cast %get3A_200 : vector<1x16xf32> to vector<16xf32>
        %mul3A_202 = arith.mulf %get3A_201, %broadcast_in_dim3A_143 : vector<16xf32>
        %swap3A_203 = arith.index_cast %add3A_147 : i32 to index
        %swap3A_204 = arith.constant 80 : index
        %swap3A_205 = tpu.vector_load %arg10[%swap3A_203, %swap3A_204] {strides = array<i32>} : memref<128x128xf32, #tpu.memory_space<vmem>>, vector<1x16xf32>,
        %swap3A_206 = vector.shape_cast %swap3A_205 : vector<1x16xf32> to vector<16xf32>
        %swap3A_207 = vector.shape_cast %mul3A_202 : vector<16xf32> to vector<1x16xf32>
        tpu.vector_store %arg10[%swap3A_203, %swap3A_204], %swap3A_207 {strides = array<i32>} : memref<128x128xf32, #tpu.memory_space<vmem>>, vector<1x16xf32>,
        %get3A_208 = arith.index_cast %add3A_147 : i32 to index
        %get3A_209 = arith.constant 96 : index
        %get3A_210 = tpu.vector_load %arg10[%get3A_208, %get3A_209] {strides = array<i32>} : memref<128x128xf32, #tpu.memory_space<vmem>>, vector<1x16xf32>,
        %get3A_211 = vector.shape_cast %get3A_210 : vector<1x16xf32> to vector<16xf32>
        %mul3A_212 = arith.mulf %get3A_211, %broadcast_in_dim3A_143 : vector<16xf32>
        %swap3A_213 = arith.index_cast %add3A_147 : i32 to index
        %swap3A_214 = arith.constant 96 : index
        %swap3A_215 = tpu.vector_load %arg10[%swap3A_213, %swap3A_214] {strides = array<i32>} : memref<128x128xf32, #tpu.memory_space<vmem>>, vector<1x16xf32>,
        %swap3A_216 = vector.shape_cast %swap3A_215 : vector<1x16xf32> to vector<16xf32>
        %swap3A_217 = vector.shape_cast %mul3A_212 : vector<16xf32> to vector<1x16xf32>
        tpu.vector_store %arg10[%swap3A_213, %swap3A_214], %swap3A_217 {strides = array<i32>} : memref<128x128xf32, #tpu.memory_space<vmem>>, vector<1x16xf32>,
        %get3A_218 = arith.index_cast %add3A_147 : i32 to index
        %get3A_219 = arith.constant 112 : index
        %get3A_220 = tpu.vector_load %arg10[%get3A_218, %get3A_219] {strides = array<i32>} : memref<128x128xf32, #tpu.memory_space<vmem>>, vector<1x16xf32>,
        %get3A_221 = vector.shape_cast %get3A_220 : vector<1x16xf32> to vector<16xf32>
        %mul3A_222 = arith.mulf %get3A_221, %broadcast_in_dim3A_143 : vector<16xf32>
        %swap3A_223 = arith.index_cast %add3A_147 : i32 to index
        %swap3A_224 = arith.constant 112 : index
        %swap3A_225 = tpu.vector_load %arg10[%swap3A_223, %swap3A_224] {strides = array<i32>} : memref<128x128xf32, #tpu.memory_space<vmem>>, vector<1x16xf32>,
        %swap3A_226 = vector.shape_cast %swap3A_225 : vector<1x16xf32> to vector<16xf32>
        %swap3A_227 = vector.shape_cast %mul3A_222 : vector<16xf32> to vector<1x16xf32>
        tpu.vector_store %arg10[%swap3A_223, %swap3A_224], %swap3A_227 {strides = array<i32>} : memref<128x128xf32, #tpu.memory_space<vmem>>, vector<1x16xf32>,
        %slice3A_228 = vector.extract_strided_slice %get3A_56 {offsets = [2], sizes = [1], strides = [1]} : vector<16xf32> to vector<1xf32>
        %squeeze3A_229 = vector.extract %slice3A_228[0] : f32 from vector<1xf32>
        %broadcast_in_dim3A_230 = vector.broadcast %squeeze3A_229 : f32 to vector<16xf32>
        %mul3A_231 = arith.constant 16 : i32
        %mul3A_232 = arith.muli %scan3A_51, %mul3A_231 : i32
        %add3A_233 = arith.constant 2 : i32
        %add3A_234 = arith.addi %mul3A_232, %add3A_233 : i32
        %get3A_235 = arith.index_cast %add3A_234 : i32 to index
        %get3A_236 = arith.constant 0 : index
        %get3A_237 = tpu.vector_load %arg10[%get3A_235, %get3A_236] {strides = array<i32>} : memref<128x128xf32, #tpu.memory_space<vmem>>, vector<1x16xf32>,
        %get3A_238 = vector.shape_cast %get3A_237 : vector<1x16xf32> to vector<16xf32>
        %mul3A_239 = arith.mulf %get3A_238, %broadcast_in_dim3A_230 : vector<16xf32>
        %swap3A_240 = arith.index_cast %add3A_234 : i32 to index
        %swap3A_241 = arith.constant 0 : index
        %swap3A_242 = tpu.vector_load %arg10[%swap3A_240, %swap3A_241] {strides = array<i32>} : memref<128x128xf32, #tpu.memory_space<vmem>>, vector<1x16xf32>,
        %swap3A_243 = vector.shape_cast %swap3A_242 : vector<1x16xf32> to vector<16xf32>
        %swap3A_244 = vector.shape_cast %mul3A_239 : vector<16xf32> to vector<1x16xf32>
        tpu.vector_store %arg10[%swap3A_240, %swap3A_241], %swap3A_244 {strides = array<i32>} : memref<128x128xf32, #tpu.memory_space<vmem>>, vector<1x16xf32>,
        %get3A_245 = arith.index_cast %add3A_234 : i32 to index
        %get3A_246 = arith.constant 16 : index
        %get3A_247 = tpu.vector_load %arg10[%get3A_245, %get3A_246] {strides = array<i32>} : memref<128x128xf32, #tpu.memory_space<vmem>>, vector<1x16xf32>,
        %get3A_248 = vector.shape_cast %get3A_247 : vector<1x16xf32> to vector<16xf32>
        %mul3A_249 = arith.mulf %get3A_248, %broadcast_in_dim3A_230 : vector<16xf32>
        %swap3A_250 = arith.index_cast %add3A_234 : i32 to index
        %swap3A_251 = arith.constant 16 : index
        %swap3A_252 = tpu.vector_load %arg10[%swap3A_250, %swap3A_251] {strides = array<i32>} : memref<128x128xf32, #tpu.memory_space<vmem>>, vector<1x16xf32>,
        %swap3A_253 = vector.shape_cast %swap3A_252 : vector<1x16xf32> to vector<16xf32>
        %swap3A_254 = vector.shape_cast %mul3A_249 : vector<16xf32> to vector<1x16xf32>
        tpu.vector_store %arg10[%swap3A_250, %swap3A_251], %swap3A_254 {strides = array<i32>} : memref<128x128xf32, #tpu.memory_space<vmem>>, vector<1x16xf32>,
        %get3A_255 = arith.index_cast %add3A_234 : i32 to index
        %get3A_256 = arith.constant 32 : index
        %get3A_257 = tpu.vector_load %arg10[%get3A_255, %get3A_256] {strides = array<i32>} : memref<128x128xf32, #tpu.memory_space<vmem>>, vector<1x16xf32>,
        %get3A_258 = vector.shape_cast %get3A_257 : vector<1x16xf32> to vector<16xf32>
        %mul3A_259 = arith.mulf %get3A_258, %broadcast_in_dim3A_230 : vector<16xf32>
        %swap3A_260 = arith.index_cast %add3A_234 : i32 to index
        %swap3A_261 = arith.constant 32 : index
        %swap3A_262 = tpu.vector_load %arg10[%swap3A_260, %swap3A_261] {strides = array<i32>} : memref<128x128xf32, #tpu.memory_space<vmem>>, vector<1x16xf32>,
        %swap3A_263 = vector.shape_cast %swap3A_262 : vector<1x16xf32> to vector<16xf32>
        %swap3A_264 = vector.shape_cast %mul3A_259 : vector<16xf32> to vector<1x16xf32>
        tpu.vector_store %arg10[%swap3A_260, %swap3A_261], %swap3A_264 {strides = array<i32>} : memref<128x128xf32, #tpu.memory_space<vmem>>, vector<1x16xf32>,
        %get3A_265 = arith.index_cast %add3A_234 : i32 to index
        %get3A_266 = arith.constant 48 : index
        %get3A_267 = tpu.vector_load %arg10[%get3A_265, %get3A_266] {strides = array<i32>} : memref<128x128xf32, #tpu.memory_space<vmem>>, vector<1x16xf32>,
        %get3A_268 = vector.shape_cast %get3A_267 : vector<1x16xf32> to vector<16xf32>
        %mul3A_269 = arith.mulf %get3A_268, %broadcast_in_dim3A_230 : vector<16xf32>
        %swap3A_270 = arith.index_cast %add3A_234 : i32 to index
        %swap3A_271 = arith.constant 48 : index
        %swap3A_272 = tpu.vector_load %arg10[%swap3A_270, %swap3A_271] {strides = array<i32>} : memref<128x128xf32, #tpu.memory_space<vmem>>, vector<1x16xf32>,
        %swap3A_273 = vector.shape_cast %swap3A_272 : vector<1x16xf32> to vector<16xf32>
        %swap3A_274 = vector.shape_cast %mul3A_269 : vector<16xf32> to vector<1x16xf32>
        tpu.vector_store %arg10[%swap3A_270, %swap3A_271], %swap3A_274 {strides = array<i32>} : memref<128x128xf32, #tpu.memory_space<vmem>>, vector<1x16xf32>,
        %get3A_275 = arith.index_cast %add3A_234 : i32 to index
        %get3A_276 = arith.constant 64 : index
        %get3A_277 = tpu.vector_load %arg10[%get3A_275, %get3A_276] {strides = array<i32>} : memref<128x128xf32, #tpu.memory_space<vmem>>, vector<1x16xf32>,
        %get3A_278 = vector.shape_cast %get3A_277 : vector<1x16xf32> to vector<16xf32>
        %mul3A_279 = arith.mulf %get3A_278, %broadcast_in_dim3A_230 : vector<16xf32>
        %swap3A_280 = arith.index_cast %add3A_234 : i32 to index
        %swap3A_281 = arith.constant 64 : index
        %swap3A_282 = tpu.vector_load %arg10[%swap3A_280, %swap3A_281] {strides = array<i32>} : memref<128x128xf32, #tpu.memory_space<vmem>>, vector<1x16xf32>,
        %swap3A_283 = vector.shape_cast %swap3A_282 : vector<1x16xf32> to vector<16xf32>
        %swap3A_284 = vector.shape_cast %mul3A_279 : vector<16xf32> to vector<1x16xf32>
        tpu.vector_store %arg10[%swap3A_280, %swap3A_281], %swap3A_284 {strides = array<i32>} : memref<128x128xf32, #tpu.memory_space<vmem>>, vector<1x16xf32>,
        %get3A_285 = arith.index_cast %add3A_234 : i32 to index
        %get3A_286 = arith.constant 80 : index
        %get3A_287 = tpu.vector_load %arg10[%get3A_285, %get3A_286] {strides = array<i32>} : memref<128x128xf32, #tpu.memory_space<vmem>>, vector<1x16xf32>,
        %get3A_288 = vector.shape_cast %get3A_287 : vector<1x16xf32> to vector<16xf32>
        %mul3A_289 = arith.mulf %get3A_288, %broadcast_in_dim3A_230 : vector<16xf32>
        %swap3A_290 = arith.index_cast %add3A_234 : i32 to index
        %swap3A_291 = arith.constant 80 : index
        %swap3A_292 = tpu.vector_load %arg10[%swap3A_290, %swap3A_291] {strides = array<i32>} : memref<128x128xf32, #tpu.memory_space<vmem>>, vector<1x16xf32>,
        %swap3A_293 = vector.shape_cast %swap3A_292 : vector<1x16xf32> to vector<16xf32>
        %swap3A_294 = vector.shape_cast %mul3A_289 : vector<16xf32> to vector<1x16xf32>
        tpu.vector_store %arg10[%swap3A_290, %swap3A_291], %swap3A_294 {strides = array<i32>} : memref<128x128xf32, #tpu.memory_space<vmem>>, vector<1x16xf32>,
        %get3A_295 = arith.index_cast %add3A_234 : i32 to index
        %get3A_296 = arith.constant 96 : index
        %get3A_297 = tpu.vector_load %arg10[%get3A_295, %get3A_296] {strides = array<i32>} : memref<128x128xf32, #tpu.memory_space<vmem>>, vector<1x16xf32>,
        %get3A_298 = vector.shape_cast %get3A_297 : vector<1x16xf32> to vector<16xf32>
        %mul3A_299 = arith.mulf %get3A_298, %broadcast_in_dim3A_230 : vector<16xf32>
        %swap3A_300 = arith.index_cast %add3A_234 : i32 to index
        %swap3A_301 = arith.constant 96 : index
        %swap3A_302 = tpu.vector_load %arg10[%swap3A_300, %swap3A_301] {strides = array<i32>} : memref<128x128xf32, #tpu.memory_space<vmem>>, vector<1x16xf32>,
        %swap3A_303 = vector.shape_cast %swap3A_302 : vector<1x16xf32> to vector<16xf32>
        %swap3A_304 = vector.shape_cast %mul3A_299 : vector<16xf32> to vector<1x16xf32>
        tpu.vector_store %arg10[%swap3A_300, %swap3A_301], %swap3A_304 {strides = array<i32>} : memref<128x128xf32, #tpu.memory_space<vmem>>, vector<1x16xf32>,
        %get3A_305 = arith.index_cast %add3A_234 : i32 to index
        %get3A_306 = arith.constant 112 : index
        %get3A_307 = tpu.vector_load %arg10[%get3A_305, %get3A_306] {strides = array<i32>} : memref<128x128xf32, #tpu.memory_space<vmem>>, vector<1x16xf32>,
        %get3A_308 = vector.shape_cast %get3A_307 : vector<1x16xf32> to vector<16xf32>
        %mul3A_309 = arith.mulf %get3A_308, %broadcast_in_dim3A_230 : vector<16xf32>
        %swap3A_310 = arith.index_cast %add3A_234 : i32 to index
        %swap3A_311 = arith.constant 112 : index
        %swap3A_312 = tpu.vector_load %arg10[%swap3A_310, %swap3A_311] {strides = array<i32>} : memref<128x128xf32, #tpu.memory_space<vmem>>, vector<1x16xf32>,
        %swap3A_313 = vector.shape_cast %swap3A_312 : vector<1x16xf32> to vector<16xf32>
        %swap3A_314 = vector.shape_cast %mul3A_309 : vector<16xf32> to vector<1x16xf32>
        tpu.vector_store %arg10[%swap3A_310, %swap3A_311], %swap3A_314 {strides = array<i32>} : memref<128x128xf32, #tpu.memory_space<vmem>>, vector<1x16xf32>,
        %slice3A_315 = vector.extract_strided_slice %get3A_56 {offsets = [3], sizes = [1], strides = [1]} : vector<16xf32> to vector<1xf32>
        %squeeze3A_316 = vector.extract %slice3A_315[0] : f32 from vector<1xf32>
        %broadcast_in_dim3A_317 = vector.broadcast %squeeze3A_316 : f32 to vector<16xf32>
        %mul3A_318 = arith.constant 16 : i32
        %mul3A_319 = arith.muli %scan3A_51, %mul3A_318 : i32
        %add3A_320 = arith.constant 3 : i32
        %add3A_321 = arith.addi %mul3A_319, %add3A_320 : i32
        %get3A_322 = arith.index_cast %add3A_321 : i32 to index
        %get3A_323 = arith.constant 0 : index
        %get3A_324 = tpu.vector_load %arg10[%get3A_322, %get3A_323] {strides = array<i32>} : memref<128x128xf32, #tpu.memory_space<vmem>>, vector<1x16xf32>,
        %get3A_325 = vector.shape_cast %get3A_324 : vector<1x16xf32> to vector<16xf32>
        %mul3A_326 = arith.mulf %get3A_325, %broadcast_in_dim3A_317 : vector<16xf32>
        %swap3A_327 = arith.index_cast %add3A_321 : i32 to index
        %swap3A_328 = arith.constant 0 : index
        %swap3A_329 = tpu.vector_load %arg10[%swap3A_327, %swap3A_328] {strides = array<i32>} : memref<128x128xf32, #tpu.memory_space<vmem>>, vector<1x16xf32>,
        %swap3A_330 = vector.shape_cast %swap3A_329 : vector<1x16xf32> to vector<16xf32>
        %swap3A_331 = vector.shape_cast %mul3A_326 : vector<16xf32> to vector<1x16xf32>
        tpu.vector_store %arg10[%swap3A_327, %swap3A_328], %swap3A_331 {strides = array<i32>} : memref<128x128xf32, #tpu.memory_space<vmem>>, vector<1x16xf32>,
        %get3A_332 = arith.index_cast %add3A_321 : i32 to index
        %get3A_333 = arith.constant 16 : index
        %get3A_334 = tpu.vector_load %arg10[%get3A_332, %get3A_333] {strides = array<i32>} : memref<128x128xf32, #tpu.memory_space<vmem>>, vector<1x16xf32>,
        %get3A_335 = vector.shape_cast %get3A_334 : vector<1x16xf32> to vector<16xf32>
        %mul3A_336 = arith.mulf %get3A_335, %broadcast_in_dim3A_317 : vector<16xf32>
        %swap3A_337 = arith.index_cast %add3A_321 : i32 to index
        %swap3A_338 = arith.constant 16 : index
        %swap3A_339 = tpu.vector_load %arg10[%swap3A_337, %swap3A_338] {strides = array<i32>} : memref<128x128xf32, #tpu.memory_space<vmem>>, vector<1x16xf32>,
        %swap3A_340 = vector.shape_cast %swap3A_339 : vector<1x16xf32> to vector<16xf32>
        %swap3A_341 = vector.shape_cast %mul3A_336 : vector<16xf32> to vector<1x16xf32>
        tpu.vector_store %arg10[%swap3A_337, %swap3A_338], %swap3A_341 {strides = array<i32>} : memref<128x128xf32, #tpu.memory_space<vmem>>, vector<1x16xf32>,
        %get3A_342 = arith.index_cast %add3A_321 : i32 to index
        %get3A_343 = arith.constant 32 : index
        %get3A_344 = tpu.vector_load %arg10[%get3A_342, %get3A_343] {strides = array<i32>} : memref<128x128xf32, #tpu.memory_space<vmem>>, vector<1x16xf32>,
        %get3A_345 = vector.shape_cast %get3A_344 : vector<1x16xf32> to vector<16xf32>
        %mul3A_346 = arith.mulf %get3A_345, %broadcast_in_dim3A_317 : vector<16xf32>
        %swap3A_347 = arith.index_cast %add3A_321 : i32 to index
        %swap3A_348 = arith.constant 32 : index
        %swap3A_349 = tpu.vector_load %arg10[%swap3A_347, %swap3A_348] {strides = array<i32>} : memref<128x128xf32, #tpu.memory_space<vmem>>, vector<1x16xf32>,
        %swap3A_350 = vector.shape_cast %swap3A_349 : vector<1x16xf32> to vector<16xf32>
        %swap3A_351 = vector.shape_cast %mul3A_346 : vector<16xf32> to vector<1x16xf32>
        tpu.vector_store %arg10[%swap3A_347, %swap3A_348], %swap3A_351 {strides = array<i32>} : memref<128x128xf32, #tpu.memory_space<vmem>>, vector<1x16xf32>,
        %get3A_352 = arith.index_cast %add3A_321 : i32 to index
        %get3A_353 = arith.constant 48 : index
        %get3A_354 = tpu.vector_load %arg10[%get3A_352, %get3A_353] {strides = array<i32>} : memref<128x128xf32, #tpu.memory_space<vmem>>, vector<1x16xf32>,
        %get3A_355 = vector.shape_cast %get3A_354 : vector<1x16xf32> to vector<16xf32>
        %mul3A_356 = arith.mulf %get3A_355, %broadcast_in_dim3A_317 : vector<16xf32>
        %swap3A_357 = arith.index_cast %add3A_321 : i32 to index
        %swap3A_358 = arith.constant 48 : index
        %swap3A_359 = tpu.vector_load %arg10[%swap3A_357, %swap3A_358] {strides = array<i32>} : memref<128x128xf32, #tpu.memory_space<vmem>>, vector<1x16xf32>,
        %swap3A_360 = vector.shape_cast %swap3A_359 : vector<1x16xf32> to vector<16xf32>
        %swap3A_361 = vector.shape_cast %mul3A_356 : vector<16xf32> to vector<1x16xf32>
        tpu.vector_store %arg10[%swap3A_357, %swap3A_358], %swap3A_361 {strides = array<i32>} : memref<128x128xf32, #tpu.memory_space<vmem>>, vector<1x16xf32>,
        %get3A_362 = arith.index_cast %add3A_321 : i32 to index
        %get3A_363 = arith.constant 64 : index
        %get3A_364 = tpu.vector_load %arg10[%get3A_362, %get3A_363] {strides = array<i32>} : memref<128x128xf32, #tpu.memory_space<vmem>>, vector<1x16xf32>,
        %get3A_365 = vector.shape_cast %get3A_364 : vector<1x16xf32> to vector<16xf32>
        %mul3A_366 = arith.mulf %get3A_365, %broadcast_in_dim3A_317 : vector<16xf32>
        %swap3A_367 = arith.index_cast %add3A_321 : i32 to index
        %swap3A_368 = arith.constant 64 : index
        %swap3A_369 = tpu.vector_load %arg10[%swap3A_367, %swap3A_368] {strides = array<i32>} : memref<128x128xf32, #tpu.memory_space<vmem>>, vector<1x16xf32>,
        %swap3A_370 = vector.shape_cast %swap3A_369 : vector<1x16xf32> to vector<16xf32>
        %swap3A_371 = vector.shape_cast %mul3A_366 : vector<16xf32> to vector<1x16xf32>
        tpu.vector_store %arg10[%swap3A_367, %swap3A_368], %swap3A_371 {strides = array<i32>} : memref<128x128xf32, #tpu.memory_space<vmem>>, vector<1x16xf32>,
        %get3A_372 = arith.index_cast %add3A_321 : i32 to index
        %get3A_373 = arith.constant 80 : index
        %get3A_374 = tpu.vector_load %arg10[%get3A_372, %get3A_373] {strides = array<i32>} : memref<128x128xf32, #tpu.memory_space<vmem>>, vector<1x16xf32>,
        %get3A_375 = vector.shape_cast %get3A_374 : vector<1x16xf32> to vector<16xf32>
        %mul3A_376 = arith.mulf %get3A_375, %broadcast_in_dim3A_317 : vector<16xf32>
        %swap3A_377 = arith.index_cast %add3A_321 : i32 to index
        %swap3A_378 = arith.constant 80 : index
        %swap3A_379 = tpu.vector_load %arg10[%swap3A_377, %swap3A_378] {strides = array<i32>} : memref<128x128xf32, #tpu.memory_space<vmem>>, vector<1x16xf32>,
        %swap3A_380 = vector.shape_cast %swap3A_379 : vector<1x16xf32> to vector<16xf32>
        %swap3A_381 = vector.shape_cast %mul3A_376 : vector<16xf32> to vector<1x16xf32>
        tpu.vector_store %arg10[%swap3A_377, %swap3A_378], %swap3A_381 {strides = array<i32>} : memref<128x128xf32, #tpu.memory_space<vmem>>, vector<1x16xf32>,
        %get3A_382 = arith.index_cast %add3A_321 : i32 to index
        %get3A_383 = arith.constant 96 : index
        %get3A_384 = tpu.vector_load %arg10[%get3A_382, %get3A_383] {strides = array<i32>} : memref<128x128xf32, #tpu.memory_space<vmem>>, vector<1x16xf32>,
        %get3A_385 = vector.shape_cast %get3A_384 : vector<1x16xf32> to vector<16xf32>
        %mul3A_386 = arith.mulf %get3A_385, %broadcast_in_dim3A_317 : vector<16xf32>
        %swap3A_387 = arith.index_cast %add3A_321 : i32 to index
        %swap3A_388 = arith.constant 96 : index
        %swap3A_389 = tpu.vector_load %arg10[%swap3A_387, %swap3A_388] {strides = array<i32>} : memref<128x128xf32, #tpu.memory_space<vmem>>, vector<1x16xf32>,
        %swap3A_390 = vector.shape_cast %swap3A_389 : vector<1x16xf32> to vector<16xf32>
        %swap3A_391 = vector.shape_cast %mul3A_386 : vector<16xf32> to vector<1x16xf32>
        tpu.vector_store %arg10[%swap3A_387, %swap3A_388], %swap3A_391 {strides = array<i32>} : memref<128x128xf32, #tpu.memory_space<vmem>>, vector<1x16xf32>,
        %get3A_392 = arith.index_cast %add3A_321 : i32 to index
        %get3A_393 = arith.constant 112 : index
        %get3A_394 = tpu.vector_load %arg10[%get3A_392, %get3A_393] {strides = array<i32>} : memref<128x128xf32, #tpu.memory_space<vmem>>, vector<1x16xf32>,
        %get3A_395 = vector.shape_cast %get3A_394 : vector<1x16xf32> to vector<16xf32>
        %mul3A_396 = arith.mulf %get3A_395, %broadcast_in_dim3A_317 : vector<16xf32>
        %swap3A_397 = arith.index_cast %add3A_321 : i32 to index
        %swap3A_398 = arith.constant 112 : index
        %swap3A_399 = tpu.vector_load %arg10[%swap3A_397, %swap3A_398] {strides = array<i32>} : memref<128x128xf32, #tpu.memory_space<vmem>>, vector<1x16xf32>,
        %swap3A_400 = vector.shape_cast %swap3A_399 : vector<1x16xf32> to vector<16xf32>
        %swap3A_401 = vector.shape_cast %mul3A_396 : vector<16xf32> to vector<1x16xf32>
        tpu.vector_store %arg10[%swap3A_397, %swap3A_398], %swap3A_401 {strides = array<i32>} : memref<128x128xf32, #tpu.memory_space<vmem>>, vector<1x16xf32>,
        %slice3A_402 = vector.extract_strided_slice %get3A_56 {offsets = [4], sizes = [1], strides = [1]} : vector<16xf32> to vector<1xf32>
        %squeeze3A_403 = vector.extract %slice3A_402[0] : f32 from vector<1xf32>
        %broadcast_in_dim3A_404 = vector.broadcast %squeeze3A_403 : f32 to vector<16xf32>
        %mul3A_405 = arith.constant 16 : i32
        %mul3A_406 = arith.muli %scan3A_51, %mul3A_405 : i32
        %add3A_407 = arith.constant 4 : i32
        %add3A_408 = arith.addi %mul3A_406, %add3A_407 : i32
        %get3A_409 = arith.index_cast %add3A_408 : i32 to index
        %get3A_410 = arith.constant 0 : index
        %get3A_411 = tpu.vector_load %arg10[%get3A_409, %get3A_410] {strides = array<i32>} : memref<128x128xf32, #tpu.memory_space<vmem>>, vector<1x16xf32>,
        %get3A_412 = vector.shape_cast %get3A_411 : vector<1x16xf32> to vector<16xf32>
        %mul3A_413 = arith.mulf %get3A_412, %broadcast_in_dim3A_404 : vector<16xf32>
        %swap3A_414 = arith.index_cast %add3A_408 : i32 to index
        %swap3A_415 = arith.constant 0 : index
        %swap3A_416 = tpu.vector_load %arg10[%swap3A_414, %swap3A_415] {strides = array<i32>} : memref<128x128xf32, #tpu.memory_space<vmem>>, vector<1x16xf32>,
        %swap3A_417 = vector.shape_cast %swap3A_416 : vector<1x16xf32> to vector<16xf32>
        %swap3A_418 = vector.shape_cast %mul3A_413 : vector<16xf32> to vector<1x16xf32>
        tpu.vector_store %arg10[%swap3A_414, %swap3A_415], %swap3A_418 {strides = array<i32>} : memref<128x128xf32, #tpu.memory_space<vmem>>, vector<1x16xf32>,
        %get3A_419 = arith.index_cast %add3A_408 : i32 to index
        %get3A_420 = arith.constant 16 : index
        %get3A_421 = tpu.vector_load %arg10[%get3A_419, %get3A_420] {strides = array<i32>} : memref<128x128xf32, #tpu.memory_space<vmem>>, vector<1x16xf32>,
        %get3A_422 = vector.shape_cast %get3A_421 : vector<1x16xf32> to vector<16xf32>
        %mul3A_423 = arith.mulf %get3A_422, %broadcast_in_dim3A_404 : vector<16xf32>
        %swap3A_424 = arith.index_cast %add3A_408 : i32 to index
        %swap3A_425 = arith.constant 16 : index
        %swap3A_426 = tpu.vector_load %arg10[%swap3A_424, %swap3A_425] {strides = array<i32>} : memref<128x128xf32, #tpu.memory_space<vmem>>, vector<1x16xf32>,
        %swap3A_427 = vector.shape_cast %swap3A_426 : vector<1x16xf32> to vector<16xf32>
        %swap3A_428 = vector.shape_cast %mul3A_423 : vector<16xf32> to vector<1x16xf32>
        tpu.vector_store %arg10[%swap3A_424, %swap3A_425], %swap3A_428 {strides = array<i32>} : memref<128x128xf32, #tpu.memory_space<vmem>>, vector<1x16xf32>,
        %get3A_429 = arith.index_cast %add3A_408 : i32 to index
        %get3A_430 = arith.constant 32 : index
        %get3A_431 = tpu.vector_load %arg10[%get3A_429, %get3A_430] {strides = array<i32>} : memref<128x128xf32, #tpu.memory_space<vmem>>, vector<1x16xf32>,
        %get3A_432 = vector.shape_cast %get3A_431 : vector<1x16xf32> to vector<16xf32>
        %mul3A_433 = arith.mulf %get3A_432, %broadcast_in_dim3A_404 : vector<16xf32>
        %swap3A_434 = arith.index_cast %add3A_408 : i32 to index
        %swap3A_435 = arith.constant 32 : index
        %swap3A_436 = tpu.vector_load %arg10[%swap3A_434, %swap3A_435] {strides = array<i32>} : memref<128x128xf32, #tpu.memory_space<vmem>>, vector<1x16xf32>,
        %swap3A_437 = vector.shape_cast %swap3A_436 : vector<1x16xf32> to vector<16xf32>
        %swap3A_438 = vector.shape_cast %mul3A_433 : vector<16xf32> to vector<1x16xf32>
        tpu.vector_store %arg10[%swap3A_434, %swap3A_435], %swap3A_438 {strides = array<i32>} : memref<128x128xf32, #tpu.memory_space<vmem>>, vector<1x16xf32>,
        %get3A_439 = arith.index_cast %add3A_408 : i32 to index
        %get3A_440 = arith.constant 48 : index
        %get3A_441 = tpu.vector_load %arg10[%get3A_439, %get3A_440] {strides = array<i32>} : memref<128x128xf32, #tpu.memory_space<vmem>>, vector<1x16xf32>,
        %get3A_442 = vector.shape_cast %get3A_441 : vector<1x16xf32> to vector<16xf32>
        %mul3A_443 = arith.mulf %get3A_442, %broadcast_in_dim3A_404 : vector<16xf32>
        %swap3A_444 = arith.index_cast %add3A_408 : i32 to index
        %swap3A_445 = arith.constant 48 : index
        %swap3A_446 = tpu.vector_load %arg10[%swap3A_444, %swap3A_445] {strides = array<i32>} : memref<128x128xf32, #tpu.memory_space<vmem>>, vector<1x16xf32>,
        %swap3A_447 = vector.shape_cast %swap3A_446 : vector<1x16xf32> to vector<16xf32>
        %swap3A_448 = vector.shape_cast %mul3A_443 : vector<16xf32> to vector<1x16xf32>
        tpu.vector_store %arg10[%swap3A_444, %swap3A_445], %swap3A_448 {strides = array<i32>} : memref<128x128xf32, #tpu.memory_space<vmem>>, vector<1x16xf32>,
        %get3A_449 = arith.index_cast %add3A_408 : i32 to index
        %get3A_450 = arith.constant 64 : index
        %get3A_451 = tpu.vector_load %arg10[%get3A_449, %get3A_450] {strides = array<i32>} : memref<128x128xf32, #tpu.memory_space<vmem>>, vector<1x16xf32>,
        %get3A_452 = vector.shape_cast %get3A_451 : vector<1x16xf32> to vector<16xf32>
        %mul3A_453 = arith.mulf %get3A_452, %broadcast_in_dim3A_404 : vector<16xf32>
        %swap3A_454 = arith.index_cast %add3A_408 : i32 to index
        %swap3A_455 = arith.constant 64 : index
        %swap3A_456 = tpu.vector_load %arg10[%swap3A_454, %swap3A_455] {strides = array<i32>} : memref<128x128xf32, #tpu.memory_space<vmem>>, vector<1x16xf32>,
        %swap3A_457 = vector.shape_cast %swap3A_456 : vector<1x16xf32> to vector<16xf32>
        %swap3A_458 = vector.shape_cast %mul3A_453 : vector<16xf32> to vector<1x16xf32>
        tpu.vector_store %arg10[%swap3A_454, %swap3A_455], %swap3A_458 {strides = array<i32>} : memref<128x128xf32, #tpu.memory_space<vmem>>, vector<1x16xf32>,
        %get3A_459 = arith.index_cast %add3A_408 : i32 to index
        %get3A_460 = arith.constant 80 : index
        %get3A_461 = tpu.vector_load %arg10[%get3A_459, %get3A_460] {strides = array<i32>} : memref<128x128xf32, #tpu.memory_space<vmem>>, vector<1x16xf32>,
        %get3A_462 = vector.shape_cast %get3A_461 : vector<1x16xf32> to vector<16xf32>
        %mul3A_463 = arith.mulf %get3A_462, %broadcast_in_dim3A_404 : vector<16xf32>
        %swap3A_464 = arith.index_cast %add3A_408 : i32 to index
        %swap3A_465 = arith.constant 80 : index
        %swap3A_466 = tpu.vector_load %arg10[%swap3A_464, %swap3A_465] {strides = array<i32>} : memref<128x128xf32, #tpu.memory_space<vmem>>, vector<1x16xf32>,
        %swap3A_467 = vector.shape_cast %swap3A_466 : vector<1x16xf32> to vector<16xf32>
        %swap3A_468 = vector.shape_cast %mul3A_463 : vector<16xf32> to vector<1x16xf32>
        tpu.vector_store %arg10[%swap3A_464, %swap3A_465], %swap3A_468 {strides = array<i32>} : memref<128x128xf32, #tpu.memory_space<vmem>>, vector<1x16xf32>,
        %get3A_469 = arith.index_cast %add3A_408 : i32 to index
        %get3A_470 = arith.constant 96 : index
        %get3A_471 = tpu.vector_load %arg10[%get3A_469, %get3A_470] {strides = array<i32>} : memref<128x128xf32, #tpu.memory_space<vmem>>, vector<1x16xf32>,
        %get3A_472 = vector.shape_cast %get3A_471 : vector<1x16xf32> to vector<16xf32>
        %mul3A_473 = arith.mulf %get3A_472, %broadcast_in_dim3A_404 : vector<16xf32>
        %swap3A_474 = arith.index_cast %add3A_408 : i32 to index
        %swap3A_475 = arith.constant 96 : index
        %swap3A_476 = tpu.vector_load %arg10[%swap3A_474, %swap3A_475] {strides = array<i32>} : memref<128x128xf32, #tpu.memory_space<vmem>>, vector<1x16xf32>,
        %swap3A_477 = vector.shape_cast %swap3A_476 : vector<1x16xf32> to vector<16xf32>
        %swap3A_478 = vector.shape_cast %mul3A_473 : vector<16xf32> to vector<1x16xf32>
        tpu.vector_store %arg10[%swap3A_474, %swap3A_475], %swap3A_478 {strides = array<i32>} : memref<128x128xf32, #tpu.memory_space<vmem>>, vector<1x16xf32>,
        %get3A_479 = arith.index_cast %add3A_408 : i32 to index
        %get3A_480 = arith.constant 112 : index
        %get3A_481 = tpu.vector_load %arg10[%get3A_479, %get3A_480] {strides = array<i32>} : memref<128x128xf32, #tpu.memory_space<vmem>>, vector<1x16xf32>,
        %get3A_482 = vector.shape_cast %get3A_481 : vector<1x16xf32> to vector<16xf32>
        %mul3A_483 = arith.mulf %get3A_482, %broadcast_in_dim3A_404 : vector<16xf32>
        %swap3A_484 = arith.index_cast %add3A_408 : i32 to index
        %swap3A_485 = arith.constant 112 : index
        %swap3A_486 = tpu.vector_load %arg10[%swap3A_484, %swap3A_485] {strides = array<i32>} : memref<128x128xf32, #tpu.memory_space<vmem>>, vector<1x16xf32>,
        %swap3A_487 = vector.shape_cast %swap3A_486 : vector<1x16xf32> to vector<16xf32>
        %swap3A_488 = vector.shape_cast %mul3A_483 : vector<16xf32> to vector<1x16xf32>
        tpu.vector_store %arg10[%swap3A_484, %swap3A_485], %swap3A_488 {strides = array<i32>} : memref<128x128xf32, #tpu.memory_space<vmem>>, vector<1x16xf32>,
        %slice3A_489 = vector.extract_strided_slice %get3A_56 {offsets = [5], sizes = [1], strides = [1]} : vector<16xf32> to vector<1xf32>
        %squeeze3A_490 = vector.extract %slice3A_489[0] : f32 from vector<1xf32>
        %broadcast_in_dim3A_491 = vector.broadcast %squeeze3A_490 : f32 to vector<16xf32>
        %mul3A_492 = arith.constant 16 : i32
        %mul3A_493 = arith.muli %scan3A_51, %mul3A_492 : i32
        %add3A_494 = arith.constant 5 : i32
        %add3A_495 = arith.addi %mul3A_493, %add3A_494 : i32
        %get3A_496 = arith.index_cast %add3A_495 : i32 to index
        %get3A_497 = arith.constant 0 : index
        %get3A_498 = tpu.vector_load %arg10[%get3A_496, %get3A_497] {strides = array<i32>} : memref<128x128xf32, #tpu.memory_space<vmem>>, vector<1x16xf32>,
        %get3A_499 = vector.shape_cast %get3A_498 : vector<1x16xf32> to vector<16xf32>
        %mul3A_500 = arith.mulf %get3A_499, %broadcast_in_dim3A_491 : vector<16xf32>
        %swap3A_501 = arith.index_cast %add3A_495 : i32 to index
        %swap3A_502 = arith.constant 0 : index
        %swap3A_503 = tpu.vector_load %arg10[%swap3A_501, %swap3A_502] {strides = array<i32>} : memref<128x128xf32, #tpu.memory_space<vmem>>, vector<1x16xf32>,
        %swap3A_504 = vector.shape_cast %swap3A_503 : vector<1x16xf32> to vector<16xf32>
        %swap3A_505 = vector.shape_cast %mul3A_500 : vector<16xf32> to vector<1x16xf32>
        tpu.vector_store %arg10[%swap3A_501, %swap3A_502], %swap3A_505 {strides = array<i32>} : memref<128x128xf32, #tpu.memory_space<vmem>>, vector<1x16xf32>,
        %get3A_506 = arith.index_cast %add3A_495 : i32 to index
        %get3A_507 = arith.constant 16 : index
        %get3A_508 = tpu.vector_load %arg10[%get3A_506, %get3A_507] {strides = array<i32>} : memref<128x128xf32, #tpu.memory_space<vmem>>, vector<1x16xf32>,
        %get3A_509 = vector.shape_cast %get3A_508 : vector<1x16xf32> to vector<16xf32>
        %mul3A_510 = arith.mulf %get3A_509, %broadcast_in_dim3A_491 : vector<16xf32>
        %swap3A_511 = arith.index_cast %add3A_495 : i32 to index
        %swap3A_512 = arith.constant 16 : index
        %swap3A_513 = tpu.vector_load %arg10[%swap3A_511, %swap3A_512] {strides = array<i32>} : memref<128x128xf32, #tpu.memory_space<vmem>>, vector<1x16xf32>,
        %swap3A_514 = vector.shape_cast %swap3A_513 : vector<1x16xf32> to vector<16xf32>
        %swap3A_515 = vector.shape_cast %mul3A_510 : vector<16xf32> to vector<1x16xf32>
        tpu.vector_store %arg10[%swap3A_511, %swap3A_512], %swap3A_515 {strides = array<i32>} : memref<128x128xf32, #tpu.memory_space<vmem>>, vector<1x16xf32>,
        %get3A_516 = arith.index_cast %add3A_495 : i32 to index
        %get3A_517 = arith.constant 32 : index
        %get3A_518 = tpu.vector_load %arg10[%get3A_516, %get3A_517] {strides = array<i32>} : memref<128x128xf32, #tpu.memory_space<vmem>>, vector<1x16xf32>,
        %get3A_519 = vector.shape_cast %get3A_518 : vector<1x16xf32> to vector<16xf32>
        %mul3A_520 = arith.mulf %get3A_519, %broadcast_in_dim3A_491 : vector<16xf32>
        %swap3A_521 = arith.index_cast %add3A_495 : i32 to index
        %swap3A_522 = arith.constant 32 : index
        %swap3A_523 = tpu.vector_load %arg10[%swap3A_521, %swap3A_522] {strides = array<i32>} : memref<128x128xf32, #tpu.memory_space<vmem>>, vector<1x16xf32>,
        %swap3A_524 = vector.shape_cast %swap3A_523 : vector<1x16xf32> to vector<16xf32>
        %swap3A_525 = vector.shape_cast %mul3A_520 : vector<16xf32> to vector<1x16xf32>
        tpu.vector_store %arg10[%swap3A_521, %swap3A_522], %swap3A_525 {strides = array<i32>} : memref<128x128xf32, #tpu.memory_space<vmem>>, vector<1x16xf32>,
        %get3A_526 = arith.index_cast %add3A_495 : i32 to index
        %get3A_527 = arith.constant 48 : index
        %get3A_528 = tpu.vector_load %arg10[%get3A_526, %get3A_527] {strides = array<i32>} : memref<128x128xf32, #tpu.memory_space<vmem>>, vector<1x16xf32>,
        %get3A_529 = vector.shape_cast %get3A_528 : vector<1x16xf32> to vector<16xf32>
        %mul3A_530 = arith.mulf %get3A_529, %broadcast_in_dim3A_491 : vector<16xf32>
        %swap3A_531 = arith.index_cast %add3A_495 : i32 to index
        %swap3A_532 = arith.constant 48 : index
        %swap3A_533 = tpu.vector_load %arg10[%swap3A_531, %swap3A_532] {strides = array<i32>} : memref<128x128xf32, #tpu.memory_space<vmem>>, vector<1x16xf32>,
        %swap3A_534 = vector.shape_cast %swap3A_533 : vector<1x16xf32> to vector<16xf32>
        %swap3A_535 = vector.shape_cast %mul3A_530 : vector<16xf32> to vector<1x16xf32>
        tpu.vector_store %arg10[%swap3A_531, %swap3A_532], %swap3A_535 {strides = array<i32>} : memref<128x128xf32, #tpu.memory_space<vmem>>, vector<1x16xf32>,
        %get3A_536 = arith.index_cast %add3A_495 : i32 to index
        %get3A_537 = arith.constant 64 : index
        %get3A_538 = tpu.vector_load %arg10[%get3A_536, %get3A_537] {strides = array<i32>} : memref<128x128xf32, #tpu.memory_space<vmem>>, vector<1x16xf32>,
        %get3A_539 = vector.shape_cast %get3A_538 : vector<1x16xf32> to vector<16xf32>
        %mul3A_540 = arith.mulf %get3A_539, %broadcast_in_dim3A_491 : vector<16xf32>
        %swap3A_541 = arith.index_cast %add3A_495 : i32 to index
        %swap3A_542 = arith.constant 64 : index
        %swap3A_543 = tpu.vector_load %arg10[%swap3A_541, %swap3A_542] {strides = array<i32>} : memref<128x128xf32, #tpu.memory_space<vmem>>, vector<1x16xf32>,
        %swap3A_544 = vector.shape_cast %swap3A_543 : vector<1x16xf32> to vector<16xf32>
        %swap3A_545 = vector.shape_cast %mul3A_540 : vector<16xf32> to vector<1x16xf32>
        tpu.vector_store %arg10[%swap3A_541, %swap3A_542], %swap3A_545 {strides = array<i32>} : memref<128x128xf32, #tpu.memory_space<vmem>>, vector<1x16xf32>,
        %get3A_546 = arith.index_cast %add3A_495 : i32 to index
        %get3A_547 = arith.constant 80 : index
        %get3A_548 = tpu.vector_load %arg10[%get3A_546, %get3A_547] {strides = array<i32>} : memref<128x128xf32, #tpu.memory_space<vmem>>, vector<1x16xf32>,
        %get3A_549 = vector.shape_cast %get3A_548 : vector<1x16xf32> to vector<16xf32>
        %mul3A_550 = arith.mulf %get3A_549, %broadcast_in_dim3A_491 : vector<16xf32>
        %swap3A_551 = arith.index_cast %add3A_495 : i32 to index
        %swap3A_552 = arith.constant 80 : index
        %swap3A_553 = tpu.vector_load %arg10[%swap3A_551, %swap3A_552] {strides = array<i32>} : memref<128x128xf32, #tpu.memory_space<vmem>>, vector<1x16xf32>,
        %swap3A_554 = vector.shape_cast %swap3A_553 : vector<1x16xf32> to vector<16xf32>
        %swap3A_555 = vector.shape_cast %mul3A_550 : vector<16xf32> to vector<1x16xf32>
        tpu.vector_store %arg10[%swap3A_551, %swap3A_552], %swap3A_555 {strides = array<i32>} : memref<128x128xf32, #tpu.memory_space<vmem>>, vector<1x16xf32>,
        %get3A_556 = arith.index_cast %add3A_495 : i32 to index
        %get3A_557 = arith.constant 96 : index
        %get3A_558 = tpu.vector_load %arg10[%get3A_556, %get3A_557] {strides = array<i32>} : memref<128x128xf32, #tpu.memory_space<vmem>>, vector<1x16xf32>,
        %get3A_559 = vector.shape_cast %get3A_558 : vector<1x16xf32> to vector<16xf32>
        %mul3A_560 = arith.mulf %get3A_559, %broadcast_in_dim3A_491 : vector<16xf32>
        %swap3A_561 = arith.index_cast %add3A_495 : i32 to index
        %swap3A_562 = arith.constant 96 : index
        %swap3A_563 = tpu.vector_load %arg10[%swap3A_561, %swap3A_562] {strides = array<i32>} : memref<128x128xf32, #tpu.memory_space<vmem>>, vector<1x16xf32>,
        %swap3A_564 = vector.shape_cast %swap3A_563 : vector<1x16xf32> to vector<16xf32>
        %swap3A_565 = vector.shape_cast %mul3A_560 : vector<16xf32> to vector<1x16xf32>
        tpu.vector_store %arg10[%swap3A_561, %swap3A_562], %swap3A_565 {strides = array<i32>} : memref<128x128xf32, #tpu.memory_space<vmem>>, vector<1x16xf32>,
        %get3A_566 = arith.index_cast %add3A_495 : i32 to index
        %get3A_567 = arith.constant 112 : index
        %get3A_568 = tpu.vector_load %arg10[%get3A_566, %get3A_567] {strides = array<i32>} : memref<128x128xf32, #tpu.memory_space<vmem>>, vector<1x16xf32>,
        %get3A_569 = vector.shape_cast %get3A_568 : vector<1x16xf32> to vector<16xf32>
        %mul3A_570 = arith.mulf %get3A_569, %broadcast_in_dim3A_491 : vector<16xf32>
        %swap3A_571 = arith.index_cast %add3A_495 : i32 to index
        %swap3A_572 = arith.constant 112 : index
        %swap3A_573 = tpu.vector_load %arg10[%swap3A_571, %swap3A_572] {strides = array<i32>} : memref<128x128xf32, #tpu.memory_space<vmem>>, vector<1x16xf32>,
        %swap3A_574 = vector.shape_cast %swap3A_573 : vector<1x16xf32> to vector<16xf32>
        %swap3A_575 = vector.shape_cast %mul3A_570 : vector<16xf32> to vector<1x16xf32>
        tpu.vector_store %arg10[%swap3A_571, %swap3A_572], %swap3A_575 {strides = array<i32>} : memref<128x128xf32, #tpu.memory_space<vmem>>, vector<1x16xf32>,
        %slice3A_576 = vector.extract_strided_slice %get3A_56 {offsets = [6], sizes = [1], strides = [1]} : vector<16xf32> to vector<1xf32>
        %squeeze3A_577 = vector.extract %slice3A_576[0] : f32 from vector<1xf32>
        %broadcast_in_dim3A_578 = vector.broadcast %squeeze3A_577 : f32 to vector<16xf32>
        %mul3A_579 = arith.constant 16 : i32
        %mul3A_580 = arith.muli %scan3A_51, %mul3A_579 : i32
        %add3A_581 = arith.constant 6 : i32
        %add3A_582 = arith.addi %mul3A_580, %add3A_581 : i32
        %get3A_583 = arith.index_cast %add3A_582 : i32 to index
        %get3A_584 = arith.constant 0 : index
        %get3A_585 = tpu.vector_load %arg10[%get3A_583, %get3A_584] {strides = array<i32>} : memref<128x128xf32, #tpu.memory_space<vmem>>, vector<1x16xf32>,
        %get3A_586 = vector.shape_cast %get3A_585 : vector<1x16xf32> to vector<16xf32>
        %mul3A_587 = arith.mulf %get3A_586, %broadcast_in_dim3A_578 : vector<16xf32>
        %swap3A_588 = arith.index_cast %add3A_582 : i32 to index
        %swap3A_589 = arith.constant 0 : index
        %swap3A_590 = tpu.vector_load %arg10[%swap3A_588, %swap3A_589] {strides = array<i32>} : memref<128x128xf32, #tpu.memory_space<vmem>>, vector<1x16xf32>,
        %swap3A_591 = vector.shape_cast %swap3A_590 : vector<1x16xf32> to vector<16xf32>
        %swap3A_592 = vector.shape_cast %mul3A_587 : vector<16xf32> to vector<1x16xf32>
        tpu.vector_store %arg10[%swap3A_588, %swap3A_589], %swap3A_592 {strides = array<i32>} : memref<128x128xf32, #tpu.memory_space<vmem>>, vector<1x16xf32>,
        %get3A_593 = arith.index_cast %add3A_582 : i32 to index
        %get3A_594 = arith.constant 16 : index
        %get3A_595 = tpu.vector_load %arg10[%get3A_593, %get3A_594] {strides = array<i32>} : memref<128x128xf32, #tpu.memory_space<vmem>>, vector<1x16xf32>,
        %get3A_596 = vector.shape_cast %get3A_595 : vector<1x16xf32> to vector<16xf32>
        %mul3A_597 = arith.mulf %get3A_596, %broadcast_in_dim3A_578 : vector<16xf32>
        %swap3A_598 = arith.index_cast %add3A_582 : i32 to index
        %swap3A_599 = arith.constant 16 : index
        %swap3A_600 = tpu.vector_load %arg10[%swap3A_598, %swap3A_599] {strides = array<i32>} : memref<128x128xf32, #tpu.memory_space<vmem>>, vector<1x16xf32>,
        %swap3A_601 = vector.shape_cast %swap3A_600 : vector<1x16xf32> to vector<16xf32>
        %swap3A_602 = vector.shape_cast %mul3A_597 : vector<16xf32> to vector<1x16xf32>
        tpu.vector_store %arg10[%swap3A_598, %swap3A_599], %swap3A_602 {strides = array<i32>} : memref<128x128xf32, #tpu.memory_space<vmem>>, vector<1x16xf32>,
        %get3A_603 = arith.index_cast %add3A_582 : i32 to index
        %get3A_604 = arith.constant 32 : index
        %get3A_605 = tpu.vector_load %arg10[%get3A_603, %get3A_604] {strides = array<i32>} : memref<128x128xf32, #tpu.memory_space<vmem>>, vector<1x16xf32>,
        %get3A_606 = vector.shape_cast %get3A_605 : vector<1x16xf32> to vector<16xf32>
        %mul3A_607 = arith.mulf %get3A_606, %broadcast_in_dim3A_578 : vector<16xf32>
        %swap3A_608 = arith.index_cast %add3A_582 : i32 to index
        %swap3A_609 = arith.constant 32 : index
        %swap3A_610 = tpu.vector_load %arg10[%swap3A_608, %swap3A_609] {strides = array<i32>} : memref<128x128xf32, #tpu.memory_space<vmem>>, vector<1x16xf32>,
        %swap3A_611 = vector.shape_cast %swap3A_610 : vector<1x16xf32> to vector<16xf32>
        %swap3A_612 = vector.shape_cast %mul3A_607 : vector<16xf32> to vector<1x16xf32>
        tpu.vector_store %arg10[%swap3A_608, %swap3A_609], %swap3A_612 {strides = array<i32>} : memref<128x128xf32, #tpu.memory_space<vmem>>, vector<1x16xf32>,
        %get3A_613 = arith.index_cast %add3A_582 : i32 to index
        %get3A_614 = arith.constant 48 : index
        %get3A_615 = tpu.vector_load %arg10[%get3A_613, %get3A_614] {strides = array<i32>} : memref<128x128xf32, #tpu.memory_space<vmem>>, vector<1x16xf32>,
        %get3A_616 = vector.shape_cast %get3A_615 : vector<1x16xf32> to vector<16xf32>
        %mul3A_617 = arith.mulf %get3A_616, %broadcast_in_dim3A_578 : vector<16xf32>
        %swap3A_618 = arith.index_cast %add3A_582 : i32 to index
        %swap3A_619 = arith.constant 48 : index
        %swap3A_620 = tpu.vector_load %arg10[%swap3A_618, %swap3A_619] {strides = array<i32>} : memref<128x128xf32, #tpu.memory_space<vmem>>, vector<1x16xf32>,
        %swap3A_621 = vector.shape_cast %swap3A_620 : vector<1x16xf32> to vector<16xf32>
        %swap3A_622 = vector.shape_cast %mul3A_617 : vector<16xf32> to vector<1x16xf32>
        tpu.vector_store %arg10[%swap3A_618, %swap3A_619], %swap3A_622 {strides = array<i32>} : memref<128x128xf32, #tpu.memory_space<vmem>>, vector<1x16xf32>,
        %get3A_623 = arith.index_cast %add3A_582 : i32 to index
        %get3A_624 = arith.constant 64 : index
        %get3A_625 = tpu.vector_load %arg10[%get3A_623, %get3A_624] {strides = array<i32>} : memref<128x128xf32, #tpu.memory_space<vmem>>, vector<1x16xf32>,
        %get3A_626 = vector.shape_cast %get3A_625 : vector<1x16xf32> to vector<16xf32>
        %mul3A_627 = arith.mulf %get3A_626, %broadcast_in_dim3A_578 : vector<16xf32>
        %swap3A_628 = arith.index_cast %add3A_582 : i32 to index
        %swap3A_629 = arith.constant 64 : index
        %swap3A_630 = tpu.vector_load %arg10[%swap3A_628, %swap3A_629] {strides = array<i32>} : memref<128x128xf32, #tpu.memory_space<vmem>>, vector<1x16xf32>,
        %swap3A_631 = vector.shape_cast %swap3A_630 : vector<1x16xf32> to vector<16xf32>
        %swap3A_632 = vector.shape_cast %mul3A_627 : vector<16xf32> to vector<1x16xf32>
        tpu.vector_store %arg10[%swap3A_628, %swap3A_629], %swap3A_632 {strides = array<i32>} : memref<128x128xf32, #tpu.memory_space<vmem>>, vector<1x16xf32>,
        %get3A_633 = arith.index_cast %add3A_582 : i32 to index
        %get3A_634 = arith.constant 80 : index
        %get3A_635 = tpu.vector_load %arg10[%get3A_633, %get3A_634] {strides = array<i32>} : memref<128x128xf32, #tpu.memory_space<vmem>>, vector<1x16xf32>,
        %get3A_636 = vector.shape_cast %get3A_635 : vector<1x16xf32> to vector<16xf32>
        %mul3A_637 = arith.mulf %get3A_636, %broadcast_in_dim3A_578 : vector<16xf32>
        %swap3A_638 = arith.index_cast %add3A_582 : i32 to index
        %swap3A_639 = arith.constant 80 : index
        %swap3A_640 = tpu.vector_load %arg10[%swap3A_638, %swap3A_639] {strides = array<i32>} : memref<128x128xf32, #tpu.memory_space<vmem>>, vector<1x16xf32>,
        %swap3A_641 = vector.shape_cast %swap3A_640 : vector<1x16xf32> to vector<16xf32>
        %swap3A_642 = vector.shape_cast %mul3A_637 : vector<16xf32> to vector<1x16xf32>
        tpu.vector_store %arg10[%swap3A_638, %swap3A_639], %swap3A_642 {strides = array<i32>} : memref<128x128xf32, #tpu.memory_space<vmem>>, vector<1x16xf32>,
        %get3A_643 = arith.index_cast %add3A_582 : i32 to index
        %get3A_644 = arith.constant 96 : index
        %get3A_645 = tpu.vector_load %arg10[%get3A_643, %get3A_644] {strides = array<i32>} : memref<128x128xf32, #tpu.memory_space<vmem>>, vector<1x16xf32>,
        %get3A_646 = vector.shape_cast %get3A_645 : vector<1x16xf32> to vector<16xf32>
        %mul3A_647 = arith.mulf %get3A_646, %broadcast_in_dim3A_578 : vector<16xf32>
        %swap3A_648 = arith.index_cast %add3A_582 : i32 to index
        %swap3A_649 = arith.constant 96 : index
        %swap3A_650 = tpu.vector_load %arg10[%swap3A_648, %swap3A_649] {strides = array<i32>} : memref<128x128xf32, #tpu.memory_space<vmem>>, vector<1x16xf32>,
        %swap3A_651 = vector.shape_cast %swap3A_650 : vector<1x16xf32> to vector<16xf32>
        %swap3A_652 = vector.shape_cast %mul3A_647 : vector<16xf32> to vector<1x16xf32>
        tpu.vector_store %arg10[%swap3A_648, %swap3A_649], %swap3A_652 {strides = array<i32>} : memref<128x128xf32, #tpu.memory_space<vmem>>, vector<1x16xf32>,
        %get3A_653 = arith.index_cast %add3A_582 : i32 to index
        %get3A_654 = arith.constant 112 : index
        %get3A_655 = tpu.vector_load %arg10[%get3A_653, %get3A_654] {strides = array<i32>} : memref<128x128xf32, #tpu.memory_space<vmem>>, vector<1x16xf32>,
        %get3A_656 = vector.shape_cast %get3A_655 : vector<1x16xf32> to vector<16xf32>
        %mul3A_657 = arith.mulf %get3A_656, %broadcast_in_dim3A_578 : vector<16xf32>
        %swap3A_658 = arith.index_cast %add3A_582 : i32 to index
        %swap3A_659 = arith.constant 112 : index
        %swap3A_660 = tpu.vector_load %arg10[%swap3A_658, %swap3A_659] {strides = array<i32>} : memref<128x128xf32, #tpu.memory_space<vmem>>, vector<1x16xf32>,
        %swap3A_661 = vector.shape_cast %swap3A_660 : vector<1x16xf32> to vector<16xf32>
        %swap3A_662 = vector.shape_cast %mul3A_657 : vector<16xf32> to vector<1x16xf32>
        tpu.vector_store %arg10[%swap3A_658, %swap3A_659], %swap3A_662 {strides = array<i32>} : memref<128x128xf32, #tpu.memory_space<vmem>>, vector<1x16xf32>,
        %slice3A_663 = vector.extract_strided_slice %get3A_56 {offsets = [7], sizes = [1], strides = [1]} : vector<16xf32> to vector<1xf32>
        %squeeze3A_664 = vector.extract %slice3A_663[0] : f32 from vector<1xf32>
        %broadcast_in_dim3A_665 = vector.broadcast %squeeze3A_664 : f32 to vector<16xf32>
        %mul3A_666 = arith.constant 16 : i32
        %mul3A_667 = arith.muli %scan3A_51, %mul3A_666 : i32
        %add3A_668 = arith.constant 7 : i32
        %add3A_669 = arith.addi %mul3A_667, %add3A_668 : i32
        %get3A_670 = arith.index_cast %add3A_669 : i32 to index
        %get3A_671 = arith.constant 0 : index
        %get3A_672 = tpu.vector_load %arg10[%get3A_670, %get3A_671] {strides = array<i32>} : memref<128x128xf32, #tpu.memory_space<vmem>>, vector<1x16xf32>,
        %get3A_673 = vector.shape_cast %get3A_672 : vector<1x16xf32> to vector<16xf32>
        %mul3A_674 = arith.mulf %get3A_673, %broadcast_in_dim3A_665 : vector<16xf32>
        %swap3A_675 = arith.index_cast %add3A_669 : i32 to index
        %swap3A_676 = arith.constant 0 : index
        %swap3A_677 = tpu.vector_load %arg10[%swap3A_675, %swap3A_676] {strides = array<i32>} : memref<128x128xf32, #tpu.memory_space<vmem>>, vector<1x16xf32>,
        %swap3A_678 = vector.shape_cast %swap3A_677 : vector<1x16xf32> to vector<16xf32>
        %swap3A_679 = vector.shape_cast %mul3A_674 : vector<16xf32> to vector<1x16xf32>
        tpu.vector_store %arg10[%swap3A_675, %swap3A_676], %swap3A_679 {strides = array<i32>} : memref<128x128xf32, #tpu.memory_space<vmem>>, vector<1x16xf32>,
        %get3A_680 = arith.index_cast %add3A_669 : i32 to index
        %get3A_681 = arith.constant 16 : index
        %get3A_682 = tpu.vector_load %arg10[%get3A_680, %get3A_681] {strides = array<i32>} : memref<128x128xf32, #tpu.memory_space<vmem>>, vector<1x16xf32>,
        %get3A_683 = vector.shape_cast %get3A_682 : vector<1x16xf32> to vector<16xf32>
        %mul3A_684 = arith.mulf %get3A_683, %broadcast_in_dim3A_665 : vector<16xf32>
        %swap3A_685 = arith.index_cast %add3A_669 : i32 to index
        %swap3A_686 = arith.constant 16 : index
        %swap3A_687 = tpu.vector_load %arg10[%swap3A_685, %swap3A_686] {strides = array<i32>} : memref<128x128xf32, #tpu.memory_space<vmem>>, vector<1x16xf32>,
        %swap3A_688 = vector.shape_cast %swap3A_687 : vector<1x16xf32> to vector<16xf32>
        %swap3A_689 = vector.shape_cast %mul3A_684 : vector<16xf32> to vector<1x16xf32>
        tpu.vector_store %arg10[%swap3A_685, %swap3A_686], %swap3A_689 {strides = array<i32>} : memref<128x128xf32, #tpu.memory_space<vmem>>, vector<1x16xf32>,
        %get3A_690 = arith.index_cast %add3A_669 : i32 to index
        %get3A_691 = arith.constant 32 : index
        %get3A_692 = tpu.vector_load %arg10[%get3A_690, %get3A_691] {strides = array<i32>} : memref<128x128xf32, #tpu.memory_space<vmem>>, vector<1x16xf32>,
        %get3A_693 = vector.shape_cast %get3A_692 : vector<1x16xf32> to vector<16xf32>
        %mul3A_694 = arith.mulf %get3A_693, %broadcast_in_dim3A_665 : vector<16xf32>
        %swap3A_695 = arith.index_cast %add3A_669 : i32 to index
        %swap3A_696 = arith.constant 32 : index
        %swap3A_697 = tpu.vector_load %arg10[%swap3A_695, %swap3A_696] {strides = array<i32>} : memref<128x128xf32, #tpu.memory_space<vmem>>, vector<1x16xf32>,
        %swap3A_698 = vector.shape_cast %swap3A_697 : vector<1x16xf32> to vector<16xf32>
        %swap3A_699 = vector.shape_cast %mul3A_694 : vector<16xf32> to vector<1x16xf32>
        tpu.vector_store %arg10[%swap3A_695, %swap3A_696], %swap3A_699 {strides = array<i32>} : memref<128x128xf32, #tpu.memory_space<vmem>>, vector<1x16xf32>,
        %get3A_700 = arith.index_cast %add3A_669 : i32 to index
        %get3A_701 = arith.constant 48 : index
        %get3A_702 = tpu.vector_load %arg10[%get3A_700, %get3A_701] {strides = array<i32>} : memref<128x128xf32, #tpu.memory_space<vmem>>, vector<1x16xf32>,
        %get3A_703 = vector.shape_cast %get3A_702 : vector<1x16xf32> to vector<16xf32>
        %mul3A_704 = arith.mulf %get3A_703, %broadcast_in_dim3A_665 : vector<16xf32>
        %swap3A_705 = arith.index_cast %add3A_669 : i32 to index
        %swap3A_706 = arith.constant 48 : index
        %swap3A_707 = tpu.vector_load %arg10[%swap3A_705, %swap3A_706] {strides = array<i32>} : memref<128x128xf32, #tpu.memory_space<vmem>>, vector<1x16xf32>,
        %swap3A_708 = vector.shape_cast %swap3A_707 : vector<1x16xf32> to vector<16xf32>
        %swap3A_709 = vector.shape_cast %mul3A_704 : vector<16xf32> to vector<1x16xf32>
        tpu.vector_store %arg10[%swap3A_705, %swap3A_706], %swap3A_709 {strides = array<i32>} : memref<128x128xf32, #tpu.memory_space<vmem>>, vector<1x16xf32>,
        %get3A_710 = arith.index_cast %add3A_669 : i32 to index
        %get3A_711 = arith.constant 64 : index
        %get3A_712 = tpu.vector_load %arg10[%get3A_710, %get3A_711] {strides = array<i32>} : memref<128x128xf32, #tpu.memory_space<vmem>>, vector<1x16xf32>,
        %get3A_713 = vector.shape_cast %get3A_712 : vector<1x16xf32> to vector<16xf32>
        %mul3A_714 = arith.mulf %get3A_713, %broadcast_in_dim3A_665 : vector<16xf32>
        %swap3A_715 = arith.index_cast %add3A_669 : i32 to index
        %swap3A_716 = arith.constant 64 : index
        %swap3A_717 = tpu.vector_load %arg10[%swap3A_715, %swap3A_716] {strides = array<i32>} : memref<128x128xf32, #tpu.memory_space<vmem>>, vector<1x16xf32>,
        %swap3A_718 = vector.shape_cast %swap3A_717 : vector<1x16xf32> to vector<16xf32>
        %swap3A_719 = vector.shape_cast %mul3A_714 : vector<16xf32> to vector<1x16xf32>
        tpu.vector_store %arg10[%swap3A_715, %swap3A_716], %swap3A_719 {strides = array<i32>} : memref<128x128xf32, #tpu.memory_space<vmem>>, vector<1x16xf32>,
        %get3A_720 = arith.index_cast %add3A_669 : i32 to index
        %get3A_721 = arith.constant 80 : index
        %get3A_722 = tpu.vector_load %arg10[%get3A_720, %get3A_721] {strides = array<i32>} : memref<128x128xf32, #tpu.memory_space<vmem>>, vector<1x16xf32>,
        %get3A_723 = vector.shape_cast %get3A_722 : vector<1x16xf32> to vector<16xf32>
        %mul3A_724 = arith.mulf %get3A_723, %broadcast_in_dim3A_665 : vector<16xf32>
        %swap3A_725 = arith.index_cast %add3A_669 : i32 to index
        %swap3A_726 = arith.constant 80 : index
        %swap3A_727 = tpu.vector_load %arg10[%swap3A_725, %swap3A_726] {strides = array<i32>} : memref<128x128xf32, #tpu.memory_space<vmem>>, vector<1x16xf32>,
        %swap3A_728 = vector.shape_cast %swap3A_727 : vector<1x16xf32> to vector<16xf32>
        %swap3A_729 = vector.shape_cast %mul3A_724 : vector<16xf32> to vector<1x16xf32>
        tpu.vector_store %arg10[%swap3A_725, %swap3A_726], %swap3A_729 {strides = array<i32>} : memref<128x128xf32, #tpu.memory_space<vmem>>, vector<1x16xf32>,
        %get3A_730 = arith.index_cast %add3A_669 : i32 to index
        %get3A_731 = arith.constant 96 : index
        %get3A_732 = tpu.vector_load %arg10[%get3A_730, %get3A_731] {strides = array<i32>} : memref<128x128xf32, #tpu.memory_space<vmem>>, vector<1x16xf32>,
        %get3A_733 = vector.shape_cast %get3A_732 : vector<1x16xf32> to vector<16xf32>
        %mul3A_734 = arith.mulf %get3A_733, %broadcast_in_dim3A_665 : vector<16xf32>
        %swap3A_735 = arith.index_cast %add3A_669 : i32 to index
        %swap3A_736 = arith.constant 96 : index
        %swap3A_737 = tpu.vector_load %arg10[%swap3A_735, %swap3A_736] {strides = array<i32>} : memref<128x128xf32, #tpu.memory_space<vmem>>, vector<1x16xf32>,
        %swap3A_738 = vector.shape_cast %swap3A_737 : vector<1x16xf32> to vector<16xf32>
        %swap3A_739 = vector.shape_cast %mul3A_734 : vector<16xf32> to vector<1x16xf32>
        tpu.vector_store %arg10[%swap3A_735, %swap3A_736], %swap3A_739 {strides = array<i32>} : memref<128x128xf32, #tpu.memory_space<vmem>>, vector<1x16xf32>,
        %get3A_740 = arith.index_cast %add3A_669 : i32 to index
        %get3A_741 = arith.constant 112 : index
        %get3A_742 = tpu.vector_load %arg10[%get3A_740, %get3A_741] {strides = array<i32>} : memref<128x128xf32, #tpu.memory_space<vmem>>, vector<1x16xf32>,
        %get3A_743 = vector.shape_cast %get3A_742 : vector<1x16xf32> to vector<16xf32>
        %mul3A_744 = arith.mulf %get3A_743, %broadcast_in_dim3A_665 : vector<16xf32>
        %swap3A_745 = arith.index_cast %add3A_669 : i32 to index
        %swap3A_746 = arith.constant 112 : index
        %swap3A_747 = tpu.vector_load %arg10[%swap3A_745, %swap3A_746] {strides = array<i32>} : memref<128x128xf32, #tpu.memory_space<vmem>>, vector<1x16xf32>,
        %swap3A_748 = vector.shape_cast %swap3A_747 : vector<1x16xf32> to vector<16xf32>
        %swap3A_749 = vector.shape_cast %mul3A_744 : vector<16xf32> to vector<1x16xf32>
        tpu.vector_store %arg10[%swap3A_745, %swap3A_746], %swap3A_749 {strides = array<i32>} : memref<128x128xf32, #tpu.memory_space<vmem>>, vector<1x16xf32>,
        %slice3A_750 = vector.extract_strided_slice %get3A_56 {offsets = [8], sizes = [1], strides = [1]} : vector<16xf32> to vector<1xf32>
        %squeeze3A_751 = vector.extract %slice3A_750[0] : f32 from vector<1xf32>
        %broadcast_in_dim3A_752 = vector.broadcast %squeeze3A_751 : f32 to vector<16xf32>
        %mul3A_753 = arith.constant 16 : i32
        %mul3A_754 = arith.muli %scan3A_51, %mul3A_753 : i32
        %add3A_755 = arith.constant 8 : i32
        %add3A_756 = arith.addi %mul3A_754, %add3A_755 : i32
        %get3A_757 = arith.index_cast %add3A_756 : i32 to index
        %get3A_758 = arith.constant 0 : index
        %get3A_759 = tpu.vector_load %arg10[%get3A_757, %get3A_758] {strides = array<i32>} : memref<128x128xf32, #tpu.memory_space<vmem>>, vector<1x16xf32>,
        %get3A_760 = vector.shape_cast %get3A_759 : vector<1x16xf32> to vector<16xf32>
        %mul3A_761 = arith.mulf %get3A_760, %broadcast_in_dim3A_752 : vector<16xf32>
        %swap3A_762 = arith.index_cast %add3A_756 : i32 to index
        %swap3A_763 = arith.constant 0 : index
        %swap3A_764 = tpu.vector_load %arg10[%swap3A_762, %swap3A_763] {strides = array<i32>} : memref<128x128xf32, #tpu.memory_space<vmem>>, vector<1x16xf32>,
        %swap3A_765 = vector.shape_cast %swap3A_764 : vector<1x16xf32> to vector<16xf32>
        %swap3A_766 = vector.shape_cast %mul3A_761 : vector<16xf32> to vector<1x16xf32>
        tpu.vector_store %arg10[%swap3A_762, %swap3A_763], %swap3A_766 {strides = array<i32>} : memref<128x128xf32, #tpu.memory_space<vmem>>, vector<1x16xf32>,
        %get3A_767 = arith.index_cast %add3A_756 : i32 to index
        %get3A_768 = arith.constant 16 : index
        %get3A_769 = tpu.vector_load %arg10[%get3A_767, %get3A_768] {strides = array<i32>} : memref<128x128xf32, #tpu.memory_space<vmem>>, vector<1x16xf32>,
        %get3A_770 = vector.shape_cast %get3A_769 : vector<1x16xf32> to vector<16xf32>
        %mul3A_771 = arith.mulf %get3A_770, %broadcast_in_dim3A_752 : vector<16xf32>
        %swap3A_772 = arith.index_cast %add3A_756 : i32 to index
        %swap3A_773 = arith.constant 16 : index
        %swap3A_774 = tpu.vector_load %arg10[%swap3A_772, %swap3A_773] {strides = array<i32>} : memref<128x128xf32, #tpu.memory_space<vmem>>, vector<1x16xf32>,
        %swap3A_775 = vector.shape_cast %swap3A_774 : vector<1x16xf32> to vector<16xf32>
        %swap3A_776 = vector.shape_cast %mul3A_771 : vector<16xf32> to vector<1x16xf32>
        tpu.vector_store %arg10[%swap3A_772, %swap3A_773], %swap3A_776 {strides = array<i32>} : memref<128x128xf32, #tpu.memory_space<vmem>>, vector<1x16xf32>,
        %get3A_777 = arith.index_cast %add3A_756 : i32 to index
        %get3A_778 = arith.constant 32 : index
        %get3A_779 = tpu.vector_load %arg10[%get3A_777, %get3A_778] {strides = array<i32>} : memref<128x128xf32, #tpu.memory_space<vmem>>, vector<1x16xf32>,
        %get3A_780 = vector.shape_cast %get3A_779 : vector<1x16xf32> to vector<16xf32>
        %mul3A_781 = arith.mulf %get3A_780, %broadcast_in_dim3A_752 : vector<16xf32>
        %swap3A_782 = arith.index_cast %add3A_756 : i32 to index
        %swap3A_783 = arith.constant 32 : index
        %swap3A_784 = tpu.vector_load %arg10[%swap3A_782, %swap3A_783] {strides = array<i32>} : memref<128x128xf32, #tpu.memory_space<vmem>>, vector<1x16xf32>,
        %swap3A_785 = vector.shape_cast %swap3A_784 : vector<1x16xf32> to vector<16xf32>
        %swap3A_786 = vector.shape_cast %mul3A_781 : vector<16xf32> to vector<1x16xf32>
        tpu.vector_store %arg10[%swap3A_782, %swap3A_783], %swap3A_786 {strides = array<i32>} : memref<128x128xf32, #tpu.memory_space<vmem>>, vector<1x16xf32>,
        %get3A_787 = arith.index_cast %add3A_756 : i32 to index
        %get3A_788 = arith.constant 48 : index
        %get3A_789 = tpu.vector_load %arg10[%get3A_787, %get3A_788] {strides = array<i32>} : memref<128x128xf32, #tpu.memory_space<vmem>>, vector<1x16xf32>,
        %get3A_790 = vector.shape_cast %get3A_789 : vector<1x16xf32> to vector<16xf32>
        %mul3A_791 = arith.mulf %get3A_790, %broadcast_in_dim3A_752 : vector<16xf32>
        %swap3A_792 = arith.index_cast %add3A_756 : i32 to index
        %swap3A_793 = arith.constant 48 : index
        %swap3A_794 = tpu.vector_load %arg10[%swap3A_792, %swap3A_793] {strides = array<i32>} : memref<128x128xf32, #tpu.memory_space<vmem>>, vector<1x16xf32>,
        %swap3A_795 = vector.shape_cast %swap3A_794 : vector<1x16xf32> to vector<16xf32>
        %swap3A_796 = vector.shape_cast %mul3A_791 : vector<16xf32> to vector<1x16xf32>
        tpu.vector_store %arg10[%swap3A_792, %swap3A_793], %swap3A_796 {strides = array<i32>} : memref<128x128xf32, #tpu.memory_space<vmem>>, vector<1x16xf32>,
        %get3A_797 = arith.index_cast %add3A_756 : i32 to index
        %get3A_798 = arith.constant 64 : index
        %get3A_799 = tpu.vector_load %arg10[%get3A_797, %get3A_798] {strides = array<i32>} : memref<128x128xf32, #tpu.memory_space<vmem>>, vector<1x16xf32>,
        %get3A_800 = vector.shape_cast %get3A_799 : vector<1x16xf32> to vector<16xf32>
        %mul3A_801 = arith.mulf %get3A_800, %broadcast_in_dim3A_752 : vector<16xf32>
        %swap3A_802 = arith.index_cast %add3A_756 : i32 to index
        %swap3A_803 = arith.constant 64 : index
        %swap3A_804 = tpu.vector_load %arg10[%swap3A_802, %swap3A_803] {strides = array<i32>} : memref<128x128xf32, #tpu.memory_space<vmem>>, vector<1x16xf32>,
        %swap3A_805 = vector.shape_cast %swap3A_804 : vector<1x16xf32> to vector<16xf32>
        %swap3A_806 = vector.shape_cast %mul3A_801 : vector<16xf32> to vector<1x16xf32>
        tpu.vector_store %arg10[%swap3A_802, %swap3A_803], %swap3A_806 {strides = array<i32>} : memref<128x128xf32, #tpu.memory_space<vmem>>, vector<1x16xf32>,
        %get3A_807 = arith.index_cast %add3A_756 : i32 to index
        %get3A_808 = arith.constant 80 : index
        %get3A_809 = tpu.vector_load %arg10[%get3A_807, %get3A_808] {strides = array<i32>} : memref<128x128xf32, #tpu.memory_space<vmem>>, vector<1x16xf32>,
        %get3A_810 = vector.shape_cast %get3A_809 : vector<1x16xf32> to vector<16xf32>
        %mul3A_811 = arith.mulf %get3A_810, %broadcast_in_dim3A_752 : vector<16xf32>
        %swap3A_812 = arith.index_cast %add3A_756 : i32 to index
        %swap3A_813 = arith.constant 80 : index
        %swap3A_814 = tpu.vector_load %arg10[%swap3A_812, %swap3A_813] {strides = array<i32>} : memref<128x128xf32, #tpu.memory_space<vmem>>, vector<1x16xf32>,
        %swap3A_815 = vector.shape_cast %swap3A_814 : vector<1x16xf32> to vector<16xf32>
        %swap3A_816 = vector.shape_cast %mul3A_811 : vector<16xf32> to vector<1x16xf32>
        tpu.vector_store %arg10[%swap3A_812, %swap3A_813], %swap3A_816 {strides = array<i32>} : memref<128x128xf32, #tpu.memory_space<vmem>>, vector<1x16xf32>,
        %get3A_817 = arith.index_cast %add3A_756 : i32 to index
        %get3A_818 = arith.constant 96 : index
        %get3A_819 = tpu.vector_load %arg10[%get3A_817, %get3A_818] {strides = array<i32>} : memref<128x128xf32, #tpu.memory_space<vmem>>, vector<1x16xf32>,
        %get3A_820 = vector.shape_cast %get3A_819 : vector<1x16xf32> to vector<16xf32>
        %mul3A_821 = arith.mulf %get3A_820, %broadcast_in_dim3A_752 : vector<16xf32>
        %swap3A_822 = arith.index_cast %add3A_756 : i32 to index
        %swap3A_823 = arith.constant 96 : index
        %swap3A_824 = tpu.vector_load %arg10[%swap3A_822, %swap3A_823] {strides = array<i32>} : memref<128x128xf32, #tpu.memory_space<vmem>>, vector<1x16xf32>,
        %swap3A_825 = vector.shape_cast %swap3A_824 : vector<1x16xf32> to vector<16xf32>
        %swap3A_826 = vector.shape_cast %mul3A_821 : vector<16xf32> to vector<1x16xf32>
        tpu.vector_store %arg10[%swap3A_822, %swap3A_823], %swap3A_826 {strides = array<i32>} : memref<128x128xf32, #tpu.memory_space<vmem>>, vector<1x16xf32>,
        %get3A_827 = arith.index_cast %add3A_756 : i32 to index
        %get3A_828 = arith.constant 112 : index
        %get3A_829 = tpu.vector_load %arg10[%get3A_827, %get3A_828] {strides = array<i32>} : memref<128x128xf32, #tpu.memory_space<vmem>>, vector<1x16xf32>,
        %get3A_830 = vector.shape_cast %get3A_829 : vector<1x16xf32> to vector<16xf32>
        %mul3A_831 = arith.mulf %get3A_830, %broadcast_in_dim3A_752 : vector<16xf32>
        %swap3A_832 = arith.index_cast %add3A_756 : i32 to index
        %swap3A_833 = arith.constant 112 : index
        %swap3A_834 = tpu.vector_load %arg10[%swap3A_832, %swap3A_833] {strides = array<i32>} : memref<128x128xf32, #tpu.memory_space<vmem>>, vector<1x16xf32>,
        %swap3A_835 = vector.shape_cast %swap3A_834 : vector<1x16xf32> to vector<16xf32>
        %swap3A_836 = vector.shape_cast %mul3A_831 : vector<16xf32> to vector<1x16xf32>
        tpu.vector_store %arg10[%swap3A_832, %swap3A_833], %swap3A_836 {strides = array<i32>} : memref<128x128xf32, #tpu.memory_space<vmem>>, vector<1x16xf32>,
        %slice3A_837 = vector.extract_strided_slice %get3A_56 {offsets = [9], sizes = [1], strides = [1]} : vector<16xf32> to vector<1xf32>
        %squeeze3A_838 = vector.extract %slice3A_837[0] : f32 from vector<1xf32>
        %broadcast_in_dim3A_839 = vector.broadcast %squeeze3A_838 : f32 to vector<16xf32>
        %mul3A_840 = arith.constant 16 : i32
        %mul3A_841 = arith.muli %scan3A_51, %mul3A_840 : i32
        %add3A_842 = arith.constant 9 : i32
        %add3A_843 = arith.addi %mul3A_841, %add3A_842 : i32
        %get3A_844 = arith.index_cast %add3A_843 : i32 to index
        %get3A_845 = arith.constant 0 : index
        %get3A_846 = tpu.vector_load %arg10[%get3A_844, %get3A_845] {strides = array<i32>} : memref<128x128xf32, #tpu.memory_space<vmem>>, vector<1x16xf32>,
        %get3A_847 = vector.shape_cast %get3A_846 : vector<1x16xf32> to vector<16xf32>
        %mul3A_848 = arith.mulf %get3A_847, %broadcast_in_dim3A_839 : vector<16xf32>
        %swap3A_849 = arith.index_cast %add3A_843 : i32 to index
        %swap3A_850 = arith.constant 0 : index
        %swap3A_851 = tpu.vector_load %arg10[%swap3A_849, %swap3A_850] {strides = array<i32>} : memref<128x128xf32, #tpu.memory_space<vmem>>, vector<1x16xf32>,
        %swap3A_852 = vector.shape_cast %swap3A_851 : vector<1x16xf32> to vector<16xf32>
        %swap3A_853 = vector.shape_cast %mul3A_848 : vector<16xf32> to vector<1x16xf32>
        tpu.vector_store %arg10[%swap3A_849, %swap3A_850], %swap3A_853 {strides = array<i32>} : memref<128x128xf32, #tpu.memory_space<vmem>>, vector<1x16xf32>,
        %get3A_854 = arith.index_cast %add3A_843 : i32 to index
        %get3A_855 = arith.constant 16 : index
        %get3A_856 = tpu.vector_load %arg10[%get3A_854, %get3A_855] {strides = array<i32>} : memref<128x128xf32, #tpu.memory_space<vmem>>, vector<1x16xf32>,
        %get3A_857 = vector.shape_cast %get3A_856 : vector<1x16xf32> to vector<16xf32>
        %mul3A_858 = arith.mulf %get3A_857, %broadcast_in_dim3A_839 : vector<16xf32>
        %swap3A_859 = arith.index_cast %add3A_843 : i32 to index
        %swap3A_860 = arith.constant 16 : index
        %swap3A_861 = tpu.vector_load %arg10[%swap3A_859, %swap3A_860] {strides = array<i32>} : memref<128x128xf32, #tpu.memory_space<vmem>>, vector<1x16xf32>,
        %swap3A_862 = vector.shape_cast %swap3A_861 : vector<1x16xf32> to vector<16xf32>
        %swap3A_863 = vector.shape_cast %mul3A_858 : vector<16xf32> to vector<1x16xf32>
        tpu.vector_store %arg10[%swap3A_859, %swap3A_860], %swap3A_863 {strides = array<i32>} : memref<128x128xf32, #tpu.memory_space<vmem>>, vector<1x16xf32>,
        %get3A_864 = arith.index_cast %add3A_843 : i32 to index
        %get3A_865 = arith.constant 32 : index
        %get3A_866 = tpu.vector_load %arg10[%get3A_864, %get3A_865] {strides = array<i32>} : memref<128x128xf32, #tpu.memory_space<vmem>>, vector<1x16xf32>,
        %get3A_867 = vector.shape_cast %get3A_866 : vector<1x16xf32> to vector<16xf32>
        %mul3A_868 = arith.mulf %get3A_867, %broadcast_in_dim3A_839 : vector<16xf32>
        %swap3A_869 = arith.index_cast %add3A_843 : i32 to index
        %swap3A_870 = arith.constant 32 : index
        %swap3A_871 = tpu.vector_load %arg10[%swap3A_869, %swap3A_870] {strides = array<i32>} : memref<128x128xf32, #tpu.memory_space<vmem>>, vector<1x16xf32>,
        %swap3A_872 = vector.shape_cast %swap3A_871 : vector<1x16xf32> to vector<16xf32>
        %swap3A_873 = vector.shape_cast %mul3A_868 : vector<16xf32> to vector<1x16xf32>
        tpu.vector_store %arg10[%swap3A_869, %swap3A_870], %swap3A_873 {strides = array<i32>} : memref<128x128xf32, #tpu.memory_space<vmem>>, vector<1x16xf32>,
        %get3A_874 = arith.index_cast %add3A_843 : i32 to index
        %get3A_875 = arith.constant 48 : index
        %get3A_876 = tpu.vector_load %arg10[%get3A_874, %get3A_875] {strides = array<i32>} : memref<128x128xf32, #tpu.memory_space<vmem>>, vector<1x16xf32>,
        %get3A_877 = vector.shape_cast %get3A_876 : vector<1x16xf32> to vector<16xf32>
        %mul3A_878 = arith.mulf %get3A_877, %broadcast_in_dim3A_839 : vector<16xf32>
        %swap3A_879 = arith.index_cast %add3A_843 : i32 to index
        %swap3A_880 = arith.constant 48 : index
        %swap3A_881 = tpu.vector_load %arg10[%swap3A_879, %swap3A_880] {strides = array<i32>} : memref<128x128xf32, #tpu.memory_space<vmem>>, vector<1x16xf32>,
        %swap3A_882 = vector.shape_cast %swap3A_881 : vector<1x16xf32> to vector<16xf32>
        %swap3A_883 = vector.shape_cast %mul3A_878 : vector<16xf32> to vector<1x16xf32>
        tpu.vector_store %arg10[%swap3A_879, %swap3A_880], %swap3A_883 {strides = array<i32>} : memref<128x128xf32, #tpu.memory_space<vmem>>, vector<1x16xf32>,
        %get3A_884 = arith.index_cast %add3A_843 : i32 to index
        %get3A_885 = arith.constant 64 : index
        %get3A_886 = tpu.vector_load %arg10[%get3A_884, %get3A_885] {strides = array<i32>} : memref<128x128xf32, #tpu.memory_space<vmem>>, vector<1x16xf32>,
        %get3A_887 = vector.shape_cast %get3A_886 : vector<1x16xf32> to vector<16xf32>
        %mul3A_888 = arith.mulf %get3A_887, %broadcast_in_dim3A_839 : vector<16xf32>
        %swap3A_889 = arith.index_cast %add3A_843 : i32 to index
        %swap3A_890 = arith.constant 64 : index
        %swap3A_891 = tpu.vector_load %arg10[%swap3A_889, %swap3A_890] {strides = array<i32>} : memref<128x128xf32, #tpu.memory_space<vmem>>, vector<1x16xf32>,
        %swap3A_892 = vector.shape_cast %swap3A_891 : vector<1x16xf32> to vector<16xf32>
        %swap3A_893 = vector.shape_cast %mul3A_888 : vector<16xf32> to vector<1x16xf32>
        tpu.vector_store %arg10[%swap3A_889, %swap3A_890], %swap3A_893 {strides = array<i32>} : memref<128x128xf32, #tpu.memory_space<vmem>>, vector<1x16xf32>,
        %get3A_894 = arith.index_cast %add3A_843 : i32 to index
        %get3A_895 = arith.constant 80 : index
        %get3A_896 = tpu.vector_load %arg10[%get3A_894, %get3A_895] {strides = array<i32>} : memref<128x128xf32, #tpu.memory_space<vmem>>, vector<1x16xf32>,
        %get3A_897 = vector.shape_cast %get3A_896 : vector<1x16xf32> to vector<16xf32>
        %mul3A_898 = arith.mulf %get3A_897, %broadcast_in_dim3A_839 : vector<16xf32>
        %swap3A_899 = arith.index_cast %add3A_843 : i32 to index
        %swap3A_900 = arith.constant 80 : index
        %swap3A_901 = tpu.vector_load %arg10[%swap3A_899, %swap3A_900] {strides = array<i32>} : memref<128x128xf32, #tpu.memory_space<vmem>>, vector<1x16xf32>,
        %swap3A_902 = vector.shape_cast %swap3A_901 : vector<1x16xf32> to vector<16xf32>
        %swap3A_903 = vector.shape_cast %mul3A_898 : vector<16xf32> to vector<1x16xf32>
        tpu.vector_store %arg10[%swap3A_899, %swap3A_900], %swap3A_903 {strides = array<i32>} : memref<128x128xf32, #tpu.memory_space<vmem>>, vector<1x16xf32>,
        %get3A_904 = arith.index_cast %add3A_843 : i32 to index
        %get3A_905 = arith.constant 96 : index
        %get3A_906 = tpu.vector_load %arg10[%get3A_904, %get3A_905] {strides = array<i32>} : memref<128x128xf32, #tpu.memory_space<vmem>>, vector<1x16xf32>,
        %get3A_907 = vector.shape_cast %get3A_906 : vector<1x16xf32> to vector<16xf32>
        %mul3A_908 = arith.mulf %get3A_907, %broadcast_in_dim3A_839 : vector<16xf32>
        %swap3A_909 = arith.index_cast %add3A_843 : i32 to index
        %swap3A_910 = arith.constant 96 : index
        %swap3A_911 = tpu.vector_load %arg10[%swap3A_909, %swap3A_910] {strides = array<i32>} : memref<128x128xf32, #tpu.memory_space<vmem>>, vector<1x16xf32>,
        %swap3A_912 = vector.shape_cast %swap3A_911 : vector<1x16xf32> to vector<16xf32>
        %swap3A_913 = vector.shape_cast %mul3A_908 : vector<16xf32> to vector<1x16xf32>
        tpu.vector_store %arg10[%swap3A_909, %swap3A_910], %swap3A_913 {strides = array<i32>} : memref<128x128xf32, #tpu.memory_space<vmem>>, vector<1x16xf32>,
        %get3A_914 = arith.index_cast %add3A_843 : i32 to index
        %get3A_915 = arith.constant 112 : index
        %get3A_916 = tpu.vector_load %arg10[%get3A_914, %get3A_915] {strides = array<i32>} : memref<128x128xf32, #tpu.memory_space<vmem>>, vector<1x16xf32>,
        %get3A_917 = vector.shape_cast %get3A_916 : vector<1x16xf32> to vector<16xf32>
        %mul3A_918 = arith.mulf %get3A_917, %broadcast_in_dim3A_839 : vector<16xf32>
        %swap3A_919 = arith.index_cast %add3A_843 : i32 to index
        %swap3A_920 = arith.constant 112 : index
        %swap3A_921 = tpu.vector_load %arg10[%swap3A_919, %swap3A_920] {strides = array<i32>} : memref<128x128xf32, #tpu.memory_space<vmem>>, vector<1x16xf32>,
        %swap3A_922 = vector.shape_cast %swap3A_921 : vector<1x16xf32> to vector<16xf32>
        %swap3A_923 = vector.shape_cast %mul3A_918 : vector<16xf32> to vector<1x16xf32>
        tpu.vector_store %arg10[%swap3A_919, %swap3A_920], %swap3A_923 {strides = array<i32>} : memref<128x128xf32, #tpu.memory_space<vmem>>, vector<1x16xf32>,
        %slice3A_924 = vector.extract_strided_slice %get3A_56 {offsets = [10], sizes = [1], strides = [1]} : vector<16xf32> to vector<1xf32>
        %squeeze3A_925 = vector.extract %slice3A_924[0] : f32 from vector<1xf32>
        %broadcast_in_dim3A_926 = vector.broadcast %squeeze3A_925 : f32 to vector<16xf32>
        %mul3A_927 = arith.constant 16 : i32
        %mul3A_928 = arith.muli %scan3A_51, %mul3A_927 : i32
        %add3A_929 = arith.constant 10 : i32
        %add3A_930 = arith.addi %mul3A_928, %add3A_929 : i32
        %get3A_931 = arith.index_cast %add3A_930 : i32 to index
        %get3A_932 = arith.constant 0 : index
        %get3A_933 = tpu.vector_load %arg10[%get3A_931, %get3A_932] {strides = array<i32>} : memref<128x128xf32, #tpu.memory_space<vmem>>, vector<1x16xf32>,
        %get3A_934 = vector.shape_cast %get3A_933 : vector<1x16xf32> to vector<16xf32>
        %mul3A_935 = arith.mulf %get3A_934, %broadcast_in_dim3A_926 : vector<16xf32>
        %swap3A_936 = arith.index_cast %add3A_930 : i32 to index
        %swap3A_937 = arith.constant 0 : index
        %swap3A_938 = tpu.vector_load %arg10[%swap3A_936, %swap3A_937] {strides = array<i32>} : memref<128x128xf32, #tpu.memory_space<vmem>>, vector<1x16xf32>,
        %swap3A_939 = vector.shape_cast %swap3A_938 : vector<1x16xf32> to vector<16xf32>
        %swap3A_940 = vector.shape_cast %mul3A_935 : vector<16xf32> to vector<1x16xf32>
        tpu.vector_store %arg10[%swap3A_936, %swap3A_937], %swap3A_940 {strides = array<i32>} : memref<128x128xf32, #tpu.memory_space<vmem>>, vector<1x16xf32>,
        %get3A_941 = arith.index_cast %add3A_930 : i32 to index
        %get3A_942 = arith.constant 16 : index
        %get3A_943 = tpu.vector_load %arg10[%get3A_941, %get3A_942] {strides = array<i32>} : memref<128x128xf32, #tpu.memory_space<vmem>>, vector<1x16xf32>,
        %get3A_944 = vector.shape_cast %get3A_943 : vector<1x16xf32> to vector<16xf32>
        %mul3A_945 = arith.mulf %get3A_944, %broadcast_in_dim3A_926 : vector<16xf32>
        %swap3A_946 = arith.index_cast %add3A_930 : i32 to index
        %swap3A_947 = arith.constant 16 : index
        %swap3A_948 = tpu.vector_load %arg10[%swap3A_946, %swap3A_947] {strides = array<i32>} : memref<128x128xf32, #tpu.memory_space<vmem>>, vector<1x16xf32>,
        %swap3A_949 = vector.shape_cast %swap3A_948 : vector<1x16xf32> to vector<16xf32>
        %swap3A_950 = vector.shape_cast %mul3A_945 : vector<16xf32> to vector<1x16xf32>
        tpu.vector_store %arg10[%swap3A_946, %swap3A_947], %swap3A_950 {strides = array<i32>} : memref<128x128xf32, #tpu.memory_space<vmem>>, vector<1x16xf32>,
        %get3A_951 = arith.index_cast %add3A_930 : i32 to index
        %get3A_952 = arith.constant 32 : index
        %get3A_953 = tpu.vector_load %arg10[%get3A_951, %get3A_952] {strides = array<i32>} : memref<128x128xf32, #tpu.memory_space<vmem>>, vector<1x16xf32>,
        %get3A_954 = vector.shape_cast %get3A_953 : vector<1x16xf32> to vector<16xf32>
        %mul3A_955 = arith.mulf %get3A_954, %broadcast_in_dim3A_926 : vector<16xf32>
        %swap3A_956 = arith.index_cast %add3A_930 : i32 to index
        %swap3A_957 = arith.constant 32 : index
        %swap3A_958 = tpu.vector_load %arg10[%swap3A_956, %swap3A_957] {strides = array<i32>} : memref<128x128xf32, #tpu.memory_space<vmem>>, vector<1x16xf32>,
        %swap3A_959 = vector.shape_cast %swap3A_958 : vector<1x16xf32> to vector<16xf32>
        %swap3A_960 = vector.shape_cast %mul3A_955 : vector<16xf32> to vector<1x16xf32>
        tpu.vector_store %arg10[%swap3A_956, %swap3A_957], %swap3A_960 {strides = array<i32>} : memref<128x128xf32, #tpu.memory_space<vmem>>, vector<1x16xf32>,
        %get3A_961 = arith.index_cast %add3A_930 : i32 to index
        %get3A_962 = arith.constant 48 : index
        %get3A_963 = tpu.vector_load %arg10[%get3A_961, %get3A_962] {strides = array<i32>} : memref<128x128xf32, #tpu.memory_space<vmem>>, vector<1x16xf32>,
        %get3A_964 = vector.shape_cast %get3A_963 : vector<1x16xf32> to vector<16xf32>
        %mul3A_965 = arith.mulf %get3A_964, %broadcast_in_dim3A_926 : vector<16xf32>
        %swap3A_966 = arith.index_cast %add3A_930 : i32 to index
        %swap3A_967 = arith.constant 48 : index
        %swap3A_968 = tpu.vector_load %arg10[%swap3A_966, %swap3A_967] {strides = array<i32>} : memref<128x128xf32, #tpu.memory_space<vmem>>, vector<1x16xf32>,
        %swap3A_969 = vector.shape_cast %swap3A_968 : vector<1x16xf32> to vector<16xf32>
        %swap3A_970 = vector.shape_cast %mul3A_965 : vector<16xf32> to vector<1x16xf32>
        tpu.vector_store %arg10[%swap3A_966, %swap3A_967], %swap3A_970 {strides = array<i32>} : memref<128x128xf32, #tpu.memory_space<vmem>>, vector<1x16xf32>,
        %get3A_971 = arith.index_cast %add3A_930 : i32 to index
        %get3A_972 = arith.constant 64 : index
        %get3A_973 = tpu.vector_load %arg10[%get3A_971, %get3A_972] {strides = array<i32>} : memref<128x128xf32, #tpu.memory_space<vmem>>, vector<1x16xf32>,
        %get3A_974 = vector.shape_cast %get3A_973 : vector<1x16xf32> to vector<16xf32>
        %mul3A_975 = arith.mulf %get3A_974, %broadcast_in_dim3A_926 : vector<16xf32>
        %swap3A_976 = arith.index_cast %add3A_930 : i32 to index
        %swap3A_977 = arith.constant 64 : index
        %swap3A_978 = tpu.vector_load %arg10[%swap3A_976, %swap3A_977] {strides = array<i32>} : memref<128x128xf32, #tpu.memory_space<vmem>>, vector<1x16xf32>,
        %swap3A_979 = vector.shape_cast %swap3A_978 : vector<1x16xf32> to vector<16xf32>
        %swap3A_980 = vector.shape_cast %mul3A_975 : vector<16xf32> to vector<1x16xf32>
        tpu.vector_store %arg10[%swap3A_976, %swap3A_977], %swap3A_980 {strides = array<i32>} : memref<128x128xf32, #tpu.memory_space<vmem>>, vector<1x16xf32>,
        %get3A_981 = arith.index_cast %add3A_930 : i32 to index
        %get3A_982 = arith.constant 80 : index
        %get3A_983 = tpu.vector_load %arg10[%get3A_981, %get3A_982] {strides = array<i32>} : memref<128x128xf32, #tpu.memory_space<vmem>>, vector<1x16xf32>,
        %get3A_984 = vector.shape_cast %get3A_983 : vector<1x16xf32> to vector<16xf32>
        %mul3A_985 = arith.mulf %get3A_984, %broadcast_in_dim3A_926 : vector<16xf32>
        %swap3A_986 = arith.index_cast %add3A_930 : i32 to index
        %swap3A_987 = arith.constant 80 : index
        %swap3A_988 = tpu.vector_load %arg10[%swap3A_986, %swap3A_987] {strides = array<i32>} : memref<128x128xf32, #tpu.memory_space<vmem>>, vector<1x16xf32>,
        %swap3A_989 = vector.shape_cast %swap3A_988 : vector<1x16xf32> to vector<16xf32>
        %swap3A_990 = vector.shape_cast %mul3A_985 : vector<16xf32> to vector<1x16xf32>
        tpu.vector_store %arg10[%swap3A_986, %swap3A_987], %swap3A_990 {strides = array<i32>} : memref<128x128xf32, #tpu.memory_space<vmem>>, vector<1x16xf32>,
        %get3A_991 = arith.index_cast %add3A_930 : i32 to index
        %get3A_992 = arith.constant 96 : index
        %get3A_993 = tpu.vector_load %arg10[%get3A_991, %get3A_992] {strides = array<i32>} : memref<128x128xf32, #tpu.memory_space<vmem>>, vector<1x16xf32>,
        %get3A_994 = vector.shape_cast %get3A_993 : vector<1x16xf32> to vector<16xf32>
        %mul3A_995 = arith.mulf %get3A_994, %broadcast_in_dim3A_926 : vector<16xf32>
        %swap3A_996 = arith.index_cast %add3A_930 : i32 to index
        %swap3A_997 = arith.constant 96 : index
        %swap3A_998 = tpu.vector_load %arg10[%swap3A_996, %swap3A_997] {strides = array<i32>} : memref<128x128xf32, #tpu.memory_space<vmem>>, vector<1x16xf32>,
        %swap3A_999 = vector.shape_cast %swap3A_998 : vector<1x16xf32> to vector<16xf32>
        %swap3A_1000 = vector.shape_cast %mul3A_995 : vector<16xf32> to vector<1x16xf32>
        tpu.vector_store %arg10[%swap3A_996, %swap3A_997], %swap3A_1000 {strides = array<i32>} : memref<128x128xf32, #tpu.memory_space<vmem>>, vector<1x16xf32>,
        %get3A_1001 = arith.index_cast %add3A_930 : i32 to index
        %get3A_1002 = arith.constant 112 : index
        %get3A_1003 = tpu.vector_load %arg10[%get3A_1001, %get3A_1002] {strides = array<i32>} : memref<128x128xf32, #tpu.memory_space<vmem>>, vector<1x16xf32>,
        %get3A_1004 = vector.shape_cast %get3A_1003 : vector<1x16xf32> to vector<16xf32>
        %mul3A_1005 = arith.mulf %get3A_1004, %broadcast_in_dim3A_926 : vector<16xf32>
        %swap3A_1006 = arith.index_cast %add3A_930 : i32 to index
        %swap3A_1007 = arith.constant 112 : index
        %swap3A_1008 = tpu.vector_load %arg10[%swap3A_1006, %swap3A_1007] {strides = array<i32>} : memref<128x128xf32, #tpu.memory_space<vmem>>, vector<1x16xf32>,
        %swap3A_1009 = vector.shape_cast %swap3A_1008 : vector<1x16xf32> to vector<16xf32>
        %swap3A_1010 = vector.shape_cast %mul3A_1005 : vector<16xf32> to vector<1x16xf32>
        tpu.vector_store %arg10[%swap3A_1006, %swap3A_1007], %swap3A_1010 {strides = array<i32>} : memref<128x128xf32, #tpu.memory_space<vmem>>, vector<1x16xf32>,
        %slice3A_1011 = vector.extract_strided_slice %get3A_56 {offsets = [11], sizes = [1], strides = [1]} : vector<16xf32> to vector<1xf32>
        %squeeze3A_1012 = vector.extract %slice3A_1011[0] : f32 from vector<1xf32>
        %broadcast_in_dim3A_1013 = vector.broadcast %squeeze3A_1012 : f32 to vector<16xf32>
        %mul3A_1014 = arith.constant 16 : i32
        %mul3A_1015 = arith.muli %scan3A_51, %mul3A_1014 : i32
        %add3A_1016 = arith.constant 11 : i32
        %add3A_1017 = arith.addi %mul3A_1015, %add3A_1016 : i32
        %get3A_1018 = arith.index_cast %add3A_1017 : i32 to index
        %get3A_1019 = arith.constant 0 : index
        %get3A_1020 = tpu.vector_load %arg10[%get3A_1018, %get3A_1019] {strides = array<i32>} : memref<128x128xf32, #tpu.memory_space<vmem>>, vector<1x16xf32>,
        %get3A_1021 = vector.shape_cast %get3A_1020 : vector<1x16xf32> to vector<16xf32>
        %mul3A_1022 = arith.mulf %get3A_1021, %broadcast_in_dim3A_1013 : vector<16xf32>
        %swap3A_1023 = arith.index_cast %add3A_1017 : i32 to index
        %swap3A_1024 = arith.constant 0 : index
        %swap3A_1025 = tpu.vector_load %arg10[%swap3A_1023, %swap3A_1024] {strides = array<i32>} : memref<128x128xf32, #tpu.memory_space<vmem>>, vector<1x16xf32>,
        %swap3A_1026 = vector.shape_cast %swap3A_1025 : vector<1x16xf32> to vector<16xf32>
        %swap3A_1027 = vector.shape_cast %mul3A_1022 : vector<16xf32> to vector<1x16xf32>
        tpu.vector_store %arg10[%swap3A_1023, %swap3A_1024], %swap3A_1027 {strides = array<i32>} : memref<128x128xf32, #tpu.memory_space<vmem>>, vector<1x16xf32>,
        %get3A_1028 = arith.index_cast %add3A_1017 : i32 to index
        %get3A_1029 = arith.constant 16 : index
        %get3A_1030 = tpu.vector_load %arg10[%get3A_1028, %get3A_1029] {strides = array<i32>} : memref<128x128xf32, #tpu.memory_space<vmem>>, vector<1x16xf32>,
        %get3A_1031 = vector.shape_cast %get3A_1030 : vector<1x16xf32> to vector<16xf32>
        %mul3A_1032 = arith.mulf %get3A_1031, %broadcast_in_dim3A_1013 : vector<16xf32>
        %swap3A_1033 = arith.index_cast %add3A_1017 : i32 to index
        %swap3A_1034 = arith.constant 16 : index
        %swap3A_1035 = tpu.vector_load %arg10[%swap3A_1033, %swap3A_1034] {strides = array<i32>} : memref<128x128xf32, #tpu.memory_space<vmem>>, vector<1x16xf32>,
        %swap3A_1036 = vector.shape_cast %swap3A_1035 : vector<1x16xf32> to vector<16xf32>
        %swap3A_1037 = vector.shape_cast %mul3A_1032 : vector<16xf32> to vector<1x16xf32>
        tpu.vector_store %arg10[%swap3A_1033, %swap3A_1034], %swap3A_1037 {strides = array<i32>} : memref<128x128xf32, #tpu.memory_space<vmem>>, vector<1x16xf32>,
        %get3A_1038 = arith.index_cast %add3A_1017 : i32 to index
        %get3A_1039 = arith.constant 32 : index
        %get3A_1040 = tpu.vector_load %arg10[%get3A_1038, %get3A_1039] {strides = array<i32>} : memref<128x128xf32, #tpu.memory_space<vmem>>, vector<1x16xf32>,
        %get3A_1041 = vector.shape_cast %get3A_1040 : vector<1x16xf32> to vector<16xf32>
        %mul3A_1042 = arith.mulf %get3A_1041, %broadcast_in_dim3A_1013 : vector<16xf32>
        %swap3A_1043 = arith.index_cast %add3A_1017 : i32 to index
        %swap3A_1044 = arith.constant 32 : index
        %swap3A_1045 = tpu.vector_load %arg10[%swap3A_1043, %swap3A_1044] {strides = array<i32>} : memref<128x128xf32, #tpu.memory_space<vmem>>, vector<1x16xf32>,
        %swap3A_1046 = vector.shape_cast %swap3A_1045 : vector<1x16xf32> to vector<16xf32>
        %swap3A_1047 = vector.shape_cast %mul3A_1042 : vector<16xf32> to vector<1x16xf32>
        tpu.vector_store %arg10[%swap3A_1043, %swap3A_1044], %swap3A_1047 {strides = array<i32>} : memref<128x128xf32, #tpu.memory_space<vmem>>, vector<1x16xf32>,
        %get3A_1048 = arith.index_cast %add3A_1017 : i32 to index
        %get3A_1049 = arith.constant 48 : index
        %get3A_1050 = tpu.vector_load %arg10[%get3A_1048, %get3A_1049] {strides = array<i32>} : memref<128x128xf32, #tpu.memory_space<vmem>>, vector<1x16xf32>,
        %get3A_1051 = vector.shape_cast %get3A_1050 : vector<1x16xf32> to vector<16xf32>
        %mul3A_1052 = arith.mulf %get3A_1051, %broadcast_in_dim3A_1013 : vector<16xf32>
        %swap3A_1053 = arith.index_cast %add3A_1017 : i32 to index
        %swap3A_1054 = arith.constant 48 : index
        %swap3A_1055 = tpu.vector_load %arg10[%swap3A_1053, %swap3A_1054] {strides = array<i32>} : memref<128x128xf32, #tpu.memory_space<vmem>>, vector<1x16xf32>,
        %swap3A_1056 = vector.shape_cast %swap3A_1055 : vector<1x16xf32> to vector<16xf32>
        %swap3A_1057 = vector.shape_cast %mul3A_1052 : vector<16xf32> to vector<1x16xf32>
        tpu.vector_store %arg10[%swap3A_1053, %swap3A_1054], %swap3A_1057 {strides = array<i32>} : memref<128x128xf32, #tpu.memory_space<vmem>>, vector<1x16xf32>,
        %get3A_1058 = arith.index_cast %add3A_1017 : i32 to index
        %get3A_1059 = arith.constant 64 : index
        %get3A_1060 = tpu.vector_load %arg10[%get3A_1058, %get3A_1059] {strides = array<i32>} : memref<128x128xf32, #tpu.memory_space<vmem>>, vector<1x16xf32>,
        %get3A_1061 = vector.shape_cast %get3A_1060 : vector<1x16xf32> to vector<16xf32>
        %mul3A_1062 = arith.mulf %get3A_1061, %broadcast_in_dim3A_1013 : vector<16xf32>
        %swap3A_1063 = arith.index_cast %add3A_1017 : i32 to index
        %swap3A_1064 = arith.constant 64 : index
        %swap3A_1065 = tpu.vector_load %arg10[%swap3A_1063, %swap3A_1064] {strides = array<i32>} : memref<128x128xf32, #tpu.memory_space<vmem>>, vector<1x16xf32>,
        %swap3A_1066 = vector.shape_cast %swap3A_1065 : vector<1x16xf32> to vector<16xf32>
        %swap3A_1067 = vector.shape_cast %mul3A_1062 : vector<16xf32> to vector<1x16xf32>
        tpu.vector_store %arg10[%swap3A_1063, %swap3A_1064], %swap3A_1067 {strides = array<i32>} : memref<128x128xf32, #tpu.memory_space<vmem>>, vector<1x16xf32>,
        %get3A_1068 = arith.index_cast %add3A_1017 : i32 to index
        %get3A_1069 = arith.constant 80 : index
        %get3A_1070 = tpu.vector_load %arg10[%get3A_1068, %get3A_1069] {strides = array<i32>} : memref<128x128xf32, #tpu.memory_space<vmem>>, vector<1x16xf32>,
        %get3A_1071 = vector.shape_cast %get3A_1070 : vector<1x16xf32> to vector<16xf32>
        %mul3A_1072 = arith.mulf %get3A_1071, %broadcast_in_dim3A_1013 : vector<16xf32>
        %swap3A_1073 = arith.index_cast %add3A_1017 : i32 to index
        %swap3A_1074 = arith.constant 80 : index
        %swap3A_1075 = tpu.vector_load %arg10[%swap3A_1073, %swap3A_1074] {strides = array<i32>} : memref<128x128xf32, #tpu.memory_space<vmem>>, vector<1x16xf32>,
        %swap3A_1076 = vector.shape_cast %swap3A_1075 : vector<1x16xf32> to vector<16xf32>
        %swap3A_1077 = vector.shape_cast %mul3A_1072 : vector<16xf32> to vector<1x16xf32>
        tpu.vector_store %arg10[%swap3A_1073, %swap3A_1074], %swap3A_1077 {strides = array<i32>} : memref<128x128xf32, #tpu.memory_space<vmem>>, vector<1x16xf32>,
        %get3A_1078 = arith.index_cast %add3A_1017 : i32 to index
        %get3A_1079 = arith.constant 96 : index
        %get3A_1080 = tpu.vector_load %arg10[%get3A_1078, %get3A_1079] {strides = array<i32>} : memref<128x128xf32, #tpu.memory_space<vmem>>, vector<1x16xf32>,
        %get3A_1081 = vector.shape_cast %get3A_1080 : vector<1x16xf32> to vector<16xf32>
        %mul3A_1082 = arith.mulf %get3A_1081, %broadcast_in_dim3A_1013 : vector<16xf32>
        %swap3A_1083 = arith.index_cast %add3A_1017 : i32 to index
        %swap3A_1084 = arith.constant 96 : index
        %swap3A_1085 = tpu.vector_load %arg10[%swap3A_1083, %swap3A_1084] {strides = array<i32>} : memref<128x128xf32, #tpu.memory_space<vmem>>, vector<1x16xf32>,
        %swap3A_1086 = vector.shape_cast %swap3A_1085 : vector<1x16xf32> to vector<16xf32>
        %swap3A_1087 = vector.shape_cast %mul3A_1082 : vector<16xf32> to vector<1x16xf32>
        tpu.vector_store %arg10[%swap3A_1083, %swap3A_1084], %swap3A_1087 {strides = array<i32>} : memref<128x128xf32, #tpu.memory_space<vmem>>, vector<1x16xf32>,
        %get3A_1088 = arith.index_cast %add3A_1017 : i32 to index
        %get3A_1089 = arith.constant 112 : index
        %get3A_1090 = tpu.vector_load %arg10[%get3A_1088, %get3A_1089] {strides = array<i32>} : memref<128x128xf32, #tpu.memory_space<vmem>>, vector<1x16xf32>,
        %get3A_1091 = vector.shape_cast %get3A_1090 : vector<1x16xf32> to vector<16xf32>
        %mul3A_1092 = arith.mulf %get3A_1091, %broadcast_in_dim3A_1013 : vector<16xf32>
        %swap3A_1093 = arith.index_cast %add3A_1017 : i32 to index
        %swap3A_1094 = arith.constant 112 : index
        %swap3A_1095 = tpu.vector_load %arg10[%swap3A_1093, %swap3A_1094] {strides = array<i32>} : memref<128x128xf32, #tpu.memory_space<vmem>>, vector<1x16xf32>,
        %swap3A_1096 = vector.shape_cast %swap3A_1095 : vector<1x16xf32> to vector<16xf32>
        %swap3A_1097 = vector.shape_cast %mul3A_1092 : vector<16xf32> to vector<1x16xf32>
        tpu.vector_store %arg10[%swap3A_1093, %swap3A_1094], %swap3A_1097 {strides = array<i32>} : memref<128x128xf32, #tpu.memory_space<vmem>>, vector<1x16xf32>,
        %slice3A_1098 = vector.extract_strided_slice %get3A_56 {offsets = [12], sizes = [1], strides = [1]} : vector<16xf32> to vector<1xf32>
        %squeeze3A_1099 = vector.extract %slice3A_1098[0] : f32 from vector<1xf32>
        %broadcast_in_dim3A_1100 = vector.broadcast %squeeze3A_1099 : f32 to vector<16xf32>
        %mul3A_1101 = arith.constant 16 : i32
        %mul3A_1102 = arith.muli %scan3A_51, %mul3A_1101 : i32
        %add3A_1103 = arith.constant 12 : i32
        %add3A_1104 = arith.addi %mul3A_1102, %add3A_1103 : i32
        %get3A_1105 = arith.index_cast %add3A_1104 : i32 to index
        %get3A_1106 = arith.constant 0 : index
        %get3A_1107 = tpu.vector_load %arg10[%get3A_1105, %get3A_1106] {strides = array<i32>} : memref<128x128xf32, #tpu.memory_space<vmem>>, vector<1x16xf32>,
        %get3A_1108 = vector.shape_cast %get3A_1107 : vector<1x16xf32> to vector<16xf32>
        %mul3A_1109 = arith.mulf %get3A_1108, %broadcast_in_dim3A_1100 : vector<16xf32>
        %swap3A_1110 = arith.index_cast %add3A_1104 : i32 to index
        %swap3A_1111 = arith.constant 0 : index
        %swap3A_1112 = tpu.vector_load %arg10[%swap3A_1110, %swap3A_1111] {strides = array<i32>} : memref<128x128xf32, #tpu.memory_space<vmem>>, vector<1x16xf32>,
        %swap3A_1113 = vector.shape_cast %swap3A_1112 : vector<1x16xf32> to vector<16xf32>
        %swap3A_1114 = vector.shape_cast %mul3A_1109 : vector<16xf32> to vector<1x16xf32>
        tpu.vector_store %arg10[%swap3A_1110, %swap3A_1111], %swap3A_1114 {strides = array<i32>} : memref<128x128xf32, #tpu.memory_space<vmem>>, vector<1x16xf32>,
        %get3A_1115 = arith.index_cast %add3A_1104 : i32 to index
        %get3A_1116 = arith.constant 16 : index
        %get3A_1117 = tpu.vector_load %arg10[%get3A_1115, %get3A_1116] {strides = array<i32>} : memref<128x128xf32, #tpu.memory_space<vmem>>, vector<1x16xf32>,
        %get3A_1118 = vector.shape_cast %get3A_1117 : vector<1x16xf32> to vector<16xf32>
        %mul3A_1119 = arith.mulf %get3A_1118, %broadcast_in_dim3A_1100 : vector<16xf32>
        %swap3A_1120 = arith.index_cast %add3A_1104 : i32 to index
        %swap3A_1121 = arith.constant 16 : index
        %swap3A_1122 = tpu.vector_load %arg10[%swap3A_1120, %swap3A_1121] {strides = array<i32>} : memref<128x128xf32, #tpu.memory_space<vmem>>, vector<1x16xf32>,
        %swap3A_1123 = vector.shape_cast %swap3A_1122 : vector<1x16xf32> to vector<16xf32>
        %swap3A_1124 = vector.shape_cast %mul3A_1119 : vector<16xf32> to vector<1x16xf32>
        tpu.vector_store %arg10[%swap3A_1120, %swap3A_1121], %swap3A_1124 {strides = array<i32>} : memref<128x128xf32, #tpu.memory_space<vmem>>, vector<1x16xf32>,
        %get3A_1125 = arith.index_cast %add3A_1104 : i32 to index
        %get3A_1126 = arith.constant 32 : index
        %get3A_1127 = tpu.vector_load %arg10[%get3A_1125, %get3A_1126] {strides = array<i32>} : memref<128x128xf32, #tpu.memory_space<vmem>>, vector<1x16xf32>,
        %get3A_1128 = vector.shape_cast %get3A_1127 : vector<1x16xf32> to vector<16xf32>
        %mul3A_1129 = arith.mulf %get3A_1128, %broadcast_in_dim3A_1100 : vector<16xf32>
        %swap3A_1130 = arith.index_cast %add3A_1104 : i32 to index
        %swap3A_1131 = arith.constant 32 : index
        %swap3A_1132 = tpu.vector_load %arg10[%swap3A_1130, %swap3A_1131] {strides = array<i32>} : memref<128x128xf32, #tpu.memory_space<vmem>>, vector<1x16xf32>,
        %swap3A_1133 = vector.shape_cast %swap3A_1132 : vector<1x16xf32> to vector<16xf32>
        %swap3A_1134 = vector.shape_cast %mul3A_1129 : vector<16xf32> to vector<1x16xf32>
        tpu.vector_store %arg10[%swap3A_1130, %swap3A_1131], %swap3A_1134 {strides = array<i32>} : memref<128x128xf32, #tpu.memory_space<vmem>>, vector<1x16xf32>,
        %get3A_1135 = arith.index_cast %add3A_1104 : i32 to index
        %get3A_1136 = arith.constant 48 : index
        %get3A_1137 = tpu.vector_load %arg10[%get3A_1135, %get3A_1136] {strides = array<i32>} : memref<128x128xf32, #tpu.memory_space<vmem>>, vector<1x16xf32>,
        %get3A_1138 = vector.shape_cast %get3A_1137 : vector<1x16xf32> to vector<16xf32>
        %mul3A_1139 = arith.mulf %get3A_1138, %broadcast_in_dim3A_1100 : vector<16xf32>
        %swap3A_1140 = arith.index_cast %add3A_1104 : i32 to index
        %swap3A_1141 = arith.constant 48 : index
        %swap3A_1142 = tpu.vector_load %arg10[%swap3A_1140, %swap3A_1141] {strides = array<i32>} : memref<128x128xf32, #tpu.memory_space<vmem>>, vector<1x16xf32>,
        %swap3A_1143 = vector.shape_cast %swap3A_1142 : vector<1x16xf32> to vector<16xf32>
        %swap3A_1144 = vector.shape_cast %mul3A_1139 : vector<16xf32> to vector<1x16xf32>
        tpu.vector_store %arg10[%swap3A_1140, %swap3A_1141], %swap3A_1144 {strides = array<i32>} : memref<128x128xf32, #tpu.memory_space<vmem>>, vector<1x16xf32>,
        %get3A_1145 = arith.index_cast %add3A_1104 : i32 to index
        %get3A_1146 = arith.constant 64 : index
        %get3A_1147 = tpu.vector_load %arg10[%get3A_1145, %get3A_1146] {strides = array<i32>} : memref<128x128xf32, #tpu.memory_space<vmem>>, vector<1x16xf32>,
        %get3A_1148 = vector.shape_cast %get3A_1147 : vector<1x16xf32> to vector<16xf32>
        %mul3A_1149 = arith.mulf %get3A_1148, %broadcast_in_dim3A_1100 : vector<16xf32>
        %swap3A_1150 = arith.index_cast %add3A_1104 : i32 to index
        %swap3A_1151 = arith.constant 64 : index
        %swap3A_1152 = tpu.vector_load %arg10[%swap3A_1150, %swap3A_1151] {strides = array<i32>} : memref<128x128xf32, #tpu.memory_space<vmem>>, vector<1x16xf32>,
        %swap3A_1153 = vector.shape_cast %swap3A_1152 : vector<1x16xf32> to vector<16xf32>
        %swap3A_1154 = vector.shape_cast %mul3A_1149 : vector<16xf32> to vector<1x16xf32>
        tpu.vector_store %arg10[%swap3A_1150, %swap3A_1151], %swap3A_1154 {strides = array<i32>} : memref<128x128xf32, #tpu.memory_space<vmem>>, vector<1x16xf32>,
        %get3A_1155 = arith.index_cast %add3A_1104 : i32 to index
        %get3A_1156 = arith.constant 80 : index
        %get3A_1157 = tpu.vector_load %arg10[%get3A_1155, %get3A_1156] {strides = array<i32>} : memref<128x128xf32, #tpu.memory_space<vmem>>, vector<1x16xf32>,
        %get3A_1158 = vector.shape_cast %get3A_1157 : vector<1x16xf32> to vector<16xf32>
        %mul3A_1159 = arith.mulf %get3A_1158, %broadcast_in_dim3A_1100 : vector<16xf32>
        %swap3A_1160 = arith.index_cast %add3A_1104 : i32 to index
        %swap3A_1161 = arith.constant 80 : index
        %swap3A_1162 = tpu.vector_load %arg10[%swap3A_1160, %swap3A_1161] {strides = array<i32>} : memref<128x128xf32, #tpu.memory_space<vmem>>, vector<1x16xf32>,
        %swap3A_1163 = vector.shape_cast %swap3A_1162 : vector<1x16xf32> to vector<16xf32>
        %swap3A_1164 = vector.shape_cast %mul3A_1159 : vector<16xf32> to vector<1x16xf32>
        tpu.vector_store %arg10[%swap3A_1160, %swap3A_1161], %swap3A_1164 {strides = array<i32>} : memref<128x128xf32, #tpu.memory_space<vmem>>, vector<1x16xf32>,
        %get3A_1165 = arith.index_cast %add3A_1104 : i32 to index
        %get3A_1166 = arith.constant 96 : index
        %get3A_1167 = tpu.vector_load %arg10[%get3A_1165, %get3A_1166] {strides = array<i32>} : memref<128x128xf32, #tpu.memory_space<vmem>>, vector<1x16xf32>,
        %get3A_1168 = vector.shape_cast %get3A_1167 : vector<1x16xf32> to vector<16xf32>
        %mul3A_1169 = arith.mulf %get3A_1168, %broadcast_in_dim3A_1100 : vector<16xf32>
        %swap3A_1170 = arith.index_cast %add3A_1104 : i32 to index
        %swap3A_1171 = arith.constant 96 : index
        %swap3A_1172 = tpu.vector_load %arg10[%swap3A_1170, %swap3A_1171] {strides = array<i32>} : memref<128x128xf32, #tpu.memory_space<vmem>>, vector<1x16xf32>,
        %swap3A_1173 = vector.shape_cast %swap3A_1172 : vector<1x16xf32> to vector<16xf32>
        %swap3A_1174 = vector.shape_cast %mul3A_1169 : vector<16xf32> to vector<1x16xf32>
        tpu.vector_store %arg10[%swap3A_1170, %swap3A_1171], %swap3A_1174 {strides = array<i32>} : memref<128x128xf32, #tpu.memory_space<vmem>>, vector<1x16xf32>,
        %get3A_1175 = arith.index_cast %add3A_1104 : i32 to index
        %get3A_1176 = arith.constant 112 : index
        %get3A_1177 = tpu.vector_load %arg10[%get3A_1175, %get3A_1176] {strides = array<i32>} : memref<128x128xf32, #tpu.memory_space<vmem>>, vector<1x16xf32>,
        %get3A_1178 = vector.shape_cast %get3A_1177 : vector<1x16xf32> to vector<16xf32>
        %mul3A_1179 = arith.mulf %get3A_1178, %broadcast_in_dim3A_1100 : vector<16xf32>
        %swap3A_1180 = arith.index_cast %add3A_1104 : i32 to index
        %swap3A_1181 = arith.constant 112 : index
        %swap3A_1182 = tpu.vector_load %arg10[%swap3A_1180, %swap3A_1181] {strides = array<i32>} : memref<128x128xf32, #tpu.memory_space<vmem>>, vector<1x16xf32>,
        %swap3A_1183 = vector.shape_cast %swap3A_1182 : vector<1x16xf32> to vector<16xf32>
        %swap3A_1184 = vector.shape_cast %mul3A_1179 : vector<16xf32> to vector<1x16xf32>
        tpu.vector_store %arg10[%swap3A_1180, %swap3A_1181], %swap3A_1184 {strides = array<i32>} : memref<128x128xf32, #tpu.memory_space<vmem>>, vector<1x16xf32>,
        %slice3A_1185 = vector.extract_strided_slice %get3A_56 {offsets = [13], sizes = [1], strides = [1]} : vector<16xf32> to vector<1xf32>
        %squeeze3A_1186 = vector.extract %slice3A_1185[0] : f32 from vector<1xf32>
        %broadcast_in_dim3A_1187 = vector.broadcast %squeeze3A_1186 : f32 to vector<16xf32>
        %mul3A_1188 = arith.constant 16 : i32
        %mul3A_1189 = arith.muli %scan3A_51, %mul3A_1188 : i32
        %add3A_1190 = arith.constant 13 : i32
        %add3A_1191 = arith.addi %mul3A_1189, %add3A_1190 : i32
        %get3A_1192 = arith.index_cast %add3A_1191 : i32 to index
        %get3A_1193 = arith.constant 0 : index
        %get3A_1194 = tpu.vector_load %arg10[%get3A_1192, %get3A_1193] {strides = array<i32>} : memref<128x128xf32, #tpu.memory_space<vmem>>, vector<1x16xf32>,
        %get3A_1195 = vector.shape_cast %get3A_1194 : vector<1x16xf32> to vector<16xf32>
        %mul3A_1196 = arith.mulf %get3A_1195, %broadcast_in_dim3A_1187 : vector<16xf32>
        %swap3A_1197 = arith.index_cast %add3A_1191 : i32 to index
        %swap3A_1198 = arith.constant 0 : index
        %swap3A_1199 = tpu.vector_load %arg10[%swap3A_1197, %swap3A_1198] {strides = array<i32>} : memref<128x128xf32, #tpu.memory_space<vmem>>, vector<1x16xf32>,
        %swap3A_1200 = vector.shape_cast %swap3A_1199 : vector<1x16xf32> to vector<16xf32>
        %swap3A_1201 = vector.shape_cast %mul3A_1196 : vector<16xf32> to vector<1x16xf32>
        tpu.vector_store %arg10[%swap3A_1197, %swap3A_1198], %swap3A_1201 {strides = array<i32>} : memref<128x128xf32, #tpu.memory_space<vmem>>, vector<1x16xf32>,
        %get3A_1202 = arith.index_cast %add3A_1191 : i32 to index
        %get3A_1203 = arith.constant 16 : index
        %get3A_1204 = tpu.vector_load %arg10[%get3A_1202, %get3A_1203] {strides = array<i32>} : memref<128x128xf32, #tpu.memory_space<vmem>>, vector<1x16xf32>,
        %get3A_1205 = vector.shape_cast %get3A_1204 : vector<1x16xf32> to vector<16xf32>
        %mul3A_1206 = arith.mulf %get3A_1205, %broadcast_in_dim3A_1187 : vector<16xf32>
        %swap3A_1207 = arith.index_cast %add3A_1191 : i32 to index
        %swap3A_1208 = arith.constant 16 : index
        %swap3A_1209 = tpu.vector_load %arg10[%swap3A_1207, %swap3A_1208] {strides = array<i32>} : memref<128x128xf32, #tpu.memory_space<vmem>>, vector<1x16xf32>,
        %swap3A_1210 = vector.shape_cast %swap3A_1209 : vector<1x16xf32> to vector<16xf32>
        %swap3A_1211 = vector.shape_cast %mul3A_1206 : vector<16xf32> to vector<1x16xf32>
        tpu.vector_store %arg10[%swap3A_1207, %swap3A_1208], %swap3A_1211 {strides = array<i32>} : memref<128x128xf32, #tpu.memory_space<vmem>>, vector<1x16xf32>,
        %get3A_1212 = arith.index_cast %add3A_1191 : i32 to index
        %get3A_1213 = arith.constant 32 : index
        %get3A_1214 = tpu.vector_load %arg10[%get3A_1212, %get3A_1213] {strides = array<i32>} : memref<128x128xf32, #tpu.memory_space<vmem>>, vector<1x16xf32>,
        %get3A_1215 = vector.shape_cast %get3A_1214 : vector<1x16xf32> to vector<16xf32>
        %mul3A_1216 = arith.mulf %get3A_1215, %broadcast_in_dim3A_1187 : vector<16xf32>
        %swap3A_1217 = arith.index_cast %add3A_1191 : i32 to index
        %swap3A_1218 = arith.constant 32 : index
        %swap3A_1219 = tpu.vector_load %arg10[%swap3A_1217, %swap3A_1218] {strides = array<i32>} : memref<128x128xf32, #tpu.memory_space<vmem>>, vector<1x16xf32>,
        %swap3A_1220 = vector.shape_cast %swap3A_1219 : vector<1x16xf32> to vector<16xf32>
        %swap3A_1221 = vector.shape_cast %mul3A_1216 : vector<16xf32> to vector<1x16xf32>
        tpu.vector_store %arg10[%swap3A_1217, %swap3A_1218], %swap3A_1221 {strides = array<i32>} : memref<128x128xf32, #tpu.memory_space<vmem>>, vector<1x16xf32>,
        %get3A_1222 = arith.index_cast %add3A_1191 : i32 to index
        %get3A_1223 = arith.constant 48 : index
        %get3A_1224 = tpu.vector_load %arg10[%get3A_1222, %get3A_1223] {strides = array<i32>} : memref<128x128xf32, #tpu.memory_space<vmem>>, vector<1x16xf32>,
        %get3A_1225 = vector.shape_cast %get3A_1224 : vector<1x16xf32> to vector<16xf32>
        %mul3A_1226 = arith.mulf %get3A_1225, %broadcast_in_dim3A_1187 : vector<16xf32>
        %swap3A_1227 = arith.index_cast %add3A_1191 : i32 to index
        %swap3A_1228 = arith.constant 48 : index
        %swap3A_1229 = tpu.vector_load %arg10[%swap3A_1227, %swap3A_1228] {strides = array<i32>} : memref<128x128xf32, #tpu.memory_space<vmem>>, vector<1x16xf32>,
        %swap3A_1230 = vector.shape_cast %swap3A_1229 : vector<1x16xf32> to vector<16xf32>
        %swap3A_1231 = vector.shape_cast %mul3A_1226 : vector<16xf32> to vector<1x16xf32>
        tpu.vector_store %arg10[%swap3A_1227, %swap3A_1228], %swap3A_1231 {strides = array<i32>} : memref<128x128xf32, #tpu.memory_space<vmem>>, vector<1x16xf32>,
        %get3A_1232 = arith.index_cast %add3A_1191 : i32 to index
        %get3A_1233 = arith.constant 64 : index
        %get3A_1234 = tpu.vector_load %arg10[%get3A_1232, %get3A_1233] {strides = array<i32>} : memref<128x128xf32, #tpu.memory_space<vmem>>, vector<1x16xf32>,
        %get3A_1235 = vector.shape_cast %get3A_1234 : vector<1x16xf32> to vector<16xf32>
        %mul3A_1236 = arith.mulf %get3A_1235, %broadcast_in_dim3A_1187 : vector<16xf32>
        %swap3A_1237 = arith.index_cast %add3A_1191 : i32 to index
        %swap3A_1238 = arith.constant 64 : index
        %swap3A_1239 = tpu.vector_load %arg10[%swap3A_1237, %swap3A_1238] {strides = array<i32>} : memref<128x128xf32, #tpu.memory_space<vmem>>, vector<1x16xf32>,
        %swap3A_1240 = vector.shape_cast %swap3A_1239 : vector<1x16xf32> to vector<16xf32>
        %swap3A_1241 = vector.shape_cast %mul3A_1236 : vector<16xf32> to vector<1x16xf32>
        tpu.vector_store %arg10[%swap3A_1237, %swap3A_1238], %swap3A_1241 {strides = array<i32>} : memref<128x128xf32, #tpu.memory_space<vmem>>, vector<1x16xf32>,
        %get3A_1242 = arith.index_cast %add3A_1191 : i32 to index
        %get3A_1243 = arith.constant 80 : index
        %get3A_1244 = tpu.vector_load %arg10[%get3A_1242, %get3A_1243] {strides = array<i32>} : memref<128x128xf32, #tpu.memory_space<vmem>>, vector<1x16xf32>,
        %get3A_1245 = vector.shape_cast %get3A_1244 : vector<1x16xf32> to vector<16xf32>
        %mul3A_1246 = arith.mulf %get3A_1245, %broadcast_in_dim3A_1187 : vector<16xf32>
        %swap3A_1247 = arith.index_cast %add3A_1191 : i32 to index
        %swap3A_1248 = arith.constant 80 : index
        %swap3A_1249 = tpu.vector_load %arg10[%swap3A_1247, %swap3A_1248] {strides = array<i32>} : memref<128x128xf32, #tpu.memory_space<vmem>>, vector<1x16xf32>,
        %swap3A_1250 = vector.shape_cast %swap3A_1249 : vector<1x16xf32> to vector<16xf32>
        %swap3A_1251 = vector.shape_cast %mul3A_1246 : vector<16xf32> to vector<1x16xf32>
        tpu.vector_store %arg10[%swap3A_1247, %swap3A_1248], %swap3A_1251 {strides = array<i32>} : memref<128x128xf32, #tpu.memory_space<vmem>>, vector<1x16xf32>,
        %get3A_1252 = arith.index_cast %add3A_1191 : i32 to index
        %get3A_1253 = arith.constant 96 : index
        %get3A_1254 = tpu.vector_load %arg10[%get3A_1252, %get3A_1253] {strides = array<i32>} : memref<128x128xf32, #tpu.memory_space<vmem>>, vector<1x16xf32>,
        %get3A_1255 = vector.shape_cast %get3A_1254 : vector<1x16xf32> to vector<16xf32>
        %mul3A_1256 = arith.mulf %get3A_1255, %broadcast_in_dim3A_1187 : vector<16xf32>
        %swap3A_1257 = arith.index_cast %add3A_1191 : i32 to index
        %swap3A_1258 = arith.constant 96 : index
        %swap3A_1259 = tpu.vector_load %arg10[%swap3A_1257, %swap3A_1258] {strides = array<i32>} : memref<128x128xf32, #tpu.memory_space<vmem>>, vector<1x16xf32>,
        %swap3A_1260 = vector.shape_cast %swap3A_1259 : vector<1x16xf32> to vector<16xf32>
        %swap3A_1261 = vector.shape_cast %mul3A_1256 : vector<16xf32> to vector<1x16xf32>
        tpu.vector_store %arg10[%swap3A_1257, %swap3A_1258], %swap3A_1261 {strides = array<i32>} : memref<128x128xf32, #tpu.memory_space<vmem>>, vector<1x16xf32>,
        %get3A_1262 = arith.index_cast %add3A_1191 : i32 to index
        %get3A_1263 = arith.constant 112 : index
        %get3A_1264 = tpu.vector_load %arg10[%get3A_1262, %get3A_1263] {strides = array<i32>} : memref<128x128xf32, #tpu.memory_space<vmem>>, vector<1x16xf32>,
        %get3A_1265 = vector.shape_cast %get3A_1264 : vector<1x16xf32> to vector<16xf32>
        %mul3A_1266 = arith.mulf %get3A_1265, %broadcast_in_dim3A_1187 : vector<16xf32>
        %swap3A_1267 = arith.index_cast %add3A_1191 : i32 to index
        %swap3A_1268 = arith.constant 112 : index
        %swap3A_1269 = tpu.vector_load %arg10[%swap3A_1267, %swap3A_1268] {strides = array<i32>} : memref<128x128xf32, #tpu.memory_space<vmem>>, vector<1x16xf32>,
        %swap3A_1270 = vector.shape_cast %swap3A_1269 : vector<1x16xf32> to vector<16xf32>
        %swap3A_1271 = vector.shape_cast %mul3A_1266 : vector<16xf32> to vector<1x16xf32>
        tpu.vector_store %arg10[%swap3A_1267, %swap3A_1268], %swap3A_1271 {strides = array<i32>} : memref<128x128xf32, #tpu.memory_space<vmem>>, vector<1x16xf32>,
        %slice3A_1272 = vector.extract_strided_slice %get3A_56 {offsets = [14], sizes = [1], strides = [1]} : vector<16xf32> to vector<1xf32>
        %squeeze3A_1273 = vector.extract %slice3A_1272[0] : f32 from vector<1xf32>
        %broadcast_in_dim3A_1274 = vector.broadcast %squeeze3A_1273 : f32 to vector<16xf32>
        %mul3A_1275 = arith.constant 16 : i32
        %mul3A_1276 = arith.muli %scan3A_51, %mul3A_1275 : i32
        %add3A_1277 = arith.constant 14 : i32
        %add3A_1278 = arith.addi %mul3A_1276, %add3A_1277 : i32
        %get3A_1279 = arith.index_cast %add3A_1278 : i32 to index
        %get3A_1280 = arith.constant 0 : index
        %get3A_1281 = tpu.vector_load %arg10[%get3A_1279, %get3A_1280] {strides = array<i32>} : memref<128x128xf32, #tpu.memory_space<vmem>>, vector<1x16xf32>,
        %get3A_1282 = vector.shape_cast %get3A_1281 : vector<1x16xf32> to vector<16xf32>
        %mul3A_1283 = arith.mulf %get3A_1282, %broadcast_in_dim3A_1274 : vector<16xf32>
        %swap3A_1284 = arith.index_cast %add3A_1278 : i32 to index
        %swap3A_1285 = arith.constant 0 : index
        %swap3A_1286 = tpu.vector_load %arg10[%swap3A_1284, %swap3A_1285] {strides = array<i32>} : memref<128x128xf32, #tpu.memory_space<vmem>>, vector<1x16xf32>,
        %swap3A_1287 = vector.shape_cast %swap3A_1286 : vector<1x16xf32> to vector<16xf32>
        %swap3A_1288 = vector.shape_cast %mul3A_1283 : vector<16xf32> to vector<1x16xf32>
        tpu.vector_store %arg10[%swap3A_1284, %swap3A_1285], %swap3A_1288 {strides = array<i32>} : memref<128x128xf32, #tpu.memory_space<vmem>>, vector<1x16xf32>,
        %get3A_1289 = arith.index_cast %add3A_1278 : i32 to index
        %get3A_1290 = arith.constant 16 : index
        %get3A_1291 = tpu.vector_load %arg10[%get3A_1289, %get3A_1290] {strides = array<i32>} : memref<128x128xf32, #tpu.memory_space<vmem>>, vector<1x16xf32>,
        %get3A_1292 = vector.shape_cast %get3A_1291 : vector<1x16xf32> to vector<16xf32>
        %mul3A_1293 = arith.mulf %get3A_1292, %broadcast_in_dim3A_1274 : vector<16xf32>
        %swap3A_1294 = arith.index_cast %add3A_1278 : i32 to index
        %swap3A_1295 = arith.constant 16 : index
        %swap3A_1296 = tpu.vector_load %arg10[%swap3A_1294, %swap3A_1295] {strides = array<i32>} : memref<128x128xf32, #tpu.memory_space<vmem>>, vector<1x16xf32>,
        %swap3A_1297 = vector.shape_cast %swap3A_1296 : vector<1x16xf32> to vector<16xf32>
        %swap3A_1298 = vector.shape_cast %mul3A_1293 : vector<16xf32> to vector<1x16xf32>
        tpu.vector_store %arg10[%swap3A_1294, %swap3A_1295], %swap3A_1298 {strides = array<i32>} : memref<128x128xf32, #tpu.memory_space<vmem>>, vector<1x16xf32>,
        %get3A_1299 = arith.index_cast %add3A_1278 : i32 to index
        %get3A_1300 = arith.constant 32 : index
        %get3A_1301 = tpu.vector_load %arg10[%get3A_1299, %get3A_1300] {strides = array<i32>} : memref<128x128xf32, #tpu.memory_space<vmem>>, vector<1x16xf32>,
        %get3A_1302 = vector.shape_cast %get3A_1301 : vector<1x16xf32> to vector<16xf32>
        %mul3A_1303 = arith.mulf %get3A_1302, %broadcast_in_dim3A_1274 : vector<16xf32>
        %swap3A_1304 = arith.index_cast %add3A_1278 : i32 to index
        %swap3A_1305 = arith.constant 32 : index
        %swap3A_1306 = tpu.vector_load %arg10[%swap3A_1304, %swap3A_1305] {strides = array<i32>} : memref<128x128xf32, #tpu.memory_space<vmem>>, vector<1x16xf32>,
        %swap3A_1307 = vector.shape_cast %swap3A_1306 : vector<1x16xf32> to vector<16xf32>
        %swap3A_1308 = vector.shape_cast %mul3A_1303 : vector<16xf32> to vector<1x16xf32>
        tpu.vector_store %arg10[%swap3A_1304, %swap3A_1305], %swap3A_1308 {strides = array<i32>} : memref<128x128xf32, #tpu.memory_space<vmem>>, vector<1x16xf32>,
        %get3A_1309 = arith.index_cast %add3A_1278 : i32 to index
        %get3A_1310 = arith.constant 48 : index
        %get3A_1311 = tpu.vector_load %arg10[%get3A_1309, %get3A_1310] {strides = array<i32>} : memref<128x128xf32, #tpu.memory_space<vmem>>, vector<1x16xf32>,
        %get3A_1312 = vector.shape_cast %get3A_1311 : vector<1x16xf32> to vector<16xf32>
        %mul3A_1313 = arith.mulf %get3A_1312, %broadcast_in_dim3A_1274 : vector<16xf32>
        %swap3A_1314 = arith.index_cast %add3A_1278 : i32 to index
        %swap3A_1315 = arith.constant 48 : index
        %swap3A_1316 = tpu.vector_load %arg10[%swap3A_1314, %swap3A_1315] {strides = array<i32>} : memref<128x128xf32, #tpu.memory_space<vmem>>, vector<1x16xf32>,
        %swap3A_1317 = vector.shape_cast %swap3A_1316 : vector<1x16xf32> to vector<16xf32>
        %swap3A_1318 = vector.shape_cast %mul3A_1313 : vector<16xf32> to vector<1x16xf32>
        tpu.vector_store %arg10[%swap3A_1314, %swap3A_1315], %swap3A_1318 {strides = array<i32>} : memref<128x128xf32, #tpu.memory_space<vmem>>, vector<1x16xf32>,
        %get3A_1319 = arith.index_cast %add3A_1278 : i32 to index
        %get3A_1320 = arith.constant 64 : index
        %get3A_1321 = tpu.vector_load %arg10[%get3A_1319, %get3A_1320] {strides = array<i32>} : memref<128x128xf32, #tpu.memory_space<vmem>>, vector<1x16xf32>,
        %get3A_1322 = vector.shape_cast %get3A_1321 : vector<1x16xf32> to vector<16xf32>
        %mul3A_1323 = arith.mulf %get3A_1322, %broadcast_in_dim3A_1274 : vector<16xf32>
        %swap3A_1324 = arith.index_cast %add3A_1278 : i32 to index
        %swap3A_1325 = arith.constant 64 : index
        %swap3A_1326 = tpu.vector_load %arg10[%swap3A_1324, %swap3A_1325] {strides = array<i32>} : memref<128x128xf32, #tpu.memory_space<vmem>>, vector<1x16xf32>,
        %swap3A_1327 = vector.shape_cast %swap3A_1326 : vector<1x16xf32> to vector<16xf32>
        %swap3A_1328 = vector.shape_cast %mul3A_1323 : vector<16xf32> to vector<1x16xf32>
        tpu.vector_store %arg10[%swap3A_1324, %swap3A_1325], %swap3A_1328 {strides = array<i32>} : memref<128x128xf32, #tpu.memory_space<vmem>>, vector<1x16xf32>,
        %get3A_1329 = arith.index_cast %add3A_1278 : i32 to index
        %get3A_1330 = arith.constant 80 : index
        %get3A_1331 = tpu.vector_load %arg10[%get3A_1329, %get3A_1330] {strides = array<i32>} : memref<128x128xf32, #tpu.memory_space<vmem>>, vector<1x16xf32>,
        %get3A_1332 = vector.shape_cast %get3A_1331 : vector<1x16xf32> to vector<16xf32>
        %mul3A_1333 = arith.mulf %get3A_1332, %broadcast_in_dim3A_1274 : vector<16xf32>
        %swap3A_1334 = arith.index_cast %add3A_1278 : i32 to index
        %swap3A_1335 = arith.constant 80 : index
        %swap3A_1336 = tpu.vector_load %arg10[%swap3A_1334, %swap3A_1335] {strides = array<i32>} : memref<128x128xf32, #tpu.memory_space<vmem>>, vector<1x16xf32>,
        %swap3A_1337 = vector.shape_cast %swap3A_1336 : vector<1x16xf32> to vector<16xf32>
        %swap3A_1338 = vector.shape_cast %mul3A_1333 : vector<16xf32> to vector<1x16xf32>
        tpu.vector_store %arg10[%swap3A_1334, %swap3A_1335], %swap3A_1338 {strides = array<i32>} : memref<128x128xf32, #tpu.memory_space<vmem>>, vector<1x16xf32>,
        %get3A_1339 = arith.index_cast %add3A_1278 : i32 to index
        %get3A_1340 = arith.constant 96 : index
        %get3A_1341 = tpu.vector_load %arg10[%get3A_1339, %get3A_1340] {strides = array<i32>} : memref<128x128xf32, #tpu.memory_space<vmem>>, vector<1x16xf32>,
        %get3A_1342 = vector.shape_cast %get3A_1341 : vector<1x16xf32> to vector<16xf32>
        %mul3A_1343 = arith.mulf %get3A_1342, %broadcast_in_dim3A_1274 : vector<16xf32>
        %swap3A_1344 = arith.index_cast %add3A_1278 : i32 to index
        %swap3A_1345 = arith.constant 96 : index
        %swap3A_1346 = tpu.vector_load %arg10[%swap3A_1344, %swap3A_1345] {strides = array<i32>} : memref<128x128xf32, #tpu.memory_space<vmem>>, vector<1x16xf32>,
        %swap3A_1347 = vector.shape_cast %swap3A_1346 : vector<1x16xf32> to vector<16xf32>
        %swap3A_1348 = vector.shape_cast %mul3A_1343 : vector<16xf32> to vector<1x16xf32>
        tpu.vector_store %arg10[%swap3A_1344, %swap3A_1345], %swap3A_1348 {strides = array<i32>} : memref<128x128xf32, #tpu.memory_space<vmem>>, vector<1x16xf32>,
        %get3A_1349 = arith.index_cast %add3A_1278 : i32 to index
        %get3A_1350 = arith.constant 112 : index
        %get3A_1351 = tpu.vector_load %arg10[%get3A_1349, %get3A_1350] {strides = array<i32>} : memref<128x128xf32, #tpu.memory_space<vmem>>, vector<1x16xf32>,
        %get3A_1352 = vector.shape_cast %get3A_1351 : vector<1x16xf32> to vector<16xf32>
        %mul3A_1353 = arith.mulf %get3A_1352, %broadcast_in_dim3A_1274 : vector<16xf32>
        %swap3A_1354 = arith.index_cast %add3A_1278 : i32 to index
        %swap3A_1355 = arith.constant 112 : index
        %swap3A_1356 = tpu.vector_load %arg10[%swap3A_1354, %swap3A_1355] {strides = array<i32>} : memref<128x128xf32, #tpu.memory_space<vmem>>, vector<1x16xf32>,
        %swap3A_1357 = vector.shape_cast %swap3A_1356 : vector<1x16xf32> to vector<16xf32>
        %swap3A_1358 = vector.shape_cast %mul3A_1353 : vector<16xf32> to vector<1x16xf32>
        tpu.vector_store %arg10[%swap3A_1354, %swap3A_1355], %swap3A_1358 {strides = array<i32>} : memref<128x128xf32, #tpu.memory_space<vmem>>, vector<1x16xf32>,
        %slice3A_1359 = vector.extract_strided_slice %get3A_56 {offsets = [15], sizes = [1], strides = [1]} : vector<16xf32> to vector<1xf32>
        %squeeze3A_1360 = vector.extract %slice3A_1359[0] : f32 from vector<1xf32>
        %broadcast_in_dim3A_1361 = vector.broadcast %squeeze3A_1360 : f32 to vector<16xf32>
        %mul3A_1362 = arith.constant 16 : i32
        %mul3A_1363 = arith.muli %scan3A_51, %mul3A_1362 : i32
        %add3A_1364 = arith.constant 15 : i32
        %add3A_1365 = arith.addi %mul3A_1363, %add3A_1364 : i32
        %get3A_1366 = arith.index_cast %add3A_1365 : i32 to index
        %get3A_1367 = arith.constant 0 : index
        %get3A_1368 = tpu.vector_load %arg10[%get3A_1366, %get3A_1367] {strides = array<i32>} : memref<128x128xf32, #tpu.memory_space<vmem>>, vector<1x16xf32>,
        %get3A_1369 = vector.shape_cast %get3A_1368 : vector<1x16xf32> to vector<16xf32>
        %mul3A_1370 = arith.mulf %get3A_1369, %broadcast_in_dim3A_1361 : vector<16xf32>
        %swap3A_1371 = arith.index_cast %add3A_1365 : i32 to index
        %swap3A_1372 = arith.constant 0 : index
        %swap3A_1373 = tpu.vector_load %arg10[%swap3A_1371, %swap3A_1372] {strides = array<i32>} : memref<128x128xf32, #tpu.memory_space<vmem>>, vector<1x16xf32>,
        %swap3A_1374 = vector.shape_cast %swap3A_1373 : vector<1x16xf32> to vector<16xf32>
        %swap3A_1375 = vector.shape_cast %mul3A_1370 : vector<16xf32> to vector<1x16xf32>
        tpu.vector_store %arg10[%swap3A_1371, %swap3A_1372], %swap3A_1375 {strides = array<i32>} : memref<128x128xf32, #tpu.memory_space<vmem>>, vector<1x16xf32>,
        %get3A_1376 = arith.index_cast %add3A_1365 : i32 to index
        %get3A_1377 = arith.constant 16 : index
        %get3A_1378 = tpu.vector_load %arg10[%get3A_1376, %get3A_1377] {strides = array<i32>} : memref<128x128xf32, #tpu.memory_space<vmem>>, vector<1x16xf32>,
        %get3A_1379 = vector.shape_cast %get3A_1378 : vector<1x16xf32> to vector<16xf32>
        %mul3A_1380 = arith.mulf %get3A_1379, %broadcast_in_dim3A_1361 : vector<16xf32>
        %swap3A_1381 = arith.index_cast %add3A_1365 : i32 to index
        %swap3A_1382 = arith.constant 16 : index
        %swap3A_1383 = tpu.vector_load %arg10[%swap3A_1381, %swap3A_1382] {strides = array<i32>} : memref<128x128xf32, #tpu.memory_space<vmem>>, vector<1x16xf32>,
        %swap3A_1384 = vector.shape_cast %swap3A_1383 : vector<1x16xf32> to vector<16xf32>
        %swap3A_1385 = vector.shape_cast %mul3A_1380 : vector<16xf32> to vector<1x16xf32>
        tpu.vector_store %arg10[%swap3A_1381, %swap3A_1382], %swap3A_1385 {strides = array<i32>} : memref<128x128xf32, #tpu.memory_space<vmem>>, vector<1x16xf32>,
        %get3A_1386 = arith.index_cast %add3A_1365 : i32 to index
        %get3A_1387 = arith.constant 32 : index
        %get3A_1388 = tpu.vector_load %arg10[%get3A_1386, %get3A_1387] {strides = array<i32>} : memref<128x128xf32, #tpu.memory_space<vmem>>, vector<1x16xf32>,
        %get3A_1389 = vector.shape_cast %get3A_1388 : vector<1x16xf32> to vector<16xf32>
        %mul3A_1390 = arith.mulf %get3A_1389, %broadcast_in_dim3A_1361 : vector<16xf32>
        %swap3A_1391 = arith.index_cast %add3A_1365 : i32 to index
        %swap3A_1392 = arith.constant 32 : index
        %swap3A_1393 = tpu.vector_load %arg10[%swap3A_1391, %swap3A_1392] {strides = array<i32>} : memref<128x128xf32, #tpu.memory_space<vmem>>, vector<1x16xf32>,
        %swap3A_1394 = vector.shape_cast %swap3A_1393 : vector<1x16xf32> to vector<16xf32>
        %swap3A_1395 = vector.shape_cast %mul3A_1390 : vector<16xf32> to vector<1x16xf32>
        tpu.vector_store %arg10[%swap3A_1391, %swap3A_1392], %swap3A_1395 {strides = array<i32>} : memref<128x128xf32, #tpu.memory_space<vmem>>, vector<1x16xf32>,
        %get3A_1396 = arith.index_cast %add3A_1365 : i32 to index
        %get3A_1397 = arith.constant 48 : index
        %get3A_1398 = tpu.vector_load %arg10[%get3A_1396, %get3A_1397] {strides = array<i32>} : memref<128x128xf32, #tpu.memory_space<vmem>>, vector<1x16xf32>,
        %get3A_1399 = vector.shape_cast %get3A_1398 : vector<1x16xf32> to vector<16xf32>
        %mul3A_1400 = arith.mulf %get3A_1399, %broadcast_in_dim3A_1361 : vector<16xf32>
        %swap3A_1401 = arith.index_cast %add3A_1365 : i32 to index
        %swap3A_1402 = arith.constant 48 : index
        %swap3A_1403 = tpu.vector_load %arg10[%swap3A_1401, %swap3A_1402] {strides = array<i32>} : memref<128x128xf32, #tpu.memory_space<vmem>>, vector<1x16xf32>,
        %swap3A_1404 = vector.shape_cast %swap3A_1403 : vector<1x16xf32> to vector<16xf32>
        %swap3A_1405 = vector.shape_cast %mul3A_1400 : vector<16xf32> to vector<1x16xf32>
        tpu.vector_store %arg10[%swap3A_1401, %swap3A_1402], %swap3A_1405 {strides = array<i32>} : memref<128x128xf32, #tpu.memory_space<vmem>>, vector<1x16xf32>,
        %get3A_1406 = arith.index_cast %add3A_1365 : i32 to index
        %get3A_1407 = arith.constant 64 : index
        %get3A_1408 = tpu.vector_load %arg10[%get3A_1406, %get3A_1407] {strides = array<i32>} : memref<128x128xf32, #tpu.memory_space<vmem>>, vector<1x16xf32>,
        %get3A_1409 = vector.shape_cast %get3A_1408 : vector<1x16xf32> to vector<16xf32>
        %mul3A_1410 = arith.mulf %get3A_1409, %broadcast_in_dim3A_1361 : vector<16xf32>
        %swap3A_1411 = arith.index_cast %add3A_1365 : i32 to index
        %swap3A_1412 = arith.constant 64 : index
        %swap3A_1413 = tpu.vector_load %arg10[%swap3A_1411, %swap3A_1412] {strides = array<i32>} : memref<128x128xf32, #tpu.memory_space<vmem>>, vector<1x16xf32>,
        %swap3A_1414 = vector.shape_cast %swap3A_1413 : vector<1x16xf32> to vector<16xf32>
        %swap3A_1415 = vector.shape_cast %mul3A_1410 : vector<16xf32> to vector<1x16xf32>
        tpu.vector_store %arg10[%swap3A_1411, %swap3A_1412], %swap3A_1415 {strides = array<i32>} : memref<128x128xf32, #tpu.memory_space<vmem>>, vector<1x16xf32>,
        %get3A_1416 = arith.index_cast %add3A_1365 : i32 to index
        %get3A_1417 = arith.constant 80 : index
        %get3A_1418 = tpu.vector_load %arg10[%get3A_1416, %get3A_1417] {strides = array<i32>} : memref<128x128xf32, #tpu.memory_space<vmem>>, vector<1x16xf32>,
        %get3A_1419 = vector.shape_cast %get3A_1418 : vector<1x16xf32> to vector<16xf32>
        %mul3A_1420 = arith.mulf %get3A_1419, %broadcast_in_dim3A_1361 : vector<16xf32>
        %swap3A_1421 = arith.index_cast %add3A_1365 : i32 to index
        %swap3A_1422 = arith.constant 80 : index
        %swap3A_1423 = tpu.vector_load %arg10[%swap3A_1421, %swap3A_1422] {strides = array<i32>} : memref<128x128xf32, #tpu.memory_space<vmem>>, vector<1x16xf32>,
        %swap3A_1424 = vector.shape_cast %swap3A_1423 : vector<1x16xf32> to vector<16xf32>
        %swap3A_1425 = vector.shape_cast %mul3A_1420 : vector<16xf32> to vector<1x16xf32>
        tpu.vector_store %arg10[%swap3A_1421, %swap3A_1422], %swap3A_1425 {strides = array<i32>} : memref<128x128xf32, #tpu.memory_space<vmem>>, vector<1x16xf32>,
        %get3A_1426 = arith.index_cast %add3A_1365 : i32 to index
        %get3A_1427 = arith.constant 96 : index
        %get3A_1428 = tpu.vector_load %arg10[%get3A_1426, %get3A_1427] {strides = array<i32>} : memref<128x128xf32, #tpu.memory_space<vmem>>, vector<1x16xf32>,
        %get3A_1429 = vector.shape_cast %get3A_1428 : vector<1x16xf32> to vector<16xf32>
        %mul3A_1430 = arith.mulf %get3A_1429, %broadcast_in_dim3A_1361 : vector<16xf32>
        %swap3A_1431 = arith.index_cast %add3A_1365 : i32 to index
        %swap3A_1432 = arith.constant 96 : index
        %swap3A_1433 = tpu.vector_load %arg10[%swap3A_1431, %swap3A_1432] {strides = array<i32>} : memref<128x128xf32, #tpu.memory_space<vmem>>, vector<1x16xf32>,
        %swap3A_1434 = vector.shape_cast %swap3A_1433 : vector<1x16xf32> to vector<16xf32>
        %swap3A_1435 = vector.shape_cast %mul3A_1430 : vector<16xf32> to vector<1x16xf32>
        tpu.vector_store %arg10[%swap3A_1431, %swap3A_1432], %swap3A_1435 {strides = array<i32>} : memref<128x128xf32, #tpu.memory_space<vmem>>, vector<1x16xf32>,
        %get3A_1436 = arith.index_cast %add3A_1365 : i32 to index
        %get3A_1437 = arith.constant 112 : index
        %get3A_1438 = tpu.vector_load %arg10[%get3A_1436, %get3A_1437] {strides = array<i32>} : memref<128x128xf32, #tpu.memory_space<vmem>>, vector<1x16xf32>,
        %get3A_1439 = vector.shape_cast %get3A_1438 : vector<1x16xf32> to vector<16xf32>
        %mul3A_1440 = arith.mulf %get3A_1439, %broadcast_in_dim3A_1361 : vector<16xf32>
        %swap3A_1441 = arith.index_cast %add3A_1365 : i32 to index
        %swap3A_1442 = arith.constant 112 : index
        %swap3A_1443 = tpu.vector_load %arg10[%swap3A_1441, %swap3A_1442] {strides = array<i32>} : memref<128x128xf32, #tpu.memory_space<vmem>>, vector<1x16xf32>,
        %swap3A_1444 = vector.shape_cast %swap3A_1443 : vector<1x16xf32> to vector<16xf32>
        %swap3A_1445 = vector.shape_cast %mul3A_1440 : vector<16xf32> to vector<1x16xf32>
        tpu.vector_store %arg10[%swap3A_1441, %swap3A_1442], %swap3A_1445 {strides = array<i32>} : memref<128x128xf32, #tpu.memory_space<vmem>>, vector<1x16xf32>,
      }
      %scan3A_50 = arith.constant 8 : i32
      "tpu.region"() ({
        %run_scoped3A = tpu.sem_alloc : memref<!tpu.dma_semaphore, #tpu.memory_space<semaphore_mem>>
        %dma_start3A_51 = arith.constant 0 : i32
        %dma_start3A_52 = tpu.memref_slice %arg8[%scan3A_34, %dma_start3A_51] : memref<79x128xi32, #tpu.memory_space<vmem>> -> memref<1x128xi32, #tpu.memory_space<vmem>>
        %dma_start3A_53 = tpu.memref_squeeze %dma_start3A_52 : memref<1x128xi32, #tpu.memory_space<vmem>> -> memref<128xi32, #tpu.memory_space<vmem>>
        %dma_start3A_54 = arith.constant 0 : i32
        %dma_start3A_55 = arith.constant 0 : i32
        %dma_start3A_56 = tpu.memref_slice %arg11[%dma_start3A_54, %dma_start3A_55] : memref<10000x128xf32, #tpu.memory_space<vmem_shared>> -> memref<10000x128xf32, #tpu.memory_space<vmem_shared>>
        tpu.enqueue_indirect_dma source(%arg10 : memref<128x128xf32, #tpu.memory_space<vmem>>) target(%dma_start3A_56 : memref<10000x128xf32, #tpu.memory_space<vmem_shared>>) offsets(%dma_start3A_53 : memref<128xi32, #tpu.memory_space<vmem>>) semaphore(%run_scoped3A : memref<!tpu.dma_semaphore, #tpu.memory_space<semaphore_mem>>) {add = true}
        %dma_wait3A_57 = arith.constant 0 : i32
        %dma_wait3A_58 = tpu.memref_slice %arg8[%scan3A_34, %dma_wait3A_57] : memref<79x128xi32, #tpu.memory_space<vmem>> -> memref<1x128xi32, #tpu.memory_space<vmem>>
        %dma_wait3A_59 = tpu.memref_squeeze %dma_wait3A_58 : memref<1x128xi32, #tpu.memory_space<vmem>> -> memref<128xi32, #tpu.memory_space<vmem>>
        %dma_wait3A_60 = arith.constant 0 : i32
        %dma_wait3A_61 = arith.constant 0 : i32
        %dma_wait3A_62 = tpu.memref_slice %arg11[%dma_wait3A_60, %dma_wait3A_61] : memref<10000x128xf32, #tpu.memory_space<vmem_shared>> -> memref<10000x128xf32, #tpu.memory_space<vmem_shared>>
        tpu.wait_indirect_dma semaphore(%run_scoped3A : memref<!tpu.dma_semaphore, #tpu.memory_space<semaphore_mem>>) src(%arg10 : memref<128x128xf32, #tpu.memory_space<vmem>>) dst(%dma_wait3A_62 : memref<10000x128xf32, #tpu.memory_space<vmem_shared>>)
        tpu.yield
      }) : () -> ()
    }
    %scan3A_27 = arith.constant 79 : i32
    %barrier3A_28 = arith.constant 0 : index
    tpu.barrier barrier_id(%barrier3A_28)
    "tpu.region"() ({
      %run_scoped3A = tpu.sem_alloc : memref<!tpu.dma_semaphore, #tpu.memory_space<semaphore_mem>>
      %dma_start3A = arith.constant 0 : i32
      %dma_start3A_34 = tpu.memref_slice %arg6[%arg0, %mul3A_8, %dma_start3A] : memref<2x10000x128xf32, #tpu.memory_space<hbm>> -> memref<1x624x128xf32, #tpu.memory_space<hbm>>
      %dma_start3A_35 = tpu.memref_squeeze %dma_start3A_34 : memref<1x624x128xf32, #tpu.memory_space<hbm>> -> memref<624x128xf32, #tpu.memory_space<hbm>>
      %dma_start3A_36 = arith.constant 0 : i32
      %dma_start3A_37 = tpu.memref_slice %arg11[%mul3A_8, %dma_start3A_36] : memref<10000x128xf32, #tpu.memory_space<vmem_shared>> -> memref<624x128xf32, #tpu.memory_space<vmem_shared>>
      tpu.enqueue_dma source(%dma_start3A_37 : memref<624x128xf32, #tpu.memory_space<vmem_shared>>) target(%dma_start3A_35 : memref<624x128xf32, #tpu.memory_space<hbm>>) target_semaphore(%run_scoped3A : memref<!tpu.dma_semaphore, #tpu.memory_space<semaphore_mem>>)
      %dma_wait3A = arith.constant 0 : i32
      %dma_wait3A_38 = tpu.memref_slice %arg6[%arg0, %mul3A_8, %dma_wait3A] : memref<2x10000x128xf32, #tpu.memory_space<hbm>> -> memref<1x624x128xf32, #tpu.memory_space<hbm>>
      %dma_wait3A_39 = tpu.memref_squeeze %dma_wait3A_38 : memref<1x624x128xf32, #tpu.memory_space<hbm>> -> memref<624x128xf32, #tpu.memory_space<hbm>>
      %dma_wait3A_40 = arith.constant 0 : i32
      %dma_wait3A_41 = tpu.memref_slice %arg11[%mul3A_8, %dma_wait3A_40] : memref<10000x128xf32, #tpu.memory_space<vmem_shared>> -> memref<624x128xf32, #tpu.memory_space<vmem_shared>>
      tpu.wait_dma2 semaphore(%run_scoped3A : memref<!tpu.dma_semaphore, #tpu.memory_space<semaphore_mem>>) src(%dma_wait3A_41 : memref<624x128xf32, #tpu.memory_space<vmem_shared>>) dst(%dma_wait3A_39 : memref<624x128xf32, #tpu.memory_space<hbm>>)
      tpu.yield
    }) : () -> ()
    %eq3A_29 = arith.constant 0 : i32
    %eq3A_30 = arith.cmpi eq, %arg1, %eq3A_29 : i32
    %convert_element_type3A_31 = arith.extui %eq3A_30 : i1 to i32
    %cond3A_32 = arith.constant 0 : i32
    %cond3A_33 = arith.cmpi ne, %convert_element_type3A_31, %cond3A_32 : i32
    scf.if %cond3A_33 {
      "tpu.region"() ({
        %run_scoped3A = tpu.sem_alloc : memref<!tpu.dma_semaphore, #tpu.memory_space<semaphore_mem>>
        %dma_start3A = arith.constant 9984 : i32
        %dma_start3A_34 = arith.constant 0 : i32
        %dma_start3A_35 = tpu.memref_slice %arg6[%arg0, %dma_start3A, %dma_start3A_34] : memref<2x10000x128xf32, #tpu.memory_space<hbm>> -> memref<1x16x128xf32, #tpu.memory_space<hbm>>
        %dma_start3A_36 = tpu.memref_squeeze %dma_start3A_35 : memref<1x16x128xf32, #tpu.memory_space<hbm>> -> memref<16x128xf32, #tpu.memory_space<hbm>>
        %dma_start3A_37 = arith.constant 9984 : i32
        %dma_start3A_38 = arith.constant 0 : i32
        %dma_start3A_39 = tpu.memref_slice %arg11[%dma_start3A_37, %dma_start3A_38] : memref<10000x128xf32, #tpu.memory_space<vmem_shared>> -> memref<16x128xf32, #tpu.memory_space<vmem_shared>>
        tpu.enqueue_dma source(%dma_start3A_39 : memref<16x128xf32, #tpu.memory_space<vmem_shared>>) target(%dma_start3A_36 : memref<16x128xf32, #tpu.memory_space<hbm>>) target_semaphore(%run_scoped3A : memref<!tpu.dma_semaphore, #tpu.memory_space<semaphore_mem>>)
        %dma_wait3A = arith.constant 9984 : i32
        %dma_wait3A_40 = arith.constant 0 : i32
        %dma_wait3A_41 = tpu.memref_slice %arg6[%arg0, %dma_wait3A, %dma_wait3A_40] : memref<2x10000x128xf32, #tpu.memory_space<hbm>> -> memref<1x16x128xf32, #tpu.memory_space<hbm>>
        %dma_wait3A_42 = tpu.memref_squeeze %dma_wait3A_41 : memref<1x16x128xf32, #tpu.memory_space<hbm>> -> memref<16x128xf32, #tpu.memory_space<hbm>>
        %dma_wait3A_43 = arith.constant 9984 : i32
        %dma_wait3A_44 = arith.constant 0 : i32
        %dma_wait3A_45 = tpu.memref_slice %arg11[%dma_wait3A_43, %dma_wait3A_44] : memref<10000x128xf32, #tpu.memory_space<vmem_shared>> -> memref<16x128xf32, #tpu.memory_space<vmem_shared>>
        tpu.wait_dma2 semaphore(%run_scoped3A : memref<!tpu.dma_semaphore, #tpu.memory_space<semaphore_mem>>) src(%dma_wait3A_45 : memref<16x128xf32, #tpu.memory_space<vmem_shared>>) dst(%dma_wait3A_42 : memref<16x128xf32, #tpu.memory_space<hbm>>)
        tpu.yield
      }) : () -> ()
    } else {
    }
    return
  }
}

module attributes {stable_mosaic.version = 14 : i64} {
  func.func @_combine_body(%arg0: i32, %arg1: memref<2x1000x128xf32, #tpu.memory_space<vmem>>, %arg2: memref<1x128xf32, #tpu.memory_space<vmem>>, %arg3: memref<1000x128xf32, #tpu.memory_space<vmem>>) attributes {dimension_semantics = [#tpu.dimension_semantics<arbitrary>], iteration_bounds = array<i64: 10>, scalar_prefetch = 0 : i64, scratch_operands = 0 : i64, tpu.core_type = #tpu.core_type<tc>, window_params = [{transform_indices = @transform_0, window_bounds = array<i64: 2, 1000, 128>}, {pipeline_mode = #tpu.pipeline_mode<synchronous>, transform_indices = @transform_1, window_bounds = array<i64: 1, 128>}, {transform_indices = @transform_2, window_bounds = array<i64: 1000, 128>}]} {
    %get3A = arith.constant 0 : index
    %get3A_0 = arith.constant 0 : index
    %get3A_1 = arith.constant 0 : index
    %get3A_2 = vector.load %arg1[%get3A, %get3A_0, %get3A_1] : memref<2x1000x128xf32, #tpu.memory_space<vmem>>, vector<1x1000x128xf32>
    %get3A_3 = vector.shape_cast %get3A_2 : vector<1x1000x128xf32> to vector<1000x128xf32>
    %get3A_4 = arith.constant 1 : index
    %get3A_5 = arith.constant 0 : index
    %get3A_6 = arith.constant 0 : index
    %get3A_7 = vector.load %arg1[%get3A_4, %get3A_5, %get3A_6] : memref<2x1000x128xf32, #tpu.memory_space<vmem>>, vector<1x1000x128xf32>
    %get3A_8 = vector.shape_cast %get3A_7 : vector<1x1000x128xf32> to vector<1000x128xf32>
    %add3A = arith.addf %get3A_3, %get3A_8 : vector<1000x128xf32>
    %get3A_9 = arith.constant 0 : index
    %get3A_10 = arith.constant 0 : index
    %get3A_11 = vector.load %arg2[%get3A_9, %get3A_10] : memref<1x128xf32, #tpu.memory_space<vmem>>, vector<1x128xf32>
    %add3A_12 = vector.broadcast %get3A_11 : vector<1x128xf32> to vector<1000x128xf32>
    %add3A_13 = arith.addf %add3A, %add3A_12 : vector<1000x128xf32>
    %swap3A = arith.constant 0 : index
    %swap3A_14 = arith.constant 0 : index
    %swap3A_15 = vector.load %arg3[%swap3A, %swap3A_14] : memref<1000x128xf32, #tpu.memory_space<vmem>>, vector<1000x128xf32>
    tpu.vector_store %arg3[%swap3A, %swap3A_14], %add3A_13 {strides = array<i32>} : memref<1000x128xf32, #tpu.memory_space<vmem>>, vector<1000x128xf32>,
    return
  }
  func.func @transform_0(%arg0: i32) -> (i32, i32, i32) {
    %c0_i32 = arith.constant 0 : i32
    %c0_i32_0 = arith.constant 0 : i32
    %c0_i32_1 = arith.constant 0 : i32
    return %c0_i32, %arg0, %c0_i32_0 : i32, i32, i32
  }
  func.func @transform_1(%arg0: i32) -> (i32, i32) {
    %c0_i32 = arith.constant 0 : i32
    %c0_i32_0 = arith.constant 0 : i32
    %c0_i32_1 = arith.constant 0 : i32
    return %c0_i32, %c0_i32_0 : i32, i32
  }
  func.func @transform_2(%arg0: i32) -> (i32, i32) {
    %c0_i32 = arith.constant 0 : i32
    %c0_i32_0 = arith.constant 0 : i32
    return %arg0, %c0_i32 : i32, i32
  }
}

module attributes {stable_mosaic.version = 14 : i64} {
  func.func @_mm_body(%arg0: i32, %arg1: memref<1000x128xf32, #tpu.memory_space<vmem>>, %arg2: memref<128x128xf32, #tpu.memory_space<vmem>>, %arg3: memref<1000x128xf32, #tpu.memory_space<vmem>>) attributes {dimension_semantics = [#tpu.dimension_semantics<arbitrary>], iteration_bounds = array<i64: 10>, scalar_prefetch = 0 : i64, scratch_operands = 0 : i64, tpu.core_type = #tpu.core_type<tc>, window_params = [{transform_indices = @transform_0, window_bounds = array<i64: 1000, 128>}, {pipeline_mode = #tpu.pipeline_mode<synchronous>, transform_indices = @transform_1, window_bounds = array<i64: 128, 128>}, {transform_indices = @transform_2, window_bounds = array<i64: 1000, 128>}]} {
    %get3A = arith.constant 0 : index
    %get3A_0 = arith.constant 0 : index
    %get3A_1 = vector.load %arg1[%get3A, %get3A_0] : memref<1000x128xf32, #tpu.memory_space<vmem>>, vector<1000x128xf32>
    %get3A_2 = arith.constant 0 : index
    %get3A_3 = arith.constant 0 : index
    %get3A_4 = vector.load %arg2[%get3A_2, %get3A_3] : memref<128x128xf32, #tpu.memory_space<vmem>>, vector<128x128xf32>
    %dot_general3A = arith.constant dense<0.000000e+00> : vector<1000x128xf32>
    %dot_general3A_5 = tpu.matmul %get3A_1, %get3A_4, %dot_general3A {dimension_numbers = #tpu.dot_dimension_numbers<[1], [0], [0], [1], [0, 0, 1, 1], [], []>, transpose_lhs_hint = false} : vector<1000x128xf32>, vector<128x128xf32>, vector<1000x128xf32> -> vector<1000x128xf32>
    %swap3A = arith.constant 0 : index
    %swap3A_6 = arith.constant 0 : index
    %swap3A_7 = vector.load %arg3[%swap3A, %swap3A_6] : memref<1000x128xf32, #tpu.memory_space<vmem>>, vector<1000x128xf32>
    tpu.vector_store %arg3[%swap3A, %swap3A_6], %dot_general3A_5 {strides = array<i32>} : memref<1000x128xf32, #tpu.memory_space<vmem>>, vector<1000x128xf32>,
    return
  }
  func.func @transform_0(%arg0: i32) -> (i32, i32) {
    %c0_i32 = arith.constant 0 : i32
    %c0_i32_0 = arith.constant 0 : i32
    return %arg0, %c0_i32 : i32, i32
  }
  func.func @transform_1(%arg0: i32) -> (i32, i32) {
    %c0_i32 = arith.constant 0 : i32
    %c0_i32_0 = arith.constant 0 : i32
    %c0_i32_1 = arith.constant 0 : i32
    return %c0_i32, %c0_i32_0 : i32, i32
  }
  func.func @transform_2(%arg0: i32) -> (i32, i32) {
    %c0_i32 = arith.constant 0 : i32
    %c0_i32_0 = arith.constant 0 : i32
    return %arg0, %c0_i32 : i32, i32
  }
}

</mosaic_0001>

<sc_bundles>
// kernel: kernel.5.cloned.1.call-start
scs
__scs_entry_jumppad:
0x0: {  	(pc) =	sbr.rel $0x88, $3  }
0x1: {  	(tag) =	ssettag $0x0;
	lr =	simm.s32 $0x1  }
0x2: {  	[smem:$0x3F9C] =	sst lr;
	_ =	strace $0xD0000000  }
0x3: {  	_ = 	snop  }
0x4: {  	_ = 	snop  }
0x5: {  	_ = 	snop  }
0x6: {  	_ = 	snop  }
0x7: {  	_ = 	snop  }
__scs_overlays_trampoline_lowered:
0x8: {  	[smem:$0x3FAB] =	sst s0  }
0x9: {  	[smem:$0x3FAC] =	sst s1  }
0xa: {  	[smem:$0x3FAD] =	sst s2  }
0xb: {  	[smem:$0x3FAE] =	sst s3  }
0xc: {  	[smem:$0x3FAF] =	sst s4  }
0xd: {  	[smem:$0x3FB0] =	sst s5  }
0xe: {  	[smem:$0x3FB1] =	sst s6  }
0xf: {  	[smem:$0x3FB2] =	sst s7  }
0x10: {  	[smem:$0x3FB3] =	sst s8  }
0x11: {  	[smem:$0x3FB4] =	sst s9;
	s0 =	simm.s32 @!p0 $0x0  }
0x12: {  	s1 =	sld [smem:$0x3F9A];
	s0 =	simm.s32 @p0 $0x1  }
0x13: {  	[smem:$0x3FB5] =	sst s0;
	s0 =	simm.s32 @!p1 $0x0  }
0x14: {  	s2 =	sld [smem:$0x3F99];
	s0 =	simm.s32 @p1 $0x1  }
0x15: {  	[smem:$0x3FB6] =	sst s0;
	s0 =	simm.s32 @!p2 $0x0  }
0x16: {  	s3 =	sld [smem:$0x3FDB];
	s0 =	simm.s32 @p2 $0x1  }
0x17: {  	s4 =	simm.s32 $0x1BF5;
	[smem:$0x3FB8] =	sst s0  }
0x18: {  	s0 =	sld [smem:$0x3F9B];
	_ =	swait.ge [sflag:s4], $0x0  }
0x19: {  	s7 =	sld [smem:$0x3F9C]  }
0x1a: {  	s8 =	sadd.s32 $0xFFFFE003, lr  }
0x1b: {  	s9 =	sadd.s32 $0xFFFFFEF7, lr;
	s5 =	simm.s32 $0xFFFFFFFF;
	p2 =	slt.u32 s8, $0xFFFFF086  }
0x1c: {  	p1 =	slt.u32 s9, $0xF7A;
	s5 =	simm.s32 @!p2 $0x0  }
0x1d: {  	s5 =	simm.s32 @p1 $0x1;
	p0 =	seq.s32 s7, s2  }
0x1e: {  	s7 =	smul.u32 @!p0 $0xF7A, s2;
	p2 =	seq.s32 @!p0 s5, $0x0  }
0x1f: {  	s9 =	smul.u32 $0xF7A, s1;
	s8 =	simm.s32 @!p0 $0x1BF5;
	p2 =	por !p2, p0  }
0x20: {  	[sflag:s8] =	ssyncset.s32 @!p0 $0xFFFFF086;
	s6 =	sadd.s32 @!p0 s3, s7;
	s7 =	simm.s32 @!p0 $0x108  }
0x21: {  	s3 =	sadd.s32 s3, s9;
	s6 =	sadd.s32 @!p0 $0x88, s6;
	s7 =	simm.s32 @p2 $0x1082  }
0x22: {  	[simem:s7], [sflag:s8] =	dma.local @!p0 [hbm:s6], $0xF7A  }
0x23: {  	s9 =	sor.u32 $0xD0000000, s2;
	s6 =	simm.s32 $0x108;
	_ =	swait.ge @!p0 [sflag:s8], $0x0  }
0x24: {  	s3 =	sadd.s32 $0x88, s3;
	s6 =	simm.s32 @!p1 $0x1082;
	[sflag:s4] =	ssyncset.s32 $0xFFFFF086  }
0x25: {  	[simem:s6], [sflag:s4] =	dma.local [hbm:s3], $0xF7A  }
0x26: {  	[smem:$0x3F9C] =	sst s1;
	(tag) =	ssettag s2;
	_ =	strace s9  }
0x27: {  	s1 =	sld [smem:$0x3FAC]  }
0x28: {  	s2 =	sld [smem:$0x3FAD]  }
0x29: {  	s4 =	sld [smem:$0x3FAF]  }
0x2a: {  	p0 =	seq.s32 s5, $0x0;
	s5 =	sld [smem:$0x3FB0]  }
0x2b: {  	s6 =	sld [smem:$0x3FB1]  }
0x2c: {  	s7 =	sld [smem:$0x3FB2]  }
0x2d: {  	s3 =	simm.s32 $0x108;
	s8 =	sld [smem:$0x3FB3]  }
0x2e: {  	s3 =	simm.s32 @!p0 $0x1082;
	s9 =	sld [smem:$0x3FB4]  }
0x2f: {  	lr =	sadd.s32 s0, s3;
	s0 =	sld [smem:$0x3FAB]  }
0x30: {  	s3 =	sld [smem:$0x3FAE]  }
0x31: {  	[smem:$0x3FB7] =	sst s10  }
0x32: {  	s10 =	sld [smem:$0x3FB5];
	_ =	sdelay $0x3  }
0x33: {  	p0 =	seq.s32 s10, $0x1;
	s10 =	sld [smem:$0x3FB7];
	_ =	sdelay $0x3  }
0x34: {  	[smem:$0x3FB7] =	sst s10  }
0x35: {  	s10 =	sld [smem:$0x3FB6];
	_ =	sdelay $0x3  }
0x36: {  	p1 =	seq.s32 s10, $0x1;
	s10 =	sld [smem:$0x3FB7];
	_ =	sdelay $0x3  }
0x37: {  	[smem:$0x3FB7] =	sst s10  }
0x38: {  	s10 =	sld [smem:$0x3FB8]  }
0x39: {  	_ = 	snop;
	(pc) =	sbr.ind lr, $3  }
0x3a: {  	_ = 	snop  }
0x3b: {  	_ = 	snop  }
0x3c: {  	p2 =	seq.s32 s10, $0x1;
	s10 =	sld [smem:$0x3FB7]  }
0x3d: {  	_ =	shalt  }
0x3e: {  	_ =	shalt  }
0x3f: {  	_ =	shalt  }
0x40: {  	_ =	shalt  }
0x41: {  	_ =	shalt  }
0x42: {  	_ =	shalt  }
0x43: {  	_ =	shalt  }
0x44: {  	_ =	shalt  }
0x45: {  	_ =	shalt  }
0x46: {  	_ =	shalt  }
0x47: {  	_ =	shalt  }
0x48: {  	_ =	shalt  }
0x49: {  	_ =	shalt  }
0x4a: {  	_ =	shalt  }
0x4b: {  	_ =	shalt  }
0x4c: {  	_ =	shalt  }
0x4d: {  	_ =	shalt  }
0x4e: {  	_ =	shalt  }
0x4f: {  	_ =	shalt  }
0x50: {  	_ =	shalt  }
0x51: {  	_ =	shalt  }
0x52: {  	_ =	shalt  }
0x53: {  	_ =	shalt  }
0x54: {  	_ =	shalt  }
0x55: {  	_ =	shalt  }
0x56: {  	_ =	shalt  }
0x57: {  	_ =	shalt  }
0x58: {  	_ =	shalt  }
0x59: {  	_ =	shalt  }
0x5a: {  	_ =	shalt  }
0x5b: {  	_ =	shalt  }
0x5c: {  	_ =	shalt  }
0x5d: {  	_ =	shalt  }
0x5e: {  	_ =	shalt  }
0x5f: {  	_ =	shalt  }
0x60: {  	_ =	shalt  }
0x61: {  	_ =	shalt  }
0x62: {  	_ =	shalt  }
0x63: {  	_ =	shalt  }
0x64: {  	_ =	shalt  }
0x65: {  	_ =	shalt  }
0x66: {  	_ =	shalt  }
0x67: {  	_ =	shalt  }
0x68: {  	_ =	shalt  }
0x69: {  	_ =	shalt  }
0x6a: {  	_ =	shalt  }
0x6b: {  	_ =	shalt  }
0x6c: {  	_ =	shalt  }
0x6d: {  	_ =	shalt  }
0x6e: {  	_ =	shalt  }
0x6f: {  	_ =	shalt  }
0x70: {  	_ =	shalt  }
0x71: {  	_ =	shalt  }
0x72: {  	_ =	shalt  }
0x73: {  	_ =	shalt  }
0x74: {  	_ =	shalt  }
0x75: {  	_ =	shalt  }
0x76: {  	_ =	shalt  }
0x77: {  	_ =	shalt  }
0x78: {  	_ =	shalt  }
0x79: {  	_ =	shalt  }
0x7a: {  	_ =	shalt  }
0x7b: {  	_ =	shalt  }
0x7c: {  	_ =	shalt  }
0x7d: {  	_ =	shalt  }
0x7e: {  	_ =	shalt  }
0x7f: {  	_ =	shalt  }
0x80: {  	_ =	shalt  }
0x81: {  	_ =	shalt  }
0x82: {  	_ =	shalt  }
0x83: {  	_ =	shalt  }
0x84: {  	_ =	shalt  }
0x85: {  	_ =	shalt  }
0x86: {  	_ =	shalt  }
0x87: {  	_ =	shalt  }
.Lfunc_end0:
.L_simem_size_0:
called_computation_lowered:
.L_overlay_start_0:
0x88: {  	s2 =	sld [smem:$0x3FD9]  }
0x89: {  	s3 =	sld [smem:$0x3FFE];
	_ =	sdelay $0x1  }
0x8a: {  	s1 =	srdreg.scid  }
0x8b: {  	s0 =	sand.u32 $0x1, s1  }
0x8c: {  	s17 =	sshll.u32 s0, $0xA;
	s2 =	sadd.s32 s3, s2  }
0x8d: {  	s2 =	sadd.s32 s2, s17  }
0x8e: {  	[smem:$0x3FC3] =	sst s2  }
0x8f: {  	_ = 	snop  }
0x90: {  	s2 =	sld [smem:$0x3FD0];
	(tm) =	ssettm $0x1  }
0x91: {  	s18 =	sld [smem:$0x3FFB];
	_ =	sdelay $0x3  }
0x92: {  	_ =	strace s18  }
0x93: {  	s3 =	sld [smem:$0x3FFC];
	_ =	sdelay $0x3  }
0x94: {  	_ =	strace s3  }
0x95: {  	s3 =	sld [smem:$0x3FFD];
	_ =	sdelay $0x3  }
0x96: {  	_ =	strace s3  }
0x97: {  	_ =	strace $0x8FFFFFFF  }
0x98: {  	s19 =	sld [smem:$0x3FDB];
	_ =	sdelay $0x1  }
0x99: {  	s4 =	simm.s32 $_scs_section_size  }
0x9a: {  	s5 =	simm.s32 $_size__tile_overlayer_lowered;
	s6 =	simm.s32 $_tile_overlayer_lowered  }
0x9b: {  	s22 =	simm.s32 $0x1BFF;
	s21 =	sshll.u32 s6, $0x1;
	s3 =	sadd.s32 s4, s19  }
0x9c: {  	s7 =	simm.s32 $0x0;
	s20 =	sshll.u32 s5, $0x1;
	s5 =	sadd.s32 s21, s3  }
0x9d: {  	[timem:s7], [sflag:s22] =	dma.local [hbm:s5], s20  }
0x9e: {  	_ =	swait.ge [sflag:s22], s20  }
0x9f: {  	s4 =	ssub.s32 $0x0, s20;
	[sflag:s22] =	ssyncset.done $0x0  }
0xa0: {  	[sflag:s22] =	ssyncadd.s32 s4;
	_ =	sdelay $0x1  }
0xa1: {  	s23 =	simm.s32 $0x1B8B  }
0xa2: {  	_ =	swait.ge [sflag:s23], $0x1  }
0xa3: {  	[sflag:s23] =	ssyncset.done $0x0  }
0xa4: {  	s25 =	simm.s32 $0x1B8E;
	s24 =	sld [smem:$0x3FFE];
	[sflag:s23] =	ssyncadd.s32 $0xFFFFFFFF  }
0xa5: {  	s26 =	simm.s32 $execute0_lowered;
	[smem:$0x3FD2] =	sst s25  }
0xa6: {  	s5 =	sshll.u32 s26, $0x1;
	_ =	strace $0x80000046;
	[dreg:$0x1] =	wrdreg $0xFFFFFFFF  }
0xa7: {  	s28 =	simm.s32 $_size_execute0_lowered;
	s3 =	sadd.s32 s3, s5;
	[dreg:$0x0] =	wrdreg $0x0  }
0xa8: {  	s5 =	sshll.u32 s28, $0x1;
	[dreg:$0x2] =	wrdreg s3  }
0xa9: {  	[dreg:$0x3] =	wrdreg s5  }
0xaa: {  	[dreg:$0x4] =	wrdreg $0xC0  }
0xab: {  	_ =	task [dreg:s7], $0x5FFFF  }
0xac: {  	[dreg:$0x1] =	wrdreg $0xFFFFFFFF  }
0xad: {  	[dreg:$0x0] =	wrdreg $0x60  }
0xae: {  	[dreg:$0x2] =	wrdreg s2  }
0xaf: {  	[dreg:$0x3] =	wrdreg s24  }
0xb0: {  	[dreg:$0x4] =	wrdreg $0xB8000  }
0xb1: {  	[dreg:$0x5] =	wrdreg $0x9  }
0xb2: {  	_ =	task.clear_ibuf [dreg:s7], $0x6FFFF;
	_ =	strace $0x90000046  }
0xb3: {  	s29 =	simm.s32 $0x9;
	_ =	strace $0x80000048  }
0xb4: {  	_ =	swait.ge [sflag:s29], $0x1  }
0xb5: {  	[sflag:s29] =	ssyncadd.s32 $0xFFFFFFFF  }
0xb6: {  	_ =	strace $0x90000048  }
0xb7: {  	_ =	sfence  }
0xb8: {  	s30 =	sld [smem:$0x0];
	_ =	sdelay $0x2  }
0xb9: {  	s31 =	sshll.u32 s1, $0xD;
	s1 =	sshrl.u32 s1, $0x2  }
0xba: {  	s3 =	sand.u32 $0x4000, s31;
	s1 =	sadd.s32 s1, s30  }
0xbb: {  	s0 =	sor.u32 s3, s0;
	s1 =	sshll.u32 s1, $0x11  }
0xbc: {  	s0 =	sor.u32 s1, s0  }
0xbd: {  	s0 =	sadd.s32 $0x8F2B, s0  }
0xbe: {  	[sflag:s0] =	ssyncadd.remote.s32 $0x1  }
0xbf: {  	_ =	sfence.sel $0xFFFF  }
0xc0: {  	[dreg:$0x0] =	wrdreg $0xFFFFFFFF;
	(pc) =	sbr.abs _section_cstart, $3  }
0xc1: {  	[dreg:$0x1] =	wrdreg $0xFFFFFFFF  }
0xc2: {  	_ =	task.clear_ibuf [dreg:s7], $0x2FFFF;
	_ =	strace $0x9FFFFFFF  }
0xc3: {  	(tm) =	ssettm $0x7FFFFFFF  }
tec
execute0_lowered:
.L_overlay_start_1:
0x0: {  	(tag) =	ssettag $0x1  }
0x1: {  	s0 =	rddreg [dreg:$0x0]  }
0x2: {  	s5 =	rddreg [dreg:$0x1]  }
0x3: {  	s1 =	srdreg.scid;
	s2 =	rddreg [dreg:$0x2]  }
0x4: {  	s3 =	stileid.u32;
	s4 =	simm.s32 $0x0;
	s18 =	simm.s32 $0x2  }
0x5: {  	s19 =	simm.s32 $0x5000;
	s20 =	simm.s32 $0x7800;
	s21 =	simm.s32 $0x80  }
0x6: {  	s22 =	simm.s32 $0x1;
	s6 =	sand.u32 $0x1, s1;
	s1 =	rddreg [dreg:$0x3]  }
0x7: {  	s23 =	simm.s32 $0x0;
	[smem:$0x7FF] =	sst s4;
	s10 =	smul.u32 $0x4E000, s3  }
0x8: {  	s14 =	sadd.s32 $0x1EE00, s5;
	s13 =	smul.u32 $0x13800, s3;
	p0 =	sne.s32 s3, $0x0  }
0x9: {  	s7 =	sshll.u32 s6, $0x4;
	s8 =	ssub.s32 $0x2, s6;
	s12 =	smul.u32 $0x138800, s6  }
0xa: {  	_ =	strace $0x80000047;
	s7 =	sor.u32 s3, s7;
	s9 =	sshrl.u32 s8, $0x1  }
0xb: {  	s31 =	sshrl.u32 s10, $0x2;
	s7 =	smul.u32 $0x500, s7;
	s13 =	sadd.s32 s13, s12  }
0xc: {  	s16 =	ssub.s32 s8, s9;
	s15 =	sshrl.u32 s12, $0x3;
	s17 =	sshrl.u32 s13, $0x3  }
0xd: {  	s15 =	sadd.s32 s14, s15;
	s13 =	sadd.s32 $0x138000, s2;
	s16 =	smax.u32 s16, $0x1  }
0xe: {  	s11 =	sadd.s32 s7, s5;
	s7 =	sadd.s32 s31, s2;
	s14 =	sadd.s32 s14, s17  }
0xf: {  	s15 =	sadd.s32 $0x27000, s15;
	s17 =	simm.s32 $0x2800;
	s5 =	sadd.s32 $0xAE00, s11  }
0x10: {  	s6 =	sadd.s32 $0x14E00, s11;
	s8 =	sadd.s32 $0xE00, s11;
	s9 =	sadd.s32 $0x4000, s7  }
0x11: {  	v0 =	vimm.f32 $0.0e+00;
	s10 =	sadd.s32 $0x8000, s7;
	s11 =	sadd.s32 $0xC000, s7;
	s12 =	sadd.s32 $0x10000, s7  }
.LBB2_1:
0x12: {  	[tilespmem:s17], [sflag:$0x2] =	stream.linear.gather [hbm4b:s5+s4], $0x2780, $0x38;
	[tilespmem:$0x1F080] =	vst v63  }
0x13: {  	_ =	swait.ge [sflag:s18], $0x2780  }
0x14: {  	[sflag:s18] =	ssyncset.done $0x0  }
0x15: {  	[sflag:s18] =	ssyncadd.s32 $0xFFFFD880  }
0x16: {  	[tilespmem:s4], [sflag:$0x2] =	stream.linear.gather [hbm4b:s6+s4], $0x2780, $0x38;
	[tilespmem:$0x1F080] =	vst v63  }
0x17: {  	_ =	swait.ge [sflag:s18], $0x2780  }
0x18: {  	[sflag:s18] =	ssyncset.done $0x0  }
0x19: {  	[sflag:s18] =	ssyncadd.s32 $0xFFFFD880  }
0x1a: {  	[tilespmem:s19], [sflag:$0x2] =	stream.linear.gather [hbm4b:s8+s4], $0x2780, $0x38;
	[tilespmem:$0x1F080] =	vst v63  }
0x1b: {  	_ =	swait.ge [sflag:s18], $0x2780  }
0x1c: {  	[sflag:s18] =	ssyncset.done $0x0  }
0x1d: {  	s24 =	simm.s32 $0x0;
	s25 =	simm.s32 $0x200;
	[sflag:s18] =	ssyncadd.s32 $0xFFFFD880  }
.LBB2_2:
0x1e: {  	p1 =	sne.s32 s25, $0xFE00;
	[tilespmem:s24+$0x7870] =	vst v0  }
0x1f: {  	[tilespmem:s24+$0x7800] =	vst v0  }
0x20: {  	[tilespmem:s24+$0x7810] =	vst v0  }
.Ltmp0:
0x21: {  	[tilespmem:s24+$0x7820] =	vst v0;
	(pc) =	sbr.rel @p1 .LBB2_2-.Ltmp0, $4  }
0x22: {  	[tilespmem:s24+$0x7830] =	vst v0  }
0x23: {  	[tilespmem:s24+$0x7840] =	vst v0  }
0x24: {  	[tilespmem:s24+$0x7850] =	vst v0  }
0x25: {  	[tilespmem:s24+$0x7860] =	vst v0;
	s24 =	sshra.s32 s25, $0x2;
	s25 =	sadd.s32 $0x200, s25  }
0x26: {  	[tilespmem:s24+$0x7870] =	vst v0  }
0x27: {  	[tilespmem:s24+$0x7800] =	vst v0  }
0x28: {  	[tilespmem:s24+$0x7810] =	vst v0  }
0x29: {  	[tilespmem:s24+$0x7820] =	vst v0  }
0x2a: {  	[tilespmem:s24+$0x7830] =	vst v0  }
0x2b: {  	[tilespmem:s24+$0x7840] =	vst v0  }
0x2c: {  	[tilespmem:s24+$0x7850] =	vst v0  }
0x2d: {  	[tilespmem:s24+$0x7860] =	vst v0  }
0x2e: {  	[spmem:s7] =	stream.linear.scatter [tilespmem:s20], [sflag:$0x2], $0x4000, $0x38;
	[tilespmem:$0x1F080] =	vst v63  }
0x2f: {  	_ =	swait.ge [sflag:s18], $0x4000  }
0x30: {  	[sflag:s18] =	ssyncset.done $0x0  }
0x31: {  	[sflag:s18] =	ssyncadd.s32 $0xFFFFC000  }
0x32: {  	[spmem:s9] =	stream.linear.scatter [tilespmem:s20], [sflag:$0x2], $0x4000, $0x38;
	[tilespmem:$0x1F080] =	vst v63  }
0x33: {  	_ =	swait.ge [sflag:s18], $0x4000  }
0x34: {  	[sflag:s18] =	ssyncset.done $0x0  }
0x35: {  	[sflag:s18] =	ssyncadd.s32 $0xFFFFC000  }
0x36: {  	[spmem:s10] =	stream.linear.scatter [tilespmem:s20], [sflag:$0x2], $0x4000, $0x38;
	[tilespmem:$0x1F080] =	vst v63  }
0x37: {  	_ =	swait.ge [sflag:s18], $0x4000  }
0x38: {  	[sflag:s18] =	ssyncset.done $0x0  }
0x39: {  	[sflag:s18] =	ssyncadd.s32 $0xFFFFC000  }
0x3a: {  	[spmem:s11] =	stream.linear.scatter [tilespmem:s20], [sflag:$0x2], $0x4000, $0x38;
	[tilespmem:$0x1F080] =	vst v63  }
0x3b: {  	_ =	swait.ge [sflag:s18], $0x4000  }
0x3c: {  	[sflag:s18] =	ssyncset.done $0x0  }
0x3d: {  	[sflag:s18] =	ssyncadd.s32 $0xFFFFC000  }
0x3e: {  	[spmem:s12] =	stream.linear.scatter [tilespmem:s20], [sflag:$0x2], $0x3800, $0x38;
	[tilespmem:$0x1F080] =	vst v63  }
0x3f: {  	_ =	swait.ge [sflag:s18], $0x3800  }
0x40: {  	[sflag:s18] =	ssyncset.done $0x0  }
0x41: {  	s24 =	simm.s32 @!p0 $0x7800;
	[sflag:s18] =	ssyncadd.s32 $0xFFFFC800  }
0x42: {  	[spmem:s13] =	stream.linear.scatter @!p0 [tilespmem:s24], [sflag:$0x2], $0x800, $0x38;
	[tilespmem:$0x1F080] =	vst v63  }
0x43: {  	s24 =	simm.s32 @!p0 $0x2  }
0x44: {  	_ =	swait.ge @!p0 [sflag:s24], $0x800  }
0x45: {  	[sflag:s24] =	ssyncset.done @!p0 $0x0  }
0x46: {  	[sflag:s24] =	ssyncadd.s32 @!p0 $0xFFFFF800  }
0x47: {  	s24 =	simm.s32 $0x0;
	[bflag:$0x0] =	sbarrier.arrive $0xFFFF  }
.LBB2_4:
0x48: {  	s25 =	sshll.u32 s24, $0x7  }
0x49: {  	[tilespmem:s20], [sflag:$0x1] =	stream.indirect.gather [hbm4b:s0+s21], $0x80, s25, s21, $0xb8;
	[tilespmem:$0x1F080] =	vst v63  }
0x4a: {  	s26 =	sadd.s32 $0x5000, s25  }
0x4b: {  	_ =	swait.ge [sflag:s22], $0x4000;
	v1 =	vmov s26  }
0x4c: {  	[sflag:s22] =	ssyncset.done $0x0  }
0x4d: {  	s26 =	simm.s32 $0x0;
	[sflag:s22] =	ssyncadd.s32 $0xFFFFC000  }
.LBB2_5:
0x4e: {  	s28 =	sshll.u32 s26, $0x4  }
0x4f: {  	s28 =	sand.u32 $0x3FFFFFF0, s28  }
0x50: {  	s31 =	sshll.u32 s26, $0xB;
	v2 =	vld.idx.msk [tilespmem:v1+s28+$0x0 ss:$0x1], $0xffff  }
0x51: {  	s28 =	sand.u32 $0x3FFFF800, s31  }
0x52: {  	v3 =	vld [tilespmem:s28+$0x7800]  }
0x53: {  	v4 =	vld [tilespmem:s28+$0x7810]  }
0x54: {  	v5 =	vld [tilespmem:s28+$0x7820]  }
0x55: {  	v7 =	vld [tilespmem:s28+$0x7830];
	v6 =	vbroadcast v2, $0x0  }
0x56: {  	v8 =	vld [tilespmem:s28+$0x7840]  }
0x57: {  	v9 =	vld [tilespmem:s28+$0x7850];
	v3 =	vmul.f32 v6, v3  }
0x58: {  	v10 =	vld [tilespmem:s28+$0x7860];
	v4 =	vmul.f32 v4, v6  }
0x59: {  	v24 =	vld [tilespmem:s28+$0x7870];
	[tilespmem:s28+$0x7800] =	vst v3;
	v3 =	vmul.f32 v5, v6  }
0x5a: {  	v26 =	vld [tilespmem:s28+$0x7880];
	v25 =	vmul.f32 v7, v6;
	[tilespmem:s28+$0x7810] =	vst v4  }
0x5b: {  	v27 =	vld [tilespmem:s28+$0x7890];
	[tilespmem:s28+$0x7820] =	vst v3;
	v3 =	vmul.f32 v8, v6  }
0x5c: {  	v29 =	vld [tilespmem:s28+$0x78A0];
	v28 =	vmul.f32 v9, v6;
	[tilespmem:s28+$0x7830] =	vst v25  }
0x5d: {  	v11 =	vld [tilespmem:s28+$0x78B0];
	v30 =	vbroadcast v2, $0x1;
	[tilespmem:s28+$0x7840] =	vst v3;
	v3 =	vmul.f32 v10, v6  }
0x5e: {  	v32 =	vld [tilespmem:s28+$0x78C0];
	v31 =	vmul.f32 v24, v6;
	[tilespmem:s28+$0x7850] =	vst v28  }
0x5f: {  	v33 =	vld [tilespmem:s28+$0x78D0];
	[tilespmem:s28+$0x7860] =	vst v3;
	v3 =	vmul.f32 v26, v30  }
0x60: {  	v35 =	vld [tilespmem:s28+$0x78E0];
	v34 =	vmul.f32 v27, v30;
	[tilespmem:s28+$0x7870] =	vst v31  }
0x61: {  	v36 =	vld [tilespmem:s28+$0x78F0];
	[tilespmem:s28+$0x7880] =	vst v3;
	v3 =	vmul.f32 v29, v30  }
0x62: {  	v38 =	vld [tilespmem:s28+$0x7900];
	v37 =	vmul.f32 v11, v30;
	[tilespmem:s28+$0x7890] =	vst v34  }
0x63: {  	v39 =	vld [tilespmem:s28+$0x7910];
	[tilespmem:s28+$0x78A0] =	vst v3;
	v3 =	vmul.f32 v32, v30  }
0x64: {  	v41 =	vld [tilespmem:s28+$0x7920];
	v40 =	vmul.f32 v33, v30;
	[tilespmem:s28+$0x78B0] =	vst v37  }
0x65: {  	v43 =	vld [tilespmem:s28+$0x7930];
	v42 =	vbroadcast v2, $0x2;
	[tilespmem:s28+$0x78C0] =	vst v3;
	v3 =	vmul.f32 v35, v30  }
0x66: {  	v45 =	vld [tilespmem:s28+$0x7940];
	v44 =	vmul.f32 v36, v30;
	[tilespmem:s28+$0x78D0] =	vst v40  }
0x67: {  	v46 =	vld [tilespmem:s28+$0x7950];
	[tilespmem:s28+$0x78E0] =	vst v3;
	v3 =	vmul.f32 v38, v42  }
0x68: {  	v48 =	vld [tilespmem:s28+$0x7960];
	v47 =	vmul.f32 v39, v42;
	[tilespmem:s28+$0x78F0] =	vst v44  }
0x69: {  	v49 =	vld [tilespmem:s28+$0x7970];
	[tilespmem:s28+$0x7900] =	vst v3;
	v3 =	vmul.f32 v41, v42  }
0x6a: {  	v51 =	vld [tilespmem:s28+$0x7980];
	v50 =	vmul.f32 v43, v42;
	[tilespmem:s28+$0x7910] =	vst v47  }
0x6b: {  	v52 =	vld [tilespmem:s28+$0x7990];
	[tilespmem:s28+$0x7920] =	vst v3;
	v3 =	vmul.f32 v45, v42  }
0x6c: {  	v54 =	vld [tilespmem:s28+$0x79A0];
	v53 =	vmul.f32 v46, v42;
	[tilespmem:s28+$0x7930] =	vst v50  }
0x6d: {  	v56 =	vld [tilespmem:s28+$0x79B0];
	v55 =	vbroadcast v2, $0x3;
	[tilespmem:s28+$0x7940] =	vst v3;
	v3 =	vmul.f32 v48, v42  }
0x6e: {  	v58 =	vld [tilespmem:s28+$0x79C0];
	v57 =	vmul.f32 v49, v42;
	[tilespmem:s28+$0x7950] =	vst v53  }
0x6f: {  	v59 =	vld [tilespmem:s28+$0x79D0];
	[tilespmem:s28+$0x7960] =	vst v3;
	v3 =	vmul.f32 v51, v55  }
0x70: {  	v61 =	vld [tilespmem:s28+$0x79E0];
	v60 =	vmul.f32 v52, v55;
	[tilespmem:s28+$0x7970] =	vst v57  }
0x71: {  	v62 =	vld [tilespmem:s28+$0x79F0];
	[tilespmem:s28+$0x7980] =	vst v3;
	v3 =	vmul.f32 v54, v55  }
0x72: {  	v12 =	vld [tilespmem:s28+$0x7A00];
	v63 =	vmul.f32 v56, v55;
	[tilespmem:s28+$0x7990] =	vst v60  }
0x73: {  	v13 =	vld [tilespmem:s28+$0x7A10];
	[tilespmem:s28+$0x79A0] =	vst v3;
	v3 =	vmul.f32 v58, v55  }
0x74: {  	v15 =	vld [tilespmem:s28+$0x7A20];
	v14 =	vmul.f32 v59, v55;
	[tilespmem:s28+$0x79B0] =	vst v63  }
0x75: {  	v17 =	vld [tilespmem:s28+$0x7A30];
	v16 =	vbroadcast v2, $0x4;
	[tilespmem:s28+$0x79C0] =	vst v3;
	v3 =	vmul.f32 v61, v55  }
0x76: {  	v19 =	vld [tilespmem:s28+$0x7A40];
	v18 =	vmul.f32 v62, v55;
	[tilespmem:s28+$0x79D0] =	vst v14  }
0x77: {  	v20 =	vld [tilespmem:s28+$0x7A50];
	[tilespmem:s28+$0x79E0] =	vst v3;
	v3 =	vmul.f32 v12, v16  }
0x78: {  	v22 =	vld [tilespmem:s28+$0x7A60];
	v21 =	vmul.f32 v13, v16;
	[tilespmem:s28+$0x79F0] =	vst v18  }
0x79: {  	v23 =	vld [tilespmem:s28+$0x7A70];
	[tilespmem:s28+$0x7A00] =	vst v3;
	v3 =	vmul.f32 v15, v16  }
0x7a: {  	v24 =	vmul.f32 v17, v16;
	[tilespmem:s28+$0x7A10] =	vst v21;
	v25 =	vld [tilespmem:s28+$0x7A80]  }
0x7b: {  	v33 =	vld [tilespmem:s28+$0x7AD0];
	[tilespmem:s28+$0x7A20] =	vst v3;
	v3 =	vmul.f32 v19, v16  }
0x7c: {  	v27 =	vmul.f32 v20, v16;
	[tilespmem:s28+$0x7A30] =	vst v24;
	v28 =	vld [tilespmem:s28+$0x7AA0]  }
0x7d: {  	v36 =	vld [tilespmem:s28+$0x7AF0];
	v29 =	vbroadcast v2, $0x5;
	[tilespmem:s28+$0x7A40] =	vst v3;
	v3 =	vmul.f32 v22, v16  }
0x7e: {  	[tilespmem:s28+$0x7A50] =	vst v27;
	v31 =	vmul.f32 v23, v16;
	v32 =	vld [tilespmem:s28+$0x7AC0]  }
0x7f: {  	v26 =	vld [tilespmem:s28+$0x7A90];
	[tilespmem:s28+$0x7A60] =	vst v3;
	v3 =	vmul.f32 v25, v29  }
0x80: {  	[tilespmem:s28+$0x7A70] =	vst v31;
	v40 =	vmul.f32 v33, v29;
	v35 =	vld [tilespmem:s28+$0x7AE0]  }
0x81: {  	v30 =	vld [tilespmem:s28+$0x7AB0];
	[tilespmem:s28+$0x7A80] =	vst v3;
	v3 =	vmul.f32 v28, v29  }
0x82: {  	v44 =	vmul.f32 v36, v29;
	[tilespmem:s28+$0x7AD0] =	vst v40;
	v38 =	vld [tilespmem:s28+$0x7B00]  }
0x83: {  	v39 =	vld [tilespmem:s28+$0x7B10];
	[tilespmem:s28+$0x7AA0] =	vst v3;
	v3 =	vmul.f32 v32, v29  }
0x84: {  	v34 =	vmul.f32 v26, v29;
	[tilespmem:s28+$0x7AF0] =	vst v44;
	v41 =	vld [tilespmem:s28+$0x7B20]  }
0x85: {  	v43 =	vld [tilespmem:s28+$0x7B30];
	v42 =	vbroadcast v2, $0x6;
	[tilespmem:s28+$0x7AC0] =	vst v3;
	v3 =	vmul.f32 v35, v29  }
0x86: {  	[tilespmem:s28+$0x7A90] =	vst v34;
	v37 =	vmul.f32 v30, v29;
	v45 =	vld [tilespmem:s28+$0x7B40]  }
0x87: {  	v46 =	vld [tilespmem:s28+$0x7B50];
	[tilespmem:s28+$0x7AE0] =	vst v3;
	v3 =	vmul.f32 v38, v42  }
0x88: {  	[tilespmem:s28+$0x7AB0] =	vst v37;
	v48 =	vld [tilespmem:s28+$0x7B60];
	v47 =	vmul.f32 v39, v42  }
0x89: {  	v49 =	vld [tilespmem:s28+$0x7B70];
	[tilespmem:s28+$0x7B00] =	vst v3;
	v3 =	vmul.f32 v41, v42  }
0x8a: {  	v50 =	vmul.f32 v43, v42;
	v51 =	vld [tilespmem:s28+$0x7B80];
	[tilespmem:s28+$0x7B10] =	vst v47  }
0x8b: {  	v52 =	vld [tilespmem:s28+$0x7B90];
	[tilespmem:s28+$0x7B20] =	vst v3;
	v3 =	vmul.f32 v45, v42  }
0x8c: {  	v53 =	vmul.f32 v46, v42;
	[tilespmem:s28+$0x7B30] =	vst v50;
	v54 =	vld [tilespmem:s28+$0x7BA0]  }
0x8d: {  	v56 =	vld [tilespmem:s28+$0x7BB0];
	v55 =	vbroadcast v2, $0x7;
	[tilespmem:s28+$0x7B40] =	vst v3;
	v3 =	vmul.f32 v48, v42  }
0x8e: {  	v57 =	vmul.f32 v49, v42;
	[tilespmem:s28+$0x7B50] =	vst v53;
	v58 =	vld [tilespmem:s28+$0x7BC0]  }
0x8f: {  	v59 =	vld [tilespmem:s28+$0x7BD0];
	[tilespmem:s28+$0x7B60] =	vst v3;
	v3 =	vmul.f32 v51, v55  }
0x90: {  	[tilespmem:s28+$0x7B70] =	vst v57;
	v61 =	vld [tilespmem:s28+$0x7BE0];
	v60 =	vmul.f32 v52, v55  }
0x91: {  	v62 =	vld [tilespmem:s28+$0x7BF0];
	[tilespmem:s28+$0x7B80] =	vst v3;
	v3 =	vmul.f32 v54, v55  }
0x92: {  	v63 =	vmul.f32 v56, v55;
	v12 =	vld [tilespmem:s28+$0x7C00];
	[tilespmem:s28+$0x7B90] =	vst v60  }
0x93: {  	v13 =	vld [tilespmem:s28+$0x7C10];
	[tilespmem:s28+$0x7BA0] =	vst v3;
	v3 =	vmul.f32 v58, v55  }
0x94: {  	v14 =	vmul.f32 v59, v55;
	[tilespmem:s28+$0x7BB0] =	vst v63;
	v15 =	vld [tilespmem:s28+$0x7C20]  }
0x95: {  	v17 =	vld [tilespmem:s28+$0x7C30];
	v16 =	vbroadcast v2, $0x8;
	[tilespmem:s28+$0x7BC0] =	vst v3;
	v3 =	vmul.f32 v61, v55  }
0x96: {  	v18 =	vmul.f32 v62, v55;
	[tilespmem:s28+$0x7BD0] =	vst v14;
	v19 =	vld [tilespmem:s28+$0x7C40]  }
0x97: {  	v20 =	vld [tilespmem:s28+$0x7C50];
	[tilespmem:s28+$0x7BE0] =	vst v3;
	v3 =	vmul.f32 v12, v16  }
0x98: {  	[tilespmem:s28+$0x7BF0] =	vst v18;
	v22 =	vld [tilespmem:s28+$0x7C60];
	v21 =	vmul.f32 v13, v16  }
0x99: {  	v23 =	vld [tilespmem:s28+$0x7C70];
	[tilespmem:s28+$0x7C00] =	vst v3;
	v3 =	vmul.f32 v15, v16  }
0x9a: {  	v24 =	vmul.f32 v17, v16;
	v25 =	vld [tilespmem:s28+$0x7C80];
	[tilespmem:s28+$0x7C10] =	vst v21  }
0x9b: {  	v26 =	vld [tilespmem:s28+$0x7C90];
	[tilespmem:s28+$0x7C20] =	vst v3;
	v3 =	vmul.f32 v19, v16  }
0x9c: {  	v27 =	vmul.f32 v20, v16;
	[tilespmem:s28+$0x7C30] =	vst v24;
	v28 =	vld [tilespmem:s28+$0x7CA0]  }
0x9d: {  	v30 =	vld [tilespmem:s28+$0x7CB0];
	v29 =	vbroadcast v2, $0x9;
	[tilespmem:s28+$0x7C40] =	vst v3;
	v3 =	vmul.f32 v22, v16  }
0x9e: {  	v31 =	vmul.f32 v23, v16;
	[tilespmem:s28+$0x7C50] =	vst v27;
	v32 =	vld [tilespmem:s28+$0x7CC0]  }
0x9f: {  	v33 =	vld [tilespmem:s28+$0x7CD0];
	[tilespmem:s28+$0x7C60] =	vst v3;
	v3 =	vmul.f32 v25, v29  }
0xa0: {  	[tilespmem:s28+$0x7C70] =	vst v31;
	v35 =	vld [tilespmem:s28+$0x7CE0];
	v34 =	vmul.f32 v26, v29  }
0xa1: {  	v36 =	vld [tilespmem:s28+$0x7CF0];
	[tilespmem:s28+$0x7C80] =	vst v3;
	v3 =	vmul.f32 v28, v29  }
0xa2: {  	v37 =	vmul.f32 v30, v29;
	v38 =	vld [tilespmem:s28+$0x7D00];
	[tilespmem:s28+$0x7C90] =	vst v34  }
0xa3: {  	v39 =	vld [tilespmem:s28+$0x7D10];
	[tilespmem:s28+$0x7CA0] =	vst v3;
	v3 =	vmul.f32 v32, v29  }
0xa4: {  	v40 =	vmul.f32 v33, v29;
	[tilespmem:s28+$0x7CB0] =	vst v37;
	v41 =	vld [tilespmem:s28+$0x7D20]  }
0xa5: {  	v43 =	vld [tilespmem:s28+$0x7D30];
	v42 =	vbroadcast v2, $0xA;
	[tilespmem:s28+$0x7CC0] =	vst v3;
	v3 =	vmul.f32 v35, v29  }
0xa6: {  	v44 =	vmul.f32 v36, v29;
	[tilespmem:s28+$0x7CD0] =	vst v40;
	v45 =	vld [tilespmem:s28+$0x7D40]  }
0xa7: {  	v46 =	vld [tilespmem:s28+$0x7D50];
	[tilespmem:s28+$0x7CE0] =	vst v3;
	v3 =	vmul.f32 v38, v42  }
0xa8: {  	[tilespmem:s28+$0x7CF0] =	vst v44;
	v48 =	vld [tilespmem:s28+$0x7D60];
	v47 =	vmul.f32 v39, v42  }
0xa9: {  	v49 =	vld [tilespmem:s28+$0x7D70];
	[tilespmem:s28+$0x7D00] =	vst v3;
	v3 =	vmul.f32 v41, v42  }
0xaa: {  	v50 =	vmul.f32 v43, v42;
	v51 =	vld [tilespmem:s28+$0x7D80];
	[tilespmem:s28+$0x7D10] =	vst v47  }
0xab: {  	v52 =	vld [tilespmem:s28+$0x7D90];
	[tilespmem:s28+$0x7D20] =	vst v3;
	v3 =	vmul.f32 v45, v42  }
0xac: {  	v53 =	vmul.f32 v46, v42;
	[tilespmem:s28+$0x7D30] =	vst v50;
	v54 =	vld [tilespmem:s28+$0x7DA0]  }
0xad: {  	v56 =	vld [tilespmem:s28+$0x7DB0];
	v55 =	vbroadcast v2, $0xB;
	[tilespmem:s28+$0x7D40] =	vst v3;
	v3 =	vmul.f32 v48, v42  }
0xae: {  	v57 =	vmul.f32 v49, v42;
	[tilespmem:s28+$0x7D50] =	vst v53;
	v58 =	vld [tilespmem:s28+$0x7DC0]  }
0xaf: {  	v59 =	vld [tilespmem:s28+$0x7DD0];
	[tilespmem:s28+$0x7D60] =	vst v3;
	v3 =	vmul.f32 v51, v55  }
0xb0: {  	[tilespmem:s28+$0x7D70] =	vst v57;
	v61 =	vld [tilespmem:s28+$0x7DE0];
	v60 =	vmul.f32 v52, v55  }
0xb1: {  	v62 =	vld [tilespmem:s28+$0x7DF0];
	[tilespmem:s28+$0x7D80] =	vst v3;
	v3 =	vmul.f32 v54, v55  }
0xb2: {  	v63 =	vmul.f32 v56, v55;
	v12 =	vld [tilespmem:s28+$0x7E00];
	[tilespmem:s28+$0x7D90] =	vst v60  }
0xb3: {  	v13 =	vld [tilespmem:s28+$0x7E10];
	[tilespmem:s28+$0x7DA0] =	vst v3;
	v3 =	vmul.f32 v58, v55  }
0xb4: {  	v14 =	vmul.f32 v59, v55;
	[tilespmem:s28+$0x7DB0] =	vst v63;
	v15 =	vld [tilespmem:s28+$0x7E20]  }
0xb5: {  	v17 =	vld [tilespmem:s28+$0x7E30];
	v16 =	vbroadcast v2, $0xC;
	[tilespmem:s28+$0x7DC0] =	vst v3;
	v3 =	vmul.f32 v61, v55  }
0xb6: {  	v18 =	vmul.f32 v62, v55;
	[tilespmem:s28+$0x7DD0] =	vst v14;
	v19 =	vld [tilespmem:s28+$0x7E40]  }
0xb7: {  	v20 =	vld [tilespmem:s28+$0x7E50];
	[tilespmem:s28+$0x7DE0] =	vst v3;
	v3 =	vmul.f32 v12, v16  }
0xb8: {  	[tilespmem:s28+$0x7DF0] =	vst v18;
	v22 =	vld [tilespmem:s28+$0x7E60];
	v21 =	vmul.f32 v13, v16  }
0xb9: {  	v23 =	vld [tilespmem:s28+$0x7E70];
	[tilespmem:s28+$0x7E00] =	vst v3;
	v3 =	vmul.f32 v15, v16  }
0xba: {  	v24 =	vmul.f32 v17, v16;
	v25 =	vld [tilespmem:s28+$0x7E80];
	[tilespmem:s28+$0x7E10] =	vst v21  }
0xbb: {  	v26 =	vld [tilespmem:s28+$0x7E90];
	[tilespmem:s28+$0x7E20] =	vst v3;
	v3 =	vmul.f32 v19, v16  }
0xbc: {  	v27 =	vmul.f32 v20, v16;
	[tilespmem:s28+$0x7E30] =	vst v24;
	v28 =	vld [tilespmem:s28+$0x7EA0]  }
0xbd: {  	v30 =	vld [tilespmem:s28+$0x7EB0];
	v29 =	vbroadcast v2, $0xD;
	[tilespmem:s28+$0x7E40] =	vst v3;
	v3 =	vmul.f32 v22, v16  }
0xbe: {  	v31 =	vmul.f32 v23, v16;
	[tilespmem:s28+$0x7E50] =	vst v27;
	v32 =	vld [tilespmem:s28+$0x7EC0]  }
0xbf: {  	v33 =	vld [tilespmem:s28+$0x7ED0];
	[tilespmem:s28+$0x7E60] =	vst v3;
	v3 =	vmul.f32 v25, v29  }
0xc0: {  	[tilespmem:s28+$0x7E70] =	vst v31;
	v35 =	vld [tilespmem:s28+$0x7EE0];
	v34 =	vmul.f32 v26, v29  }
0xc1: {  	v36 =	vld [tilespmem:s28+$0x7EF0];
	[tilespmem:s28+$0x7E80] =	vst v3;
	v3 =	vmul.f32 v28, v29  }
0xc2: {  	v37 =	vmul.f32 v30, v29;
	v38 =	vld [tilespmem:s28+$0x7F00];
	[tilespmem:s28+$0x7E90] =	vst v34  }
0xc3: {  	v39 =	vld [tilespmem:s28+$0x7F10];
	[tilespmem:s28+$0x7EA0] =	vst v3;
	v3 =	vmul.f32 v32, v29  }
0xc4: {  	v40 =	vmul.f32 v33, v29;
	[tilespmem:s28+$0x7EB0] =	vst v37;
	v41 =	vld [tilespmem:s28+$0x7F20]  }
0xc5: {  	v43 =	vld [tilespmem:s28+$0x7F30];
	v42 =	vbroadcast v2, $0xE;
	[tilespmem:s28+$0x7EC0] =	vst v3;
	v3 =	vmul.f32 v35, v29  }
0xc6: {  	v44 =	vmul.f32 v36, v29;
	[tilespmem:s28+$0x7ED0] =	vst v40;
	v45 =	vld [tilespmem:s28+$0x7F40]  }
0xc7: {  	v46 =	vld [tilespmem:s28+$0x7F50];
	[tilespmem:s28+$0x7EE0] =	vst v3;
	v3 =	vmul.f32 v38, v42  }
0xc8: {  	[tilespmem:s28+$0x7EF0] =	vst v44;
	v48 =	vld [tilespmem:s28+$0x7F60];
	v47 =	vmul.f32 v39, v42  }
0xc9: {  	v49 =	vld [tilespmem:s28+$0x7F70];
	[tilespmem:s28+$0x7F00] =	vst v3;
	v3 =	vmul.f32 v41, v42  }
0xca: {  	v50 =	vmul.f32 v43, v42;
	v51 =	vld [tilespmem:s28+$0x7F80];
	[tilespmem:s28+$0x7F10] =	vst v47  }
0xcb: {  	v52 =	vld [tilespmem:s28+$0x7F90];
	[tilespmem:s28+$0x7F20] =	vst v3;
	v3 =	vmul.f32 v45, v42  }
0xcc: {  	v53 =	vmul.f32 v46, v42;
	[tilespmem:s28+$0x7F30] =	vst v50;
	v54 =	vld [tilespmem:s28+$0x7FA0]  }
0xcd: {  	v2 =	vbroadcast v2, $0xF;
	v58 =	vld [tilespmem:s28+$0x7FD0];
	[tilespmem:s28+$0x7F40] =	vst v3;
	v3 =	vmul.f32 v48, v42  }
0xce: {  	v57 =	vld [tilespmem:s28+$0x7FC0];
	v56 =	vmul.f32 v49, v42;
	[tilespmem:s28+$0x7F50] =	vst v53  }
0xcf: {  	v55 =	vld [tilespmem:s28+$0x7FB0];
	[tilespmem:s28+$0x7F60] =	vst v3;
	v3 =	vmul.f32 v51, v2  }
0xd0: {  	v60 =	vld [tilespmem:s28+$0x7FE0];
	v59 =	vmul.f32 v52, v2;
	[tilespmem:s28+$0x7F70] =	vst v56  }
0xd1: {  	v61 =	vld [tilespmem:s28+$0x7FF0];
	[tilespmem:s28+$0x7F80] =	vst v3;
	v3 =	vmul.f32 v54, v2  }
0xd2: {  	[tilespmem:s28+$0x7F90] =	vst v59;
	v63 =	vmul.f32 v58, v2  }
0xd3: {  	p1 =	sne.s32 s26, $0x7;
	[tilespmem:s28+$0x7FA0] =	vst v3;
	v3 =	vmul.f32 v57, v2  }
.Ltmp1:
0xd4: {  	v62 =	vmul.f32 v55, v2;
	[tilespmem:s28+$0x7FD0] =	vst v63;
	(pc) =	sbr.rel @p1 .LBB2_5-.Ltmp1, $4  }
0xd5: {  	[tilespmem:s28+$0x7FC0] =	vst v3;
	v3 =	vmul.f32 v60, v2  }
0xd6: {  	[tilespmem:s28+$0x7FB0] =	vst v62;
	v2 =	vmul.f32 v61, v2  }
0xd7: {  	[tilespmem:s28+$0x7FE0] =	vst v3  }
0xd8: {  	s26 =	sadd.s32 $0x1, s26;
	[tilespmem:s28+$0x7FF0] =	vst v2  }
0xd9: {  	s24 =	sadd.s32 $0x1, s24  }
0xda: {  	p1 =	sne.s32 s24, $0x4F  }
.Ltmp2:
0xdb: {  	s25 =	sadd.s32 $0x2800, s25;
	(pc) =	sbr.rel @p1 .LBB2_4-.Ltmp2, $4  }
0xdc: {  	[spmem:s2] =	stream.indirect.scatter.add.f32 [tilespmem:s20], [sflag:$0x2], $0x80, s25, s21, $0xb8;
	[tilespmem:$0x1F080] =	vst v63  }
0xdd: {  	_ =	swait.ge [sflag:s18], $0x4000  }
0xde: {  	[sflag:s18] =	ssyncset.done $0x0  }
0xdf: {  	[sflag:s18] =	ssyncadd.s32 $0xFFFFC000  }
0xe0: {  	s24 =	sshll.u32 s3, $0x6  }
0xe1: {  	[bflag:$0x0] =	sbarrier.arrive $0xFFFF;
	s25 =	sshrl.u32 s7, $0x3;
	s24 =	sor.u32 $0x1C02, s24  }
0xe2: {  	[hbm:s14], [sflag:s24] =	dma.local [spmem:s25], $0x2700  }
0xe3: {  	_ =	swait.ge [sflag:s18], $0x2700  }
0xe4: {  	s23 =	sadd.s32 $0x1, s23;
	[sflag:s18] =	ssyncset.done $0x0  }
0xe5: {  	p1 =	sne.s32 s23, s16;
	s25 =	sshrl.u32 @!p0 s13, $0x3;
	[sflag:s18] =	ssyncadd.s32 $0xFFFFD900  }
0xe6: {  	[hbm:s15], [sflag:s24] =	dma.local @!p0 [spmem:s25], $0x100  }
.Ltmp3:
0xe7: {  	_ = 	snop;
	(pc) =	sbr.rel @p1 .LBB2_1-.Ltmp3, $4  }
0xe8: {  	s24 =	simm.s32 @!p0 $0x2  }
0xe9: {  	_ =	swait.ge @!p0 [sflag:s24], $0x100  }
0xea: {  	[sflag:s24] =	ssyncset.done @!p0 $0x0  }
0xeb: {  	[sflag:s24] =	ssyncadd.s32 @!p0 $0xFFFFFF00  }
0xec: {  	_ =	sfence.sel $0x180000  }
0xed: {  	[bflag:$0x0] =	sbarrier.arrive $0xFFFF  }
0xee: {  	_ =	strace $0x90000047  }
0xef: {  	s0 =	sadd.s32 @!p0 $0x100000, s1;
	[bflag:$0x2] =	sbarrier.arrive $0xFFFF  }
0xf0: {  	[sflag:s0] =	ssyncadd.tile.s32 @!p0 $0x1;
	_ =	shalt  }
.Lfunc_end2:
_tile_overlayer_lowered:
.L_overlay_start_2:
0xf1: {  	(tag) =	ssettag $0x2  }
0xf2: {  	s0 =	rddreg [dreg:$0x0];
	s2 =	stileid.u32  }
0xf3: {  	s1 =	rddreg [dreg:$0x1];
	p0 =	sne.s32 s2, $0x0  }
0xf4: {  	s3 =	rddreg [dreg:$0x2];
	[bflag:$0x3] =	sbarrier.arrive $0xFFFF;
	s2 =	simm.s32 @!p0 $0x1C02  }
0xf5: {  	[timem:s3], [sflag:s2] =	dma.local @!p0 [hbm:s0], s1  }
0xf6: {  	s0 =	simm.s32 @!p0 $0x2  }
0xf7: {  	_ =	swait.ge @!p0 [sflag:s0], s1  }
0xf8: {  	s1 =	ssub.s32 @!p0 $0x0, s1;
	[sflag:s0] =	ssyncset.done @!p0 $0x0  }
0xf9: {  	[sflag:s0] =	ssyncadd.s32 @!p0 s1  }
0xfa: {  	[bflag:$0x3] =	sbarrier.arrive $0xFFFF  }
0xfb: {  	_ =	shalt  }

</sc_bundles>
